<compile_context>
chip_gen: v7x
topology: tpu7x:2x2x1
jax: 0.10.2.dev20260603
libtpu: 0.0.44.dev20260713+nightly
codegen_flags: <defaults>
</compile_context>

<pallas_src>
import functools

import jax
import jax.numpy as jnp
from jax import lax
from jax.experimental import pallas as pl
from jax.experimental.pallas import tpu as pltpu
from jax.experimental.pallas import tpu_sc as plsc

_VOCAB = 8
_DIM = 16
_OUT = 8
_B = 16384
_SEQ = 200
_N = _B * _SEQ
_NW = 32
_PER_W = _N // _NW
_K = 4
_CHUNK = _K * 1024
_NCH = _PER_W // _CHUNK
_CPL = 128 // _K
_L = 16
_LSTRIDE = _B * _OUT

_mesh = plsc.VectorSubcoreMesh(core_axis_name="c", subcore_axis_name="s")


@functools.partial(
    pl.kernel,
    out_type=jax.ShapeDtypeStruct((_N * _OUT,), jnp.float32),
    mesh=_mesh,
    compiler_params=pltpu.CompilerParams(
        needs_layout_passes=False, use_tc_tiling_on_sc=False),
    scratch_types=[
        pltpu.VMEM((_VOCAB, _DIM), jnp.float32),
        pltpu.VMEM((_VOCAB, _DIM), jnp.float32),
        pltpu.VMEM((_L,), jnp.float32),
        pltpu.VMEM((_OUT, _VOCAB), jnp.float32),
        pltpu.VMEM((_CHUNK,), jnp.int32),
        pltpu.VMEM((_CHUNK,), jnp.int32),
        pltpu.VMEM((_CHUNK * _OUT,), jnp.float32),
        pltpu.VMEM((_CHUNK * _OUT,), jnp.float32),
        pltpu.SemaphoreType.DMA,
        pltpu.SemaphoreType.DMA,
        pltpu.SemaphoreType.DMA,
        pltpu.SemaphoreType.DMA,
    ],
)
def _sc_lookup(emb_hbm, fcw_hbm, fcb_hbm, xt_hbm, out_hbm,
               emb_v, fcw_v, fcb_v, tab_v,
               idx0, idx1, rows0, rows1, sin0, sin1, sout0, sout1):
    idx = (idx0, idx1)
    rows = (rows0, rows1)
    sin = (sin0, sin1)
    sout = (sout0, sout1)
    wid = lax.axis_index("s") * 2 + lax.axis_index("c")
    base_w = wid * _NCH

    def in_src(g):
        return xt_hbm.at[pl.ds((base_w + g) * _CHUNK, _CHUNK)]

    for b in range(2):
        pltpu.async_copy(in_src(b), idx[b], sin[b])

    pltpu.sync_copy(emb_hbm, emb_v)
    pltpu.sync_copy(fcw_hbm, fcw_v)
    pltpu.sync_copy(fcb_hbm, fcb_v)

    iota = lax.iota(jnp.int32, _L)

    def splat(val):
        return jnp.broadcast_to(jnp.int32(val), (_L,))

    for j in range(4):
        p = iota + splat(j * _L)
        v_idx = lax.shift_right_logical(p, splat(3))
        k_idx = jnp.bitwise_and(p, splat(7))

        def mac_d(d, acc):
            dd = jnp.broadcast_to(d, (_L,))
            wv = plsc.load_gather(fcw_v, [v_idx, dd])
            ek = plsc.load_gather(emb_v, [k_idx, dd])
            return acc + wv * ek

        acc = lax.fori_loop(0, _DIM, mac_d, plsc.load_gather(fcb_v, [v_idx]))
        plsc.store_scatter(tab_v, [v_idx, k_idx], acc)

    def start_out(g, b):
        u = base_w + g
        l_hi = u // _CPL
        bh0 = (u % _CPL) * _K
        base = l_hi * 8 * _LSTRIDE + bh0 * 1024
        for l_lo in range(8):
            pltpu.async_copy(
                rows[b].at[pl.ds(l_lo * (_K * 1024), _K * 1024)],
                out_hbm.at[pl.ds(base + l_lo * _LSTRIDE, _K * 1024)],
                sout[b])

    def drain_out(b):
        pltpu.make_async_copy(
            rows[b], out_hbm.at[pl.ds(0, _CHUNK * _OUT)], sout[b]).wait()

    def do_chunk(g, b, first, last, unroll=4):
        pltpu.make_async_copy(in_src(g), idx[b], sin[b]).wait()

        if not first:
            drain_out(b)

        @plsc.parallel_loop(0, _CHUNK, step=_L, unroll=unroll)
        def _tok_body(i):
            tok = idx[b][pl.ds(i, _L)]
            pos = (((i >> 7) & 7) * (_K * 1024)) | ((i >> 10) << 10) | (i & 127)
            for v in range(_OUT):
                r = plsc.load_gather(tab_v, [splat(v), tok])
                rows[b][pl.ds(pos + v * 128, _L)] = r

        start_out(g, b)

        if not last:
            @pl.when(g + 2 < _NCH)
            def _next_in():
                pltpu.async_copy(in_src(g + 2), idx[b], sin[b])

    def pair_body(p, carry):
        for b in range(2):
            g = p * 2 + b
            do_chunk(g, b, first=False, last=False, unroll=8)
        return carry

    do_chunk(0, 0, first=True, last=False)
    do_chunk(1, 1, first=True, last=False)
    lax.fori_loop(1, (_NCH - 1) // 2, pair_body, 0)
    do_chunk(_NCH - 1, 0, first=False, last=True)

    for b in range(2):
        drain_out(b)


def kernel(x, embedding, fc_w, fc_b):
    x_feed = x.reshape(128, 128, 25, 8).transpose(2, 0, 3, 1).reshape(-1)
    fcb_pad = jnp.pad(fc_b, (0, _L - _VOCAB))
    flat = _sc_lookup(embedding, fc_w, fcb_pad, x_feed)
    r4 = flat.reshape(_SEQ, _B // 128, _OUT, 128)
    return r4.transpose(1, 3, 0, 2).reshape(_B, _SEQ, _OUT)

# --- scband reference (transcript-rebuilt; emitter-appended) ---
"""Pipeline reference for scband-tiny-transformer-75677323755793 (READ-ONLY COPY).

The authoritative reference and input builder live on the scoring server;
editing this copy changes nothing except your own understanding.
"""

import jax, jax.numpy as jnp
import numpy as np

VOCAB_SIZE = 8
EMBEDDING_DIM = 16

def setup_inputs(seed: int = 0) -> dict:
    key = jax.random.key(seed)
    k1, k2, k3, k4 = jax.random.split(key, 4)
    x = jax.random.randint(k1, (16384, 200), 0, VOCAB_SIZE, dtype=jnp.int32)
    # learned params: embedding table and fc (Linear) weights, sized per module
    embedding = jax.random.normal(k2, (VOCAB_SIZE, EMBEDDING_DIM), dtype=jnp.float32)
    # torch Linear: weight [out_features, in_features], bias [out_features]
    bound = 1.0 / np.sqrt(EMBEDDING_DIM)
    fc_w = jax.random.uniform(k3, (VOCAB_SIZE, EMBEDDING_DIM), dtype=jnp.float32, minval=-bound, maxval=bound)
    fc_b = jax.random.uniform(k4, (VOCAB_SIZE,), dtype=jnp.float32, minval=-bound, maxval=bound)
    return {"x": x, "embedding": embedding, "fc_w": fc_w, "fc_b": fc_b}

def reference(x, embedding, fc_w, fc_b):
    # x: int[B, L] token ids
    # embedding lookup (gather rows)
    e = jnp.take(embedding, x, axis=0)            # [B, L, EMBEDDING_DIM]
    # linear projection to vocab logits: e @ W^T + b
    logits = jnp.einsum('bld,vd->blv', e, fc_w) + fc_b  # [B, L, VOCAB_SIZE]
    return logits

if __name__ == "__main__":
    import jax
    _d = setup_inputs()
    print(jax.jit(kernel)(*tuple(_d.values())))

</pallas_src>

<mosaic_0001>
#map = affine_map<(d0, d1) -> (0, 0)>
#map1 = affine_map<(d0, d1) -> (0)>
module attributes {stable_mosaic.version = 14 : i64} {
  func.func @_sc_lookup(%arg0: i32, %arg1: i32, %arg2: memref<8x16xf32, #tpu.memory_space<hbm>>, %arg3: memref<8x16xf32, #tpu.memory_space<hbm>>, %arg4: memref<16xf32, #tpu.memory_space<hbm>>, %arg5: memref<3276800xi32, #tpu.memory_space<hbm>>, %arg6: memref<26214400xf32, #tpu.memory_space<hbm>>, %arg7: memref<8x16xf32, #tpu.memory_space<vmem>>, %arg8: memref<8x16xf32, #tpu.memory_space<vmem>>, %arg9: memref<16xf32, #tpu.memory_space<vmem>>, %arg10: memref<8x8xf32, #tpu.memory_space<vmem>>, %arg11: memref<4096xi32, #tpu.memory_space<vmem>>, %arg12: memref<4096xi32, #tpu.memory_space<vmem>>, %arg13: memref<32768xf32, #tpu.memory_space<vmem>>, %arg14: memref<32768xf32, #tpu.memory_space<vmem>>, %arg15: memref<!tpu.dma_semaphore, #tpu.memory_space<semaphore_mem>>, %arg16: memref<!tpu.dma_semaphore, #tpu.memory_space<semaphore_mem>>, %arg17: memref<!tpu.dma_semaphore, #tpu.memory_space<semaphore_mem>>, %arg18: memref<!tpu.dma_semaphore, #tpu.memory_space<semaphore_mem>>) attributes {dimension_semantics = [#tpu.dimension_semantics<core_parallel>, #tpu.dimension_semantics<subcore_parallel>], iteration_bounds = array<i64: 2, 16>, scalar_prefetch = 0 : i64, scratch_operands = 12 : i64, tpu.core_type = #tpu.core_type<sc_vector_subcore>, window_params = [{transform_indices = #map}, {transform_indices = #map}, {transform_indices = #map1}, {transform_indices = #map1}, {transform_indices = #map1}]} {
    %mul3A = arith.constant 2 : i32
    %mul3A_0 = arith.muli %arg1, %mul3A : i32
    %add3A = arith.addi %mul3A_0, %arg0 : i32
    %mul3A_1 = arith.constant 25 : i32
    %mul3A_2 = arith.muli %add3A, %mul3A_1 : i32
    %add3A_3 = arith.constant 0 : i32
    %add3A_4 = arith.addi %mul3A_2, %add3A_3 : i32
    %mul3A_5 = arith.constant 4096 : i32
    %mul3A_6 = arith.muli %add3A_4, %mul3A_5 : i32
    %dma_start3A = tpu.memref_slice %arg5[%mul3A_6] : memref<3276800xi32, #tpu.memory_space<hbm>> -> memref<4096xi32, #tpu.memory_space<hbm>>
    %dma_start3A_7 = tpu.memref_slice %arg5[%mul3A_6] : memref<3276800xi32, #tpu.memory_space<hbm>> -> memref<4096xi32, #tpu.memory_space<hbm>>
    tpu.enqueue_dma source(%dma_start3A_7 : memref<4096xi32, #tpu.memory_space<hbm>>) target(%arg11 : memref<4096xi32, #tpu.memory_space<vmem>>) target_semaphore(%arg15 : memref<!tpu.dma_semaphore, #tpu.memory_space<semaphore_mem>>)
    %add3A_8 = arith.constant 1 : i32
    %add3A_9 = arith.addi %mul3A_2, %add3A_8 : i32
    %mul3A_10 = arith.constant 4096 : i32
    %mul3A_11 = arith.muli %add3A_9, %mul3A_10 : i32
    %dma_start3A_12 = tpu.memref_slice %arg5[%mul3A_11] : memref<3276800xi32, #tpu.memory_space<hbm>> -> memref<4096xi32, #tpu.memory_space<hbm>>
    %dma_start3A_13 = tpu.memref_slice %arg5[%mul3A_11] : memref<3276800xi32, #tpu.memory_space<hbm>> -> memref<4096xi32, #tpu.memory_space<hbm>>
    tpu.enqueue_dma source(%dma_start3A_13 : memref<4096xi32, #tpu.memory_space<hbm>>) target(%arg12 : memref<4096xi32, #tpu.memory_space<vmem>>) target_semaphore(%arg16 : memref<!tpu.dma_semaphore, #tpu.memory_space<semaphore_mem>>)
    "tpu.region"() ({
      %run_scoped3A = tpu.sem_alloc : memref<!tpu.dma_semaphore, #tpu.memory_space<semaphore_mem>>
      tpu.enqueue_dma source(%arg2 : memref<8x16xf32, #tpu.memory_space<hbm>>) target(%arg7 : memref<8x16xf32, #tpu.memory_space<vmem>>) target_semaphore(%run_scoped3A : memref<!tpu.dma_semaphore, #tpu.memory_space<semaphore_mem>>)
      tpu.wait_dma2 semaphore(%run_scoped3A : memref<!tpu.dma_semaphore, #tpu.memory_space<semaphore_mem>>) src(%arg2 : memref<8x16xf32, #tpu.memory_space<hbm>>) dst(%arg7 : memref<8x16xf32, #tpu.memory_space<vmem>>)
      tpu.yield
    }) : () -> ()
    "tpu.region"() ({
      %run_scoped3A = tpu.sem_alloc : memref<!tpu.dma_semaphore, #tpu.memory_space<semaphore_mem>>
      tpu.enqueue_dma source(%arg3 : memref<8x16xf32, #tpu.memory_space<hbm>>) target(%arg8 : memref<8x16xf32, #tpu.memory_space<vmem>>) target_semaphore(%run_scoped3A : memref<!tpu.dma_semaphore, #tpu.memory_space<semaphore_mem>>)
      tpu.wait_dma2 semaphore(%run_scoped3A : memref<!tpu.dma_semaphore, #tpu.memory_space<semaphore_mem>>) src(%arg3 : memref<8x16xf32, #tpu.memory_space<hbm>>) dst(%arg8 : memref<8x16xf32, #tpu.memory_space<vmem>>)
      tpu.yield
    }) : () -> ()
    "tpu.region"() ({
      %run_scoped3A = tpu.sem_alloc : memref<!tpu.dma_semaphore, #tpu.memory_space<semaphore_mem>>
      tpu.enqueue_dma source(%arg4 : memref<16xf32, #tpu.memory_space<hbm>>) target(%arg9 : memref<16xf32, #tpu.memory_space<vmem>>) target_semaphore(%run_scoped3A : memref<!tpu.dma_semaphore, #tpu.memory_space<semaphore_mem>>)
      tpu.wait_dma2 semaphore(%run_scoped3A : memref<!tpu.dma_semaphore, #tpu.memory_space<semaphore_mem>>) src(%arg4 : memref<16xf32, #tpu.memory_space<hbm>>) dst(%arg9 : memref<16xf32, #tpu.memory_space<vmem>>)
      tpu.yield
    }) : () -> ()
    %iota3A = tpu.iota {dimensions = array<i32: 0>} : vector<16xi32>
    %broadcast_in_dim3A = arith.constant 0 : i32
    %broadcast_in_dim3A_14 = vector.broadcast %broadcast_in_dim3A : i32 to vector<16xi32>
    %add3A_15 = arith.addi %iota3A, %broadcast_in_dim3A_14 : vector<16xi32>
    %broadcast_in_dim3A_16 = arith.constant 3 : i32
    %broadcast_in_dim3A_17 = vector.broadcast %broadcast_in_dim3A_16 : i32 to vector<16xi32>
    %shift_right_logical3A = arith.shrui %add3A_15, %broadcast_in_dim3A_17 : vector<16xi32>
    %broadcast_in_dim3A_18 = arith.constant 7 : i32
    %broadcast_in_dim3A_19 = vector.broadcast %broadcast_in_dim3A_18 : i32 to vector<16xi32>
    %and3A = arith.andi %add3A_15, %broadcast_in_dim3A_19 : vector<16xi32>
    %gather3A = tpu.vector_load_idx %arg9[%shift_right_logical3A] : memref<16xf32, #tpu.memory_space<vmem>>[vector<16xi32>], vector<16xf32>,
    %scan3A = arith.constant 0 : i32
    %scan3A_20 = arith.constant 16 : i32
    %scan3A_21 = arith.addi %scan3A, %scan3A_20 : i32
    %scan3A_22 = arith.constant 1 : i32
    %scan3A_23 = scf.for %scan3A_464 = %scan3A to %scan3A_21 step %scan3A_22 iter_args(%scan3A_465 = %gather3A) -> (vector<16xf32>)  : i32 {
      %broadcast_in_dim3A_466 = vector.broadcast %scan3A_464 : i32 to vector<16xi32>
      %gather3A_467 = tpu.vector_load_idx %arg8[%shift_right_logical3A, %broadcast_in_dim3A_466] : memref<8x16xf32, #tpu.memory_space<vmem>>[vector<16xi32>, vector<16xi32>], vector<16xf32>,
      %gather3A_468 = tpu.vector_load_idx %arg7[%and3A, %broadcast_in_dim3A_466] : memref<8x16xf32, #tpu.memory_space<vmem>>[vector<16xi32>, vector<16xi32>], vector<16xf32>,
      %mul3A_469 = arith.mulf %gather3A_467, %gather3A_468 : vector<16xf32>
      %add3A_470 = arith.addf %scan3A_465, %mul3A_469 : vector<16xf32>
      scf.yield %add3A_470 : vector<16xf32>
    }
    %scan3A_24 = arith.constant 16 : i32
    tpu.vector_store_idx %arg10[%shift_right_logical3A, %and3A], %scan3A_23 : memref<8x8xf32, #tpu.memory_space<vmem>>[vector<16xi32>, vector<16xi32>], vector<16xf32>,
    %broadcast_in_dim3A_25 = arith.constant 16 : i32
    %broadcast_in_dim3A_26 = vector.broadcast %broadcast_in_dim3A_25 : i32 to vector<16xi32>
    %add3A_27 = arith.addi %iota3A, %broadcast_in_dim3A_26 : vector<16xi32>
    %broadcast_in_dim3A_28 = arith.constant 3 : i32
    %broadcast_in_dim3A_29 = vector.broadcast %broadcast_in_dim3A_28 : i32 to vector<16xi32>
    %shift_right_logical3A_30 = arith.shrui %add3A_27, %broadcast_in_dim3A_29 : vector<16xi32>
    %broadcast_in_dim3A_31 = arith.constant 7 : i32
    %broadcast_in_dim3A_32 = vector.broadcast %broadcast_in_dim3A_31 : i32 to vector<16xi32>
    %and3A_33 = arith.andi %add3A_27, %broadcast_in_dim3A_32 : vector<16xi32>
    %gather3A_34 = tpu.vector_load_idx %arg9[%shift_right_logical3A_30] : memref<16xf32, #tpu.memory_space<vmem>>[vector<16xi32>], vector<16xf32>,
    %scan3A_35 = arith.constant 0 : i32
    %scan3A_36 = arith.constant 16 : i32
    %scan3A_37 = arith.addi %scan3A_35, %scan3A_36 : i32
    %scan3A_38 = arith.constant 1 : i32
    %scan3A_39 = scf.for %scan3A_464 = %scan3A_35 to %scan3A_37 step %scan3A_38 iter_args(%scan3A_465 = %gather3A_34) -> (vector<16xf32>)  : i32 {
      %broadcast_in_dim3A_466 = vector.broadcast %scan3A_464 : i32 to vector<16xi32>
      %gather3A_467 = tpu.vector_load_idx %arg8[%shift_right_logical3A_30, %broadcast_in_dim3A_466] : memref<8x16xf32, #tpu.memory_space<vmem>>[vector<16xi32>, vector<16xi32>], vector<16xf32>,
      %gather3A_468 = tpu.vector_load_idx %arg7[%and3A_33, %broadcast_in_dim3A_466] : memref<8x16xf32, #tpu.memory_space<vmem>>[vector<16xi32>, vector<16xi32>], vector<16xf32>,
      %mul3A_469 = arith.mulf %gather3A_467, %gather3A_468 : vector<16xf32>
      %add3A_470 = arith.addf %scan3A_465, %mul3A_469 : vector<16xf32>
      scf.yield %add3A_470 : vector<16xf32>
    }
    %scan3A_40 = arith.constant 16 : i32
    tpu.vector_store_idx %arg10[%shift_right_logical3A_30, %and3A_33], %scan3A_39 : memref<8x8xf32, #tpu.memory_space<vmem>>[vector<16xi32>, vector<16xi32>], vector<16xf32>,
    %broadcast_in_dim3A_41 = arith.constant 32 : i32
    %broadcast_in_dim3A_42 = vector.broadcast %broadcast_in_dim3A_41 : i32 to vector<16xi32>
    %add3A_43 = arith.addi %iota3A, %broadcast_in_dim3A_42 : vector<16xi32>
    %broadcast_in_dim3A_44 = arith.constant 3 : i32
    %broadcast_in_dim3A_45 = vector.broadcast %broadcast_in_dim3A_44 : i32 to vector<16xi32>
    %shift_right_logical3A_46 = arith.shrui %add3A_43, %broadcast_in_dim3A_45 : vector<16xi32>
    %broadcast_in_dim3A_47 = arith.constant 7 : i32
    %broadcast_in_dim3A_48 = vector.broadcast %broadcast_in_dim3A_47 : i32 to vector<16xi32>
    %and3A_49 = arith.andi %add3A_43, %broadcast_in_dim3A_48 : vector<16xi32>
    %gather3A_50 = tpu.vector_load_idx %arg9[%shift_right_logical3A_46] : memref<16xf32, #tpu.memory_space<vmem>>[vector<16xi32>], vector<16xf32>,
    %scan3A_51 = arith.constant 0 : i32
    %scan3A_52 = arith.constant 16 : i32
    %scan3A_53 = arith.addi %scan3A_51, %scan3A_52 : i32
    %scan3A_54 = arith.constant 1 : i32
    %scan3A_55 = scf.for %scan3A_464 = %scan3A_51 to %scan3A_53 step %scan3A_54 iter_args(%scan3A_465 = %gather3A_50) -> (vector<16xf32>)  : i32 {
      %broadcast_in_dim3A_466 = vector.broadcast %scan3A_464 : i32 to vector<16xi32>
      %gather3A_467 = tpu.vector_load_idx %arg8[%shift_right_logical3A_46, %broadcast_in_dim3A_466] : memref<8x16xf32, #tpu.memory_space<vmem>>[vector<16xi32>, vector<16xi32>], vector<16xf32>,
      %gather3A_468 = tpu.vector_load_idx %arg7[%and3A_49, %broadcast_in_dim3A_466] : memref<8x16xf32, #tpu.memory_space<vmem>>[vector<16xi32>, vector<16xi32>], vector<16xf32>,
      %mul3A_469 = arith.mulf %gather3A_467, %gather3A_468 : vector<16xf32>
      %add3A_470 = arith.addf %scan3A_465, %mul3A_469 : vector<16xf32>
      scf.yield %add3A_470 : vector<16xf32>
    }
    %scan3A_56 = arith.constant 16 : i32
    tpu.vector_store_idx %arg10[%shift_right_logical3A_46, %and3A_49], %scan3A_55 : memref<8x8xf32, #tpu.memory_space<vmem>>[vector<16xi32>, vector<16xi32>], vector<16xf32>,
    %broadcast_in_dim3A_57 = arith.constant 48 : i32
    %broadcast_in_dim3A_58 = vector.broadcast %broadcast_in_dim3A_57 : i32 to vector<16xi32>
    %add3A_59 = arith.addi %iota3A, %broadcast_in_dim3A_58 : vector<16xi32>
    %broadcast_in_dim3A_60 = arith.constant 3 : i32
    %broadcast_in_dim3A_61 = vector.broadcast %broadcast_in_dim3A_60 : i32 to vector<16xi32>
    %shift_right_logical3A_62 = arith.shrui %add3A_59, %broadcast_in_dim3A_61 : vector<16xi32>
    %broadcast_in_dim3A_63 = arith.constant 7 : i32
    %broadcast_in_dim3A_64 = vector.broadcast %broadcast_in_dim3A_63 : i32 to vector<16xi32>
    %and3A_65 = arith.andi %add3A_59, %broadcast_in_dim3A_64 : vector<16xi32>
    %gather3A_66 = tpu.vector_load_idx %arg9[%shift_right_logical3A_62] : memref<16xf32, #tpu.memory_space<vmem>>[vector<16xi32>], vector<16xf32>,
    %scan3A_67 = arith.constant 0 : i32
    %scan3A_68 = arith.constant 16 : i32
    %scan3A_69 = arith.addi %scan3A_67, %scan3A_68 : i32
    %scan3A_70 = arith.constant 1 : i32
    %scan3A_71 = scf.for %scan3A_464 = %scan3A_67 to %scan3A_69 step %scan3A_70 iter_args(%scan3A_465 = %gather3A_66) -> (vector<16xf32>)  : i32 {
      %broadcast_in_dim3A_466 = vector.broadcast %scan3A_464 : i32 to vector<16xi32>
      %gather3A_467 = tpu.vector_load_idx %arg8[%shift_right_logical3A_62, %broadcast_in_dim3A_466] : memref<8x16xf32, #tpu.memory_space<vmem>>[vector<16xi32>, vector<16xi32>], vector<16xf32>,
      %gather3A_468 = tpu.vector_load_idx %arg7[%and3A_65, %broadcast_in_dim3A_466] : memref<8x16xf32, #tpu.memory_space<vmem>>[vector<16xi32>, vector<16xi32>], vector<16xf32>,
      %mul3A_469 = arith.mulf %gather3A_467, %gather3A_468 : vector<16xf32>
      %add3A_470 = arith.addf %scan3A_465, %mul3A_469 : vector<16xf32>
      scf.yield %add3A_470 : vector<16xf32>
    }
    %scan3A_72 = arith.constant 16 : i32
    tpu.vector_store_idx %arg10[%shift_right_logical3A_62, %and3A_65], %scan3A_71 : memref<8x8xf32, #tpu.memory_space<vmem>>[vector<16xi32>, vector<16xi32>], vector<16xf32>,
    %add3A_73 = arith.constant 0 : i32
    %add3A_74 = arith.addi %mul3A_2, %add3A_73 : i32
    %mul3A_75 = arith.constant 4096 : i32
    %mul3A_76 = arith.muli %add3A_74, %mul3A_75 : i32
    %dma_wait3A = tpu.memref_slice %arg5[%mul3A_76] : memref<3276800xi32, #tpu.memory_space<hbm>> -> memref<4096xi32, #tpu.memory_space<hbm>>
    %dma_wait3A_77 = tpu.memref_slice %arg5[%mul3A_76] : memref<3276800xi32, #tpu.memory_space<hbm>> -> memref<4096xi32, #tpu.memory_space<hbm>>
    tpu.wait_dma2 semaphore(%arg15 : memref<!tpu.dma_semaphore, #tpu.memory_space<semaphore_mem>>) src(%dma_wait3A_77 : memref<4096xi32, #tpu.memory_space<hbm>>) dst(%arg11 : memref<4096xi32, #tpu.memory_space<vmem>>)
    %parallel_loop3A = arith.constant 0 : i32
    %parallel_loop3A_78 = arith.constant 4096 : i32
    %parallel_loop3A_79 = arith.constant 16 : i32
    scf.for %parallel_loop3A_464 = %parallel_loop3A to %parallel_loop3A_78 step %parallel_loop3A_79  : i32 {
      %parallel_loop3A_465 = arith.index_cast %parallel_loop3A_464 : i32 to index
      %parallel_loop3A_466 = tpu.vector_load %arg11[%parallel_loop3A_465] {strides = array<i32>} : memref<4096xi32, #tpu.memory_space<vmem>>, vector<16xi32>,
      %parallel_loop3A_467 = arith.constant 7 : i32
      %parallel_loop3A_468 = arith.shrsi %parallel_loop3A_464, %parallel_loop3A_467 : i32
      %parallel_loop3A_469 = arith.constant 7 : i32
      %parallel_loop3A_470 = arith.andi %parallel_loop3A_468, %parallel_loop3A_469 : i32
      %parallel_loop3A_471 = arith.constant 4096 : i32
      %parallel_loop3A_472 = arith.muli %parallel_loop3A_470, %parallel_loop3A_471 : i32
      %parallel_loop3A_473 = arith.constant 10 : i32
      %parallel_loop3A_474 = arith.shrsi %parallel_loop3A_464, %parallel_loop3A_473 : i32
      %parallel_loop3A_475 = arith.constant 10 : i32
      %parallel_loop3A_476 = arith.shli %parallel_loop3A_474, %parallel_loop3A_475 : i32
      %parallel_loop3A_477 = arith.ori %parallel_loop3A_472, %parallel_loop3A_476 : i32
      %parallel_loop3A_478 = arith.constant 127 : i32
      %parallel_loop3A_479 = arith.andi %parallel_loop3A_464, %parallel_loop3A_478 : i32
      %parallel_loop3A_480 = arith.ori %parallel_loop3A_477, %parallel_loop3A_479 : i32
      %parallel_loop3A_481 = arith.constant 0 : i32
      %parallel_loop3A_482 = vector.broadcast %parallel_loop3A_481 : i32 to vector<16xi32>
      %parallel_loop3A_483 = tpu.vector_load_idx %arg10[%parallel_loop3A_482, %parallel_loop3A_466] : memref<8x8xf32, #tpu.memory_space<vmem>>[vector<16xi32>, vector<16xi32>], vector<16xf32>,
      %parallel_loop3A_484 = arith.constant 0 : i32
      %parallel_loop3A_485 = arith.addi %parallel_loop3A_480, %parallel_loop3A_484 : i32
      %parallel_loop3A_486 = arith.index_cast %parallel_loop3A_485 : i32 to index
      %parallel_loop3A_487 = tpu.vector_load %arg13[%parallel_loop3A_486] {strides = array<i32>} : memref<32768xf32, #tpu.memory_space<vmem>>, vector<16xf32>,
      tpu.vector_store %arg13[%parallel_loop3A_486], %parallel_loop3A_483 {strides = array<i32>} : memref<32768xf32, #tpu.memory_space<vmem>>, vector<16xf32>,
      %parallel_loop3A_488 = arith.constant 1 : i32
      %parallel_loop3A_489 = vector.broadcast %parallel_loop3A_488 : i32 to vector<16xi32>
      %parallel_loop3A_490 = tpu.vector_load_idx %arg10[%parallel_loop3A_489, %parallel_loop3A_466] : memref<8x8xf32, #tpu.memory_space<vmem>>[vector<16xi32>, vector<16xi32>], vector<16xf32>,
      %parallel_loop3A_491 = arith.constant 128 : i32
      %parallel_loop3A_492 = arith.addi %parallel_loop3A_480, %parallel_loop3A_491 : i32
      %parallel_loop3A_493 = arith.index_cast %parallel_loop3A_492 : i32 to index
      %parallel_loop3A_494 = tpu.vector_load %arg13[%parallel_loop3A_493] {strides = array<i32>} : memref<32768xf32, #tpu.memory_space<vmem>>, vector<16xf32>,
      tpu.vector_store %arg13[%parallel_loop3A_493], %parallel_loop3A_490 {strides = array<i32>} : memref<32768xf32, #tpu.memory_space<vmem>>, vector<16xf32>,
      %parallel_loop3A_495 = arith.constant 2 : i32
      %parallel_loop3A_496 = vector.broadcast %parallel_loop3A_495 : i32 to vector<16xi32>
      %parallel_loop3A_497 = tpu.vector_load_idx %arg10[%parallel_loop3A_496, %parallel_loop3A_466] : memref<8x8xf32, #tpu.memory_space<vmem>>[vector<16xi32>, vector<16xi32>], vector<16xf32>,
      %parallel_loop3A_498 = arith.constant 256 : i32
      %parallel_loop3A_499 = arith.addi %parallel_loop3A_480, %parallel_loop3A_498 : i32
      %parallel_loop3A_500 = arith.index_cast %parallel_loop3A_499 : i32 to index
      %parallel_loop3A_501 = tpu.vector_load %arg13[%parallel_loop3A_500] {strides = array<i32>} : memref<32768xf32, #tpu.memory_space<vmem>>, vector<16xf32>,
      tpu.vector_store %arg13[%parallel_loop3A_500], %parallel_loop3A_497 {strides = array<i32>} : memref<32768xf32, #tpu.memory_space<vmem>>, vector<16xf32>,
      %parallel_loop3A_502 = arith.constant 3 : i32
      %parallel_loop3A_503 = vector.broadcast %parallel_loop3A_502 : i32 to vector<16xi32>
      %parallel_loop3A_504 = tpu.vector_load_idx %arg10[%parallel_loop3A_503, %parallel_loop3A_466] : memref<8x8xf32, #tpu.memory_space<vmem>>[vector<16xi32>, vector<16xi32>], vector<16xf32>,
      %parallel_loop3A_505 = arith.constant 384 : i32
      %parallel_loop3A_506 = arith.addi %parallel_loop3A_480, %parallel_loop3A_505 : i32
      %parallel_loop3A_507 = arith.index_cast %parallel_loop3A_506 : i32 to index
      %parallel_loop3A_508 = tpu.vector_load %arg13[%parallel_loop3A_507] {strides = array<i32>} : memref<32768xf32, #tpu.memory_space<vmem>>, vector<16xf32>,
      tpu.vector_store %arg13[%parallel_loop3A_507], %parallel_loop3A_504 {strides = array<i32>} : memref<32768xf32, #tpu.memory_space<vmem>>, vector<16xf32>,
      %parallel_loop3A_509 = arith.constant 4 : i32
      %parallel_loop3A_510 = vector.broadcast %parallel_loop3A_509 : i32 to vector<16xi32>
      %parallel_loop3A_511 = tpu.vector_load_idx %arg10[%parallel_loop3A_510, %parallel_loop3A_466] : memref<8x8xf32, #tpu.memory_space<vmem>>[vector<16xi32>, vector<16xi32>], vector<16xf32>,
      %parallel_loop3A_512 = arith.constant 512 : i32
      %parallel_loop3A_513 = arith.addi %parallel_loop3A_480, %parallel_loop3A_512 : i32
      %parallel_loop3A_514 = arith.index_cast %parallel_loop3A_513 : i32 to index
      %parallel_loop3A_515 = tpu.vector_load %arg13[%parallel_loop3A_514] {strides = array<i32>} : memref<32768xf32, #tpu.memory_space<vmem>>, vector<16xf32>,
      tpu.vector_store %arg13[%parallel_loop3A_514], %parallel_loop3A_511 {strides = array<i32>} : memref<32768xf32, #tpu.memory_space<vmem>>, vector<16xf32>,
      %parallel_loop3A_516 = arith.constant 5 : i32
      %parallel_loop3A_517 = vector.broadcast %parallel_loop3A_516 : i32 to vector<16xi32>
      %parallel_loop3A_518 = tpu.vector_load_idx %arg10[%parallel_loop3A_517, %parallel_loop3A_466] : memref<8x8xf32, #tpu.memory_space<vmem>>[vector<16xi32>, vector<16xi32>], vector<16xf32>,
      %parallel_loop3A_519 = arith.constant 640 : i32
      %parallel_loop3A_520 = arith.addi %parallel_loop3A_480, %parallel_loop3A_519 : i32
      %parallel_loop3A_521 = arith.index_cast %parallel_loop3A_520 : i32 to index
      %parallel_loop3A_522 = tpu.vector_load %arg13[%parallel_loop3A_521] {strides = array<i32>} : memref<32768xf32, #tpu.memory_space<vmem>>, vector<16xf32>,
      tpu.vector_store %arg13[%parallel_loop3A_521], %parallel_loop3A_518 {strides = array<i32>} : memref<32768xf32, #tpu.memory_space<vmem>>, vector<16xf32>,
      %parallel_loop3A_523 = arith.constant 6 : i32
      %parallel_loop3A_524 = vector.broadcast %parallel_loop3A_523 : i32 to vector<16xi32>
      %parallel_loop3A_525 = tpu.vector_load_idx %arg10[%parallel_loop3A_524, %parallel_loop3A_466] : memref<8x8xf32, #tpu.memory_space<vmem>>[vector<16xi32>, vector<16xi32>], vector<16xf32>,
      %parallel_loop3A_526 = arith.constant 768 : i32
      %parallel_loop3A_527 = arith.addi %parallel_loop3A_480, %parallel_loop3A_526 : i32
      %parallel_loop3A_528 = arith.index_cast %parallel_loop3A_527 : i32 to index
      %parallel_loop3A_529 = tpu.vector_load %arg13[%parallel_loop3A_528] {strides = array<i32>} : memref<32768xf32, #tpu.memory_space<vmem>>, vector<16xf32>,
      tpu.vector_store %arg13[%parallel_loop3A_528], %parallel_loop3A_525 {strides = array<i32>} : memref<32768xf32, #tpu.memory_space<vmem>>, vector<16xf32>,
      %parallel_loop3A_530 = arith.constant 7 : i32
      %parallel_loop3A_531 = vector.broadcast %parallel_loop3A_530 : i32 to vector<16xi32>
      %parallel_loop3A_532 = tpu.vector_load_idx %arg10[%parallel_loop3A_531, %parallel_loop3A_466] : memref<8x8xf32, #tpu.memory_space<vmem>>[vector<16xi32>, vector<16xi32>], vector<16xf32>,
      %parallel_loop3A_533 = arith.constant 896 : i32
      %parallel_loop3A_534 = arith.addi %parallel_loop3A_480, %parallel_loop3A_533 : i32
      %parallel_loop3A_535 = arith.index_cast %parallel_loop3A_534 : i32 to index
      %parallel_loop3A_536 = tpu.vector_load %arg13[%parallel_loop3A_535] {strides = array<i32>} : memref<32768xf32, #tpu.memory_space<vmem>>, vector<16xf32>,
      tpu.vector_store %arg13[%parallel_loop3A_535], %parallel_loop3A_532 {strides = array<i32>} : memref<32768xf32, #tpu.memory_space<vmem>>, vector<16xf32>,
    } {sc.loop_unroll_factor = 4 : i64, sc.parallel_access}
    %add3A_80 = arith.constant 0 : i32
    %add3A_81 = arith.addi %mul3A_2, %add3A_80 : i32
    %jit3A = arith.constant 32 : i32
    %div3A = arith.divsi %add3A_81, %jit3A : i32
    %sign3A = arith.constant 0 : i32
    %sign3A_82 = arith.cmpi sgt, %add3A_81, %sign3A : i32
    %sign3A_83 = arith.extui %sign3A_82 : i1 to i32
    %sign3A_84 = arith.constant 0 : i32
    %sign3A_85 = arith.cmpi slt, %add3A_81, %sign3A_84 : i32
    %sign3A_86 = arith.extui %sign3A_85 : i1 to i32
    %sign3A_87 = arith.subi %sign3A_83, %sign3A_86 : i32
    %sign3A_88 = arith.constant 0 : i32
    %sign3A_89 = arith.cmpi sgt, %jit3A, %sign3A_88 : i32
    %sign3A_90 = arith.extui %sign3A_89 : i1 to i32
    %sign3A_91 = arith.constant 0 : i32
    %sign3A_92 = arith.cmpi slt, %jit3A, %sign3A_91 : i32
    %sign3A_93 = arith.extui %sign3A_92 : i1 to i32
    %sign3A_94 = arith.subi %sign3A_90, %sign3A_93 : i32
    %ne3A = arith.cmpi ne, %sign3A_87, %sign3A_94 : i32
    %rem3A = arith.remsi %add3A_81, %jit3A : i32
    %ne3A_95 = arith.constant 0 : i32
    %ne3A_96 = arith.cmpi ne, %rem3A, %ne3A_95 : i32
    %and3A_97 = arith.andi %ne3A, %ne3A_96 : i1
    %sub3A = arith.constant 1 : i32
    %sub3A_98 = arith.subi %div3A, %sub3A : i32
    %select_n3A = arith.select %and3A_97, %sub3A_98, %div3A : i32
    %jit3A_99 = arith.constant 32 : i32
    %eq3A = arith.constant 0 : i32
    %eq3A_100 = arith.cmpi eq, %jit3A_99, %eq3A : i32
    %jit3A_101 = arith.constant 1 : i32
    %select_n3A_102 = arith.select %eq3A_100, %jit3A_101, %jit3A_99 : i32
    %rem3A_103 = arith.remsi %add3A_81, %select_n3A_102 : i32
    %ne3A_104 = arith.constant 0 : i32
    %ne3A_105 = arith.cmpi ne, %rem3A_103, %ne3A_104 : i32
    %lt3A = arith.constant 0 : i32
    %lt3A_106 = arith.cmpi slt, %rem3A_103, %lt3A : i32
    %lt3A_107 = arith.constant 0 : i32
    %lt3A_108 = arith.cmpi slt, %select_n3A_102, %lt3A_107 : i32
    %ne3A_109 = arith.xori %lt3A_106, %lt3A_108 : i1
    %and3A_110 = arith.andi %ne3A_109, %ne3A_105 : i1
    %add3A_111 = arith.addi %rem3A_103, %select_n3A_102 : i32
    %select_n3A_112 = arith.select %and3A_110, %add3A_111, %rem3A_103 : i32
    %mul3A_113 = arith.constant 4 : i32
    %mul3A_114 = arith.muli %select_n3A_112, %mul3A_113 : i32
    %mul3A_115 = arith.constant 8 : i32
    %mul3A_116 = arith.muli %select_n3A, %mul3A_115 : i32
    %mul3A_117 = arith.constant 131072 : i32
    %mul3A_118 = arith.muli %mul3A_116, %mul3A_117 : i32
    %mul3A_119 = arith.constant 1024 : i32
    %mul3A_120 = arith.muli %mul3A_114, %mul3A_119 : i32
    %add3A_121 = arith.addi %mul3A_118, %mul3A_120 : i32
    %add3A_122 = arith.constant 0 : i32
    %add3A_123 = arith.addi %add3A_121, %add3A_122 : i32
    %dma_start3A_124 = arith.constant 0 : i32
    %dma_start3A_125 = tpu.memref_slice %arg13[%dma_start3A_124] : memref<32768xf32, #tpu.memory_space<vmem>> -> memref<4096xf32, #tpu.memory_space<vmem>>
    %dma_start3A_126 = tpu.memref_slice %arg6[%add3A_123] : memref<26214400xf32, #tpu.memory_space<hbm>> -> memref<4096xf32, #tpu.memory_space<hbm>>
    %dma_start3A_127 = tpu.memref_slice %arg6[%add3A_123] : memref<26214400xf32, #tpu.memory_space<hbm>> -> memref<4096xf32, #tpu.memory_space<hbm>>
    %dma_start3A_128 = arith.constant 0 : i32
    %dma_start3A_129 = tpu.memref_slice %arg13[%dma_start3A_128] : memref<32768xf32, #tpu.memory_space<vmem>> -> memref<4096xf32, #tpu.memory_space<vmem>>
    tpu.enqueue_dma source(%dma_start3A_129 : memref<4096xf32, #tpu.memory_space<vmem>>) target(%dma_start3A_127 : memref<4096xf32, #tpu.memory_space<hbm>>) target_semaphore(%arg17 : memref<!tpu.dma_semaphore, #tpu.memory_space<semaphore_mem>>)
    %add3A_130 = arith.constant 131072 : i32
    %add3A_131 = arith.addi %add3A_121, %add3A_130 : i32
    %dma_start3A_132 = arith.constant 4096 : i32
    %dma_start3A_133 = tpu.memref_slice %arg13[%dma_start3A_132] : memref<32768xf32, #tpu.memory_space<vmem>> -> memref<4096xf32, #tpu.memory_space<vmem>>
    %dma_start3A_134 = tpu.memref_slice %arg6[%add3A_131] : memref<26214400xf32, #tpu.memory_space<hbm>> -> memref<4096xf32, #tpu.memory_space<hbm>>
    %dma_start3A_135 = tpu.memref_slice %arg6[%add3A_131] : memref<26214400xf32, #tpu.memory_space<hbm>> -> memref<4096xf32, #tpu.memory_space<hbm>>
    %dma_start3A_136 = arith.constant 4096 : i32
    %dma_start3A_137 = tpu.memref_slice %arg13[%dma_start3A_136] : memref<32768xf32, #tpu.memory_space<vmem>> -> memref<4096xf32, #tpu.memory_space<vmem>>
    tpu.enqueue_dma source(%dma_start3A_137 : memref<4096xf32, #tpu.memory_space<vmem>>) target(%dma_start3A_135 : memref<4096xf32, #tpu.memory_space<hbm>>) target_semaphore(%arg17 : memref<!tpu.dma_semaphore, #tpu.memory_space<semaphore_mem>>)
    %add3A_138 = arith.constant 262144 : i32
    %add3A_139 = arith.addi %add3A_121, %add3A_138 : i32
    %dma_start3A_140 = arith.constant 8192 : i32
    %dma_start3A_141 = tpu.memref_slice %arg13[%dma_start3A_140] : memref<32768xf32, #tpu.memory_space<vmem>> -> memref<4096xf32, #tpu.memory_space<vmem>>
    %dma_start3A_142 = tpu.memref_slice %arg6[%add3A_139] : memref<26214400xf32, #tpu.memory_space<hbm>> -> memref<4096xf32, #tpu.memory_space<hbm>>
    %dma_start3A_143 = tpu.memref_slice %arg6[%add3A_139] : memref<26214400xf32, #tpu.memory_space<hbm>> -> memref<4096xf32, #tpu.memory_space<hbm>>
    %dma_start3A_144 = arith.constant 8192 : i32
    %dma_start3A_145 = tpu.memref_slice %arg13[%dma_start3A_144] : memref<32768xf32, #tpu.memory_space<vmem>> -> memref<4096xf32, #tpu.memory_space<vmem>>
    tpu.enqueue_dma source(%dma_start3A_145 : memref<4096xf32, #tpu.memory_space<vmem>>) target(%dma_start3A_143 : memref<4096xf32, #tpu.memory_space<hbm>>) target_semaphore(%arg17 : memref<!tpu.dma_semaphore, #tpu.memory_space<semaphore_mem>>)
    %add3A_146 = arith.constant 393216 : i32
    %add3A_147 = arith.addi %add3A_121, %add3A_146 : i32
    %dma_start3A_148 = arith.constant 12288 : i32
    %dma_start3A_149 = tpu.memref_slice %arg13[%dma_start3A_148] : memref<32768xf32, #tpu.memory_space<vmem>> -> memref<4096xf32, #tpu.memory_space<vmem>>
    %dma_start3A_150 = tpu.memref_slice %arg6[%add3A_147] : memref<26214400xf32, #tpu.memory_space<hbm>> -> memref<4096xf32, #tpu.memory_space<hbm>>
    %dma_start3A_151 = tpu.memref_slice %arg6[%add3A_147] : memref<26214400xf32, #tpu.memory_space<hbm>> -> memref<4096xf32, #tpu.memory_space<hbm>>
    %dma_start3A_152 = arith.constant 12288 : i32
    %dma_start3A_153 = tpu.memref_slice %arg13[%dma_start3A_152] : memref<32768xf32, #tpu.memory_space<vmem>> -> memref<4096xf32, #tpu.memory_space<vmem>>
    tpu.enqueue_dma source(%dma_start3A_153 : memref<4096xf32, #tpu.memory_space<vmem>>) target(%dma_start3A_151 : memref<4096xf32, #tpu.memory_space<hbm>>) target_semaphore(%arg17 : memref<!tpu.dma_semaphore, #tpu.memory_space<semaphore_mem>>)
    %add3A_154 = arith.constant 524288 : i32
    %add3A_155 = arith.addi %add3A_121, %add3A_154 : i32
    %dma_start3A_156 = arith.constant 16384 : i32
    %dma_start3A_157 = tpu.memref_slice %arg13[%dma_start3A_156] : memref<32768xf32, #tpu.memory_space<vmem>> -> memref<4096xf32, #tpu.memory_space<vmem>>
    %dma_start3A_158 = tpu.memref_slice %arg6[%add3A_155] : memref<26214400xf32, #tpu.memory_space<hbm>> -> memref<4096xf32, #tpu.memory_space<hbm>>
    %dma_start3A_159 = tpu.memref_slice %arg6[%add3A_155] : memref<26214400xf32, #tpu.memory_space<hbm>> -> memref<4096xf32, #tpu.memory_space<hbm>>
    %dma_start3A_160 = arith.constant 16384 : i32
    %dma_start3A_161 = tpu.memref_slice %arg13[%dma_start3A_160] : memref<32768xf32, #tpu.memory_space<vmem>> -> memref<4096xf32, #tpu.memory_space<vmem>>
    tpu.enqueue_dma source(%dma_start3A_161 : memref<4096xf32, #tpu.memory_space<vmem>>) target(%dma_start3A_159 : memref<4096xf32, #tpu.memory_space<hbm>>) target_semaphore(%arg17 : memref<!tpu.dma_semaphore, #tpu.memory_space<semaphore_mem>>)
    %add3A_162 = arith.constant 655360 : i32
    %add3A_163 = arith.addi %add3A_121, %add3A_162 : i32
    %dma_start3A_164 = arith.constant 20480 : i32
    %dma_start3A_165 = tpu.memref_slice %arg13[%dma_start3A_164] : memref<32768xf32, #tpu.memory_space<vmem>> -> memref<4096xf32, #tpu.memory_space<vmem>>
    %dma_start3A_166 = tpu.memref_slice %arg6[%add3A_163] : memref<26214400xf32, #tpu.memory_space<hbm>> -> memref<4096xf32, #tpu.memory_space<hbm>>
    %dma_start3A_167 = tpu.memref_slice %arg6[%add3A_163] : memref<26214400xf32, #tpu.memory_space<hbm>> -> memref<4096xf32, #tpu.memory_space<hbm>>
    %dma_start3A_168 = arith.constant 20480 : i32
    %dma_start3A_169 = tpu.memref_slice %arg13[%dma_start3A_168] : memref<32768xf32, #tpu.memory_space<vmem>> -> memref<4096xf32, #tpu.memory_space<vmem>>
    tpu.enqueue_dma source(%dma_start3A_169 : memref<4096xf32, #tpu.memory_space<vmem>>) target(%dma_start3A_167 : memref<4096xf32, #tpu.memory_space<hbm>>) target_semaphore(%arg17 : memref<!tpu.dma_semaphore, #tpu.memory_space<semaphore_mem>>)
    %add3A_170 = arith.constant 786432 : i32
    %add3A_171 = arith.addi %add3A_121, %add3A_170 : i32
    %dma_start3A_172 = arith.constant 24576 : i32
    %dma_start3A_173 = tpu.memref_slice %arg13[%dma_start3A_172] : memref<32768xf32, #tpu.memory_space<vmem>> -> memref<4096xf32, #tpu.memory_space<vmem>>
    %dma_start3A_174 = tpu.memref_slice %arg6[%add3A_171] : memref<26214400xf32, #tpu.memory_space<hbm>> -> memref<4096xf32, #tpu.memory_space<hbm>>
    %dma_start3A_175 = tpu.memref_slice %arg6[%add3A_171] : memref<26214400xf32, #tpu.memory_space<hbm>> -> memref<4096xf32, #tpu.memory_space<hbm>>
    %dma_start3A_176 = arith.constant 24576 : i32
    %dma_start3A_177 = tpu.memref_slice %arg13[%dma_start3A_176] : memref<32768xf32, #tpu.memory_space<vmem>> -> memref<4096xf32, #tpu.memory_space<vmem>>
    tpu.enqueue_dma source(%dma_start3A_177 : memref<4096xf32, #tpu.memory_space<vmem>>) target(%dma_start3A_175 : memref<4096xf32, #tpu.memory_space<hbm>>) target_semaphore(%arg17 : memref<!tpu.dma_semaphore, #tpu.memory_space<semaphore_mem>>)
    %add3A_178 = arith.constant 917504 : i32
    %add3A_179 = arith.addi %add3A_121, %add3A_178 : i32
    %dma_start3A_180 = arith.constant 28672 : i32
    %dma_start3A_181 = tpu.memref_slice %arg13[%dma_start3A_180] : memref<32768xf32, #tpu.memory_space<vmem>> -> memref<4096xf32, #tpu.memory_space<vmem>>
    %dma_start3A_182 = tpu.memref_slice %arg6[%add3A_179] : memref<26214400xf32, #tpu.memory_space<hbm>> -> memref<4096xf32, #tpu.memory_space<hbm>>
    %dma_start3A_183 = tpu.memref_slice %arg6[%add3A_179] : memref<26214400xf32, #tpu.memory_space<hbm>> -> memref<4096xf32, #tpu.memory_space<hbm>>
    %dma_start3A_184 = arith.constant 28672 : i32
    %dma_start3A_185 = tpu.memref_slice %arg13[%dma_start3A_184] : memref<32768xf32, #tpu.memory_space<vmem>> -> memref<4096xf32, #tpu.memory_space<vmem>>
    tpu.enqueue_dma source(%dma_start3A_185 : memref<4096xf32, #tpu.memory_space<vmem>>) target(%dma_start3A_183 : memref<4096xf32, #tpu.memory_space<hbm>>) target_semaphore(%arg17 : memref<!tpu.dma_semaphore, #tpu.memory_space<semaphore_mem>>)
    %add3A_186 = arith.constant 2 : i32
    %add3A_187 = arith.addi %mul3A_2, %add3A_186 : i32
    %mul3A_188 = arith.constant 4096 : i32
    %mul3A_189 = arith.muli %add3A_187, %mul3A_188 : i32
    %dma_start3A_190 = tpu.memref_slice %arg5[%mul3A_189] : memref<3276800xi32, #tpu.memory_space<hbm>> -> memref<4096xi32, #tpu.memory_space<hbm>>
    %dma_start3A_191 = tpu.memref_slice %arg5[%mul3A_189] : memref<3276800xi32, #tpu.memory_space<hbm>> -> memref<4096xi32, #tpu.memory_space<hbm>>
    tpu.enqueue_dma source(%dma_start3A_191 : memref<4096xi32, #tpu.memory_space<hbm>>) target(%arg11 : memref<4096xi32, #tpu.memory_space<vmem>>) target_semaphore(%arg15 : memref<!tpu.dma_semaphore, #tpu.memory_space<semaphore_mem>>)
    %add3A_192 = arith.constant 1 : i32
    %add3A_193 = arith.addi %mul3A_2, %add3A_192 : i32
    %mul3A_194 = arith.constant 4096 : i32
    %mul3A_195 = arith.muli %add3A_193, %mul3A_194 : i32
    %dma_wait3A_196 = tpu.memref_slice %arg5[%mul3A_195] : memref<3276800xi32, #tpu.memory_space<hbm>> -> memref<4096xi32, #tpu.memory_space<hbm>>
    %dma_wait3A_197 = tpu.memref_slice %arg5[%mul3A_195] : memref<3276800xi32, #tpu.memory_space<hbm>> -> memref<4096xi32, #tpu.memory_space<hbm>>
    tpu.wait_dma2 semaphore(%arg16 : memref<!tpu.dma_semaphore, #tpu.memory_space<semaphore_mem>>) src(%dma_wait3A_197 : memref<4096xi32, #tpu.memory_space<hbm>>) dst(%arg12 : memref<4096xi32, #tpu.memory_space<vmem>>)
    %parallel_loop3A_198 = arith.constant 0 : i32
    %parallel_loop3A_199 = arith.constant 4096 : i32
    %parallel_loop3A_200 = arith.constant 16 : i32
    scf.for %parallel_loop3A_464 = %parallel_loop3A_198 to %parallel_loop3A_199 step %parallel_loop3A_200  : i32 {
      %parallel_loop3A_465 = arith.index_cast %parallel_loop3A_464 : i32 to index
      %parallel_loop3A_466 = tpu.vector_load %arg12[%parallel_loop3A_465] {strides = array<i32>} : memref<4096xi32, #tpu.memory_space<vmem>>, vector<16xi32>,
      %parallel_loop3A_467 = arith.constant 7 : i32
      %parallel_loop3A_468 = arith.shrsi %parallel_loop3A_464, %parallel_loop3A_467 : i32
      %parallel_loop3A_469 = arith.constant 7 : i32
      %parallel_loop3A_470 = arith.andi %parallel_loop3A_468, %parallel_loop3A_469 : i32
      %parallel_loop3A_471 = arith.constant 4096 : i32
      %parallel_loop3A_472 = arith.muli %parallel_loop3A_470, %parallel_loop3A_471 : i32
      %parallel_loop3A_473 = arith.constant 10 : i32
      %parallel_loop3A_474 = arith.shrsi %parallel_loop3A_464, %parallel_loop3A_473 : i32
      %parallel_loop3A_475 = arith.constant 10 : i32
      %parallel_loop3A_476 = arith.shli %parallel_loop3A_474, %parallel_loop3A_475 : i32
      %parallel_loop3A_477 = arith.ori %parallel_loop3A_472, %parallel_loop3A_476 : i32
      %parallel_loop3A_478 = arith.constant 127 : i32
      %parallel_loop3A_479 = arith.andi %parallel_loop3A_464, %parallel_loop3A_478 : i32
      %parallel_loop3A_480 = arith.ori %parallel_loop3A_477, %parallel_loop3A_479 : i32
      %parallel_loop3A_481 = arith.constant 0 : i32
      %parallel_loop3A_482 = vector.broadcast %parallel_loop3A_481 : i32 to vector<16xi32>
      %parallel_loop3A_483 = tpu.vector_load_idx %arg10[%parallel_loop3A_482, %parallel_loop3A_466] : memref<8x8xf32, #tpu.memory_space<vmem>>[vector<16xi32>, vector<16xi32>], vector<16xf32>,
      %parallel_loop3A_484 = arith.constant 0 : i32
      %parallel_loop3A_485 = arith.addi %parallel_loop3A_480, %parallel_loop3A_484 : i32
      %parallel_loop3A_486 = arith.index_cast %parallel_loop3A_485 : i32 to index
      %parallel_loop3A_487 = tpu.vector_load %arg14[%parallel_loop3A_486] {strides = array<i32>} : memref<32768xf32, #tpu.memory_space<vmem>>, vector<16xf32>,
      tpu.vector_store %arg14[%parallel_loop3A_486], %parallel_loop3A_483 {strides = array<i32>} : memref<32768xf32, #tpu.memory_space<vmem>>, vector<16xf32>,
      %parallel_loop3A_488 = arith.constant 1 : i32
      %parallel_loop3A_489 = vector.broadcast %parallel_loop3A_488 : i32 to vector<16xi32>
      %parallel_loop3A_490 = tpu.vector_load_idx %arg10[%parallel_loop3A_489, %parallel_loop3A_466] : memref<8x8xf32, #tpu.memory_space<vmem>>[vector<16xi32>, vector<16xi32>], vector<16xf32>,
      %parallel_loop3A_491 = arith.constant 128 : i32
      %parallel_loop3A_492 = arith.addi %parallel_loop3A_480, %parallel_loop3A_491 : i32
      %parallel_loop3A_493 = arith.index_cast %parallel_loop3A_492 : i32 to index
      %parallel_loop3A_494 = tpu.vector_load %arg14[%parallel_loop3A_493] {strides = array<i32>} : memref<32768xf32, #tpu.memory_space<vmem>>, vector<16xf32>,
      tpu.vector_store %arg14[%parallel_loop3A_493], %parallel_loop3A_490 {strides = array<i32>} : memref<32768xf32, #tpu.memory_space<vmem>>, vector<16xf32>,
      %parallel_loop3A_495 = arith.constant 2 : i32
      %parallel_loop3A_496 = vector.broadcast %parallel_loop3A_495 : i32 to vector<16xi32>
      %parallel_loop3A_497 = tpu.vector_load_idx %arg10[%parallel_loop3A_496, %parallel_loop3A_466] : memref<8x8xf32, #tpu.memory_space<vmem>>[vector<16xi32>, vector<16xi32>], vector<16xf32>,
      %parallel_loop3A_498 = arith.constant 256 : i32
      %parallel_loop3A_499 = arith.addi %parallel_loop3A_480, %parallel_loop3A_498 : i32
      %parallel_loop3A_500 = arith.index_cast %parallel_loop3A_499 : i32 to index
      %parallel_loop3A_501 = tpu.vector_load %arg14[%parallel_loop3A_500] {strides = array<i32>} : memref<32768xf32, #tpu.memory_space<vmem>>, vector<16xf32>,
      tpu.vector_store %arg14[%parallel_loop3A_500], %parallel_loop3A_497 {strides = array<i32>} : memref<32768xf32, #tpu.memory_space<vmem>>, vector<16xf32>,
      %parallel_loop3A_502 = arith.constant 3 : i32
      %parallel_loop3A_503 = vector.broadcast %parallel_loop3A_502 : i32 to vector<16xi32>
      %parallel_loop3A_504 = tpu.vector_load_idx %arg10[%parallel_loop3A_503, %parallel_loop3A_466] : memref<8x8xf32, #tpu.memory_space<vmem>>[vector<16xi32>, vector<16xi32>], vector<16xf32>,
      %parallel_loop3A_505 = arith.constant 384 : i32
      %parallel_loop3A_506 = arith.addi %parallel_loop3A_480, %parallel_loop3A_505 : i32
      %parallel_loop3A_507 = arith.index_cast %parallel_loop3A_506 : i32 to index
      %parallel_loop3A_508 = tpu.vector_load %arg14[%parallel_loop3A_507] {strides = array<i32>} : memref<32768xf32, #tpu.memory_space<vmem>>, vector<16xf32>,
      tpu.vector_store %arg14[%parallel_loop3A_507], %parallel_loop3A_504 {strides = array<i32>} : memref<32768xf32, #tpu.memory_space<vmem>>, vector<16xf32>,
      %parallel_loop3A_509 = arith.constant 4 : i32
      %parallel_loop3A_510 = vector.broadcast %parallel_loop3A_509 : i32 to vector<16xi32>
      %parallel_loop3A_511 = tpu.vector_load_idx %arg10[%parallel_loop3A_510, %parallel_loop3A_466] : memref<8x8xf32, #tpu.memory_space<vmem>>[vector<16xi32>, vector<16xi32>], vector<16xf32>,
      %parallel_loop3A_512 = arith.constant 512 : i32
      %parallel_loop3A_513 = arith.addi %parallel_loop3A_480, %parallel_loop3A_512 : i32
      %parallel_loop3A_514 = arith.index_cast %parallel_loop3A_513 : i32 to index
      %parallel_loop3A_515 = tpu.vector_load %arg14[%parallel_loop3A_514] {strides = array<i32>} : memref<32768xf32, #tpu.memory_space<vmem>>, vector<16xf32>,
      tpu.vector_store %arg14[%parallel_loop3A_514], %parallel_loop3A_511 {strides = array<i32>} : memref<32768xf32, #tpu.memory_space<vmem>>, vector<16xf32>,
      %parallel_loop3A_516 = arith.constant 5 : i32
      %parallel_loop3A_517 = vector.broadcast %parallel_loop3A_516 : i32 to vector<16xi32>
      %parallel_loop3A_518 = tpu.vector_load_idx %arg10[%parallel_loop3A_517, %parallel_loop3A_466] : memref<8x8xf32, #tpu.memory_space<vmem>>[vector<16xi32>, vector<16xi32>], vector<16xf32>,
      %parallel_loop3A_519 = arith.constant 640 : i32
      %parallel_loop3A_520 = arith.addi %parallel_loop3A_480, %parallel_loop3A_519 : i32
      %parallel_loop3A_521 = arith.index_cast %parallel_loop3A_520 : i32 to index
      %parallel_loop3A_522 = tpu.vector_load %arg14[%parallel_loop3A_521] {strides = array<i32>} : memref<32768xf32, #tpu.memory_space<vmem>>, vector<16xf32>,
      tpu.vector_store %arg14[%parallel_loop3A_521], %parallel_loop3A_518 {strides = array<i32>} : memref<32768xf32, #tpu.memory_space<vmem>>, vector<16xf32>,
      %parallel_loop3A_523 = arith.constant 6 : i32
      %parallel_loop3A_524 = vector.broadcast %parallel_loop3A_523 : i32 to vector<16xi32>
      %parallel_loop3A_525 = tpu.vector_load_idx %arg10[%parallel_loop3A_524, %parallel_loop3A_466] : memref<8x8xf32, #tpu.memory_space<vmem>>[vector<16xi32>, vector<16xi32>], vector<16xf32>,
      %parallel_loop3A_526 = arith.constant 768 : i32
      %parallel_loop3A_527 = arith.addi %parallel_loop3A_480, %parallel_loop3A_526 : i32
      %parallel_loop3A_528 = arith.index_cast %parallel_loop3A_527 : i32 to index
      %parallel_loop3A_529 = tpu.vector_load %arg14[%parallel_loop3A_528] {strides = array<i32>} : memref<32768xf32, #tpu.memory_space<vmem>>, vector<16xf32>,
      tpu.vector_store %arg14[%parallel_loop3A_528], %parallel_loop3A_525 {strides = array<i32>} : memref<32768xf32, #tpu.memory_space<vmem>>, vector<16xf32>,
      %parallel_loop3A_530 = arith.constant 7 : i32
      %parallel_loop3A_531 = vector.broadcast %parallel_loop3A_530 : i32 to vector<16xi32>
      %parallel_loop3A_532 = tpu.vector_load_idx %arg10[%parallel_loop3A_531, %parallel_loop3A_466] : memref<8x8xf32, #tpu.memory_space<vmem>>[vector<16xi32>, vector<16xi32>], vector<16xf32>,
      %parallel_loop3A_533 = arith.constant 896 : i32
      %parallel_loop3A_534 = arith.addi %parallel_loop3A_480, %parallel_loop3A_533 : i32
      %parallel_loop3A_535 = arith.index_cast %parallel_loop3A_534 : i32 to index
      %parallel_loop3A_536 = tpu.vector_load %arg14[%parallel_loop3A_535] {strides = array<i32>} : memref<32768xf32, #tpu.memory_space<vmem>>, vector<16xf32>,
      tpu.vector_store %arg14[%parallel_loop3A_535], %parallel_loop3A_532 {strides = array<i32>} : memref<32768xf32, #tpu.memory_space<vmem>>, vector<16xf32>,
    } {sc.loop_unroll_factor = 4 : i64, sc.parallel_access}
    %add3A_201 = arith.constant 1 : i32
    %add3A_202 = arith.addi %mul3A_2, %add3A_201 : i32
    %jit3A_203 = arith.constant 32 : i32
    %div3A_204 = arith.divsi %add3A_202, %jit3A_203 : i32
    %sign3A_205 = arith.constant 0 : i32
    %sign3A_206 = arith.cmpi sgt, %add3A_202, %sign3A_205 : i32
    %sign3A_207 = arith.extui %sign3A_206 : i1 to i32
    %sign3A_208 = arith.constant 0 : i32
    %sign3A_209 = arith.cmpi slt, %add3A_202, %sign3A_208 : i32
    %sign3A_210 = arith.extui %sign3A_209 : i1 to i32
    %sign3A_211 = arith.subi %sign3A_207, %sign3A_210 : i32
    %sign3A_212 = arith.constant 0 : i32
    %sign3A_213 = arith.cmpi sgt, %jit3A_203, %sign3A_212 : i32
    %sign3A_214 = arith.extui %sign3A_213 : i1 to i32
    %sign3A_215 = arith.constant 0 : i32
    %sign3A_216 = arith.cmpi slt, %jit3A_203, %sign3A_215 : i32
    %sign3A_217 = arith.extui %sign3A_216 : i1 to i32
    %sign3A_218 = arith.subi %sign3A_214, %sign3A_217 : i32
    %ne3A_219 = arith.cmpi ne, %sign3A_211, %sign3A_218 : i32
    %rem3A_220 = arith.remsi %add3A_202, %jit3A_203 : i32
    %ne3A_221 = arith.constant 0 : i32
    %ne3A_222 = arith.cmpi ne, %rem3A_220, %ne3A_221 : i32
    %and3A_223 = arith.andi %ne3A_219, %ne3A_222 : i1
    %sub3A_224 = arith.constant 1 : i32
    %sub3A_225 = arith.subi %div3A_204, %sub3A_224 : i32
    %select_n3A_226 = arith.select %and3A_223, %sub3A_225, %div3A_204 : i32
    %jit3A_227 = arith.constant 32 : i32
    %eq3A_228 = arith.constant 0 : i32
    %eq3A_229 = arith.cmpi eq, %jit3A_227, %eq3A_228 : i32
    %jit3A_230 = arith.constant 1 : i32
    %select_n3A_231 = arith.select %eq3A_229, %jit3A_230, %jit3A_227 : i32
    %rem3A_232 = arith.remsi %add3A_202, %select_n3A_231 : i32
    %ne3A_233 = arith.constant 0 : i32
    %ne3A_234 = arith.cmpi ne, %rem3A_232, %ne3A_233 : i32
    %lt3A_235 = arith.constant 0 : i32
    %lt3A_236 = arith.cmpi slt, %rem3A_232, %lt3A_235 : i32
    %lt3A_237 = arith.constant 0 : i32
    %lt3A_238 = arith.cmpi slt, %select_n3A_231, %lt3A_237 : i32
    %ne3A_239 = arith.xori %lt3A_236, %lt3A_238 : i1
    %and3A_240 = arith.andi %ne3A_239, %ne3A_234 : i1
    %add3A_241 = arith.addi %rem3A_232, %select_n3A_231 : i32
    %select_n3A_242 = arith.select %and3A_240, %add3A_241, %rem3A_232 : i32
    %mul3A_243 = arith.constant 4 : i32
    %mul3A_244 = arith.muli %select_n3A_242, %mul3A_243 : i32
    %mul3A_245 = arith.constant 8 : i32
    %mul3A_246 = arith.muli %select_n3A_226, %mul3A_245 : i32
    %mul3A_247 = arith.constant 131072 : i32
    %mul3A_248 = arith.muli %mul3A_246, %mul3A_247 : i32
    %mul3A_249 = arith.constant 1024 : i32
    %mul3A_250 = arith.muli %mul3A_244, %mul3A_249 : i32
    %add3A_251 = arith.addi %mul3A_248, %mul3A_250 : i32
    %add3A_252 = arith.constant 0 : i32
    %add3A_253 = arith.addi %add3A_251, %add3A_252 : i32
    %dma_start3A_254 = arith.constant 0 : i32
    %dma_start3A_255 = tpu.memref_slice %arg14[%dma_start3A_254] : memref<32768xf32, #tpu.memory_space<vmem>> -> memref<4096xf32, #tpu.memory_space<vmem>>
    %dma_start3A_256 = tpu.memref_slice %arg6[%add3A_253] : memref<26214400xf32, #tpu.memory_space<hbm>> -> memref<4096xf32, #tpu.memory_space<hbm>>
    %dma_start3A_257 = tpu.memref_slice %arg6[%add3A_253] : memref<26214400xf32, #tpu.memory_space<hbm>> -> memref<4096xf32, #tpu.memory_space<hbm>>
    %dma_start3A_258 = arith.constant 0 : i32
    %dma_start3A_259 = tpu.memref_slice %arg14[%dma_start3A_258] : memref<32768xf32, #tpu.memory_space<vmem>> -> memref<4096xf32, #tpu.memory_space<vmem>>
    tpu.enqueue_dma source(%dma_start3A_259 : memref<4096xf32, #tpu.memory_space<vmem>>) target(%dma_start3A_257 : memref<4096xf32, #tpu.memory_space<hbm>>) target_semaphore(%arg18 : memref<!tpu.dma_semaphore, #tpu.memory_space<semaphore_mem>>)
    %add3A_260 = arith.constant 131072 : i32
    %add3A_261 = arith.addi %add3A_251, %add3A_260 : i32
    %dma_start3A_262 = arith.constant 4096 : i32
    %dma_start3A_263 = tpu.memref_slice %arg14[%dma_start3A_262] : memref<32768xf32, #tpu.memory_space<vmem>> -> memref<4096xf32, #tpu.memory_space<vmem>>
    %dma_start3A_264 = tpu.memref_slice %arg6[%add3A_261] : memref<26214400xf32, #tpu.memory_space<hbm>> -> memref<4096xf32, #tpu.memory_space<hbm>>
    %dma_start3A_265 = tpu.memref_slice %arg6[%add3A_261] : memref<26214400xf32, #tpu.memory_space<hbm>> -> memref<4096xf32, #tpu.memory_space<hbm>>
    %dma_start3A_266 = arith.constant 4096 : i32
    %dma_start3A_267 = tpu.memref_slice %arg14[%dma_start3A_266] : memref<32768xf32, #tpu.memory_space<vmem>> -> memref<4096xf32, #tpu.memory_space<vmem>>
    tpu.enqueue_dma source(%dma_start3A_267 : memref<4096xf32, #tpu.memory_space<vmem>>) target(%dma_start3A_265 : memref<4096xf32, #tpu.memory_space<hbm>>) target_semaphore(%arg18 : memref<!tpu.dma_semaphore, #tpu.memory_space<semaphore_mem>>)
    %add3A_268 = arith.constant 262144 : i32
    %add3A_269 = arith.addi %add3A_251, %add3A_268 : i32
    %dma_start3A_270 = arith.constant 8192 : i32
    %dma_start3A_271 = tpu.memref_slice %arg14[%dma_start3A_270] : memref<32768xf32, #tpu.memory_space<vmem>> -> memref<4096xf32, #tpu.memory_space<vmem>>
    %dma_start3A_272 = tpu.memref_slice %arg6[%add3A_269] : memref<26214400xf32, #tpu.memory_space<hbm>> -> memref<4096xf32, #tpu.memory_space<hbm>>
    %dma_start3A_273 = tpu.memref_slice %arg6[%add3A_269] : memref<26214400xf32, #tpu.memory_space<hbm>> -> memref<4096xf32, #tpu.memory_space<hbm>>
    %dma_start3A_274 = arith.constant 8192 : i32
    %dma_start3A_275 = tpu.memref_slice %arg14[%dma_start3A_274] : memref<32768xf32, #tpu.memory_space<vmem>> -> memref<4096xf32, #tpu.memory_space<vmem>>
    tpu.enqueue_dma source(%dma_start3A_275 : memref<4096xf32, #tpu.memory_space<vmem>>) target(%dma_start3A_273 : memref<4096xf32, #tpu.memory_space<hbm>>) target_semaphore(%arg18 : memref<!tpu.dma_semaphore, #tpu.memory_space<semaphore_mem>>)
    %add3A_276 = arith.constant 393216 : i32
    %add3A_277 = arith.addi %add3A_251, %add3A_276 : i32
    %dma_start3A_278 = arith.constant 12288 : i32
    %dma_start3A_279 = tpu.memref_slice %arg14[%dma_start3A_278] : memref<32768xf32, #tpu.memory_space<vmem>> -> memref<4096xf32, #tpu.memory_space<vmem>>
    %dma_start3A_280 = tpu.memref_slice %arg6[%add3A_277] : memref<26214400xf32, #tpu.memory_space<hbm>> -> memref<4096xf32, #tpu.memory_space<hbm>>
    %dma_start3A_281 = tpu.memref_slice %arg6[%add3A_277] : memref<26214400xf32, #tpu.memory_space<hbm>> -> memref<4096xf32, #tpu.memory_space<hbm>>
    %dma_start3A_282 = arith.constant 12288 : i32
    %dma_start3A_283 = tpu.memref_slice %arg14[%dma_start3A_282] : memref<32768xf32, #tpu.memory_space<vmem>> -> memref<4096xf32, #tpu.memory_space<vmem>>
    tpu.enqueue_dma source(%dma_start3A_283 : memref<4096xf32, #tpu.memory_space<vmem>>) target(%dma_start3A_281 : memref<4096xf32, #tpu.memory_space<hbm>>) target_semaphore(%arg18 : memref<!tpu.dma_semaphore, #tpu.memory_space<semaphore_mem>>)
    %add3A_284 = arith.constant 524288 : i32
    %add3A_285 = arith.addi %add3A_251, %add3A_284 : i32
    %dma_start3A_286 = arith.constant 16384 : i32
    %dma_start3A_287 = tpu.memref_slice %arg14[%dma_start3A_286] : memref<32768xf32, #tpu.memory_space<vmem>> -> memref<4096xf32, #tpu.memory_space<vmem>>
    %dma_start3A_288 = tpu.memref_slice %arg6[%add3A_285] : memref<26214400xf32, #tpu.memory_space<hbm>> -> memref<4096xf32, #tpu.memory_space<hbm>>
    %dma_start3A_289 = tpu.memref_slice %arg6[%add3A_285] : memref<26214400xf32, #tpu.memory_space<hbm>> -> memref<4096xf32, #tpu.memory_space<hbm>>
    %dma_start3A_290 = arith.constant 16384 : i32
    %dma_start3A_291 = tpu.memref_slice %arg14[%dma_start3A_290] : memref<32768xf32, #tpu.memory_space<vmem>> -> memref<4096xf32, #tpu.memory_space<vmem>>
    tpu.enqueue_dma source(%dma_start3A_291 : memref<4096xf32, #tpu.memory_space<vmem>>) target(%dma_start3A_289 : memref<4096xf32, #tpu.memory_space<hbm>>) target_semaphore(%arg18 : memref<!tpu.dma_semaphore, #tpu.memory_space<semaphore_mem>>)
    %add3A_292 = arith.constant 655360 : i32
    %add3A_293 = arith.addi %add3A_251, %add3A_292 : i32
    %dma_start3A_294 = arith.constant 20480 : i32
    %dma_start3A_295 = tpu.memref_slice %arg14[%dma_start3A_294] : memref<32768xf32, #tpu.memory_space<vmem>> -> memref<4096xf32, #tpu.memory_space<vmem>>
    %dma_start3A_296 = tpu.memref_slice %arg6[%add3A_293] : memref<26214400xf32, #tpu.memory_space<hbm>> -> memref<4096xf32, #tpu.memory_space<hbm>>
    %dma_start3A_297 = tpu.memref_slice %arg6[%add3A_293] : memref<26214400xf32, #tpu.memory_space<hbm>> -> memref<4096xf32, #tpu.memory_space<hbm>>
    %dma_start3A_298 = arith.constant 20480 : i32
    %dma_start3A_299 = tpu.memref_slice %arg14[%dma_start3A_298] : memref<32768xf32, #tpu.memory_space<vmem>> -> memref<4096xf32, #tpu.memory_space<vmem>>
    tpu.enqueue_dma source(%dma_start3A_299 : memref<4096xf32, #tpu.memory_space<vmem>>) target(%dma_start3A_297 : memref<4096xf32, #tpu.memory_space<hbm>>) target_semaphore(%arg18 : memref<!tpu.dma_semaphore, #tpu.memory_space<semaphore_mem>>)
    %add3A_300 = arith.constant 786432 : i32
    %add3A_301 = arith.addi %add3A_251, %add3A_300 : i32
    %dma_start3A_302 = arith.constant 24576 : i32
    %dma_start3A_303 = tpu.memref_slice %arg14[%dma_start3A_302] : memref<32768xf32, #tpu.memory_space<vmem>> -> memref<4096xf32, #tpu.memory_space<vmem>>
    %dma_start3A_304 = tpu.memref_slice %arg6[%add3A_301] : memref<26214400xf32, #tpu.memory_space<hbm>> -> memref<4096xf32, #tpu.memory_space<hbm>>
    %dma_start3A_305 = tpu.memref_slice %arg6[%add3A_301] : memref<26214400xf32, #tpu.memory_space<hbm>> -> memref<4096xf32, #tpu.memory_space<hbm>>
    %dma_start3A_306 = arith.constant 24576 : i32
    %dma_start3A_307 = tpu.memref_slice %arg14[%dma_start3A_306] : memref<32768xf32, #tpu.memory_space<vmem>> -> memref<4096xf32, #tpu.memory_space<vmem>>
    tpu.enqueue_dma source(%dma_start3A_307 : memref<4096xf32, #tpu.memory_space<vmem>>) target(%dma_start3A_305 : memref<4096xf32, #tpu.memory_space<hbm>>) target_semaphore(%arg18 : memref<!tpu.dma_semaphore, #tpu.memory_space<semaphore_mem>>)
    %add3A_308 = arith.constant 917504 : i32
    %add3A_309 = arith.addi %add3A_251, %add3A_308 : i32
    %dma_start3A_310 = arith.constant 28672 : i32
    %dma_start3A_311 = tpu.memref_slice %arg14[%dma_start3A_310] : memref<32768xf32, #tpu.memory_space<vmem>> -> memref<4096xf32, #tpu.memory_space<vmem>>
    %dma_start3A_312 = tpu.memref_slice %arg6[%add3A_309] : memref<26214400xf32, #tpu.memory_space<hbm>> -> memref<4096xf32, #tpu.memory_space<hbm>>
    %dma_start3A_313 = tpu.memref_slice %arg6[%add3A_309] : memref<26214400xf32, #tpu.memory_space<hbm>> -> memref<4096xf32, #tpu.memory_space<hbm>>
    %dma_start3A_314 = arith.constant 28672 : i32
    %dma_start3A_315 = tpu.memref_slice %arg14[%dma_start3A_314] : memref<32768xf32, #tpu.memory_space<vmem>> -> memref<4096xf32, #tpu.memory_space<vmem>>
    tpu.enqueue_dma source(%dma_start3A_315 : memref<4096xf32, #tpu.memory_space<vmem>>) target(%dma_start3A_313 : memref<4096xf32, #tpu.memory_space<hbm>>) target_semaphore(%arg18 : memref<!tpu.dma_semaphore, #tpu.memory_space<semaphore_mem>>)
    %add3A_316 = arith.constant 3 : i32
    %add3A_317 = arith.addi %mul3A_2, %add3A_316 : i32
    %mul3A_318 = arith.constant 4096 : i32
    %mul3A_319 = arith.muli %add3A_317, %mul3A_318 : i32
    %dma_start3A_320 = tpu.memref_slice %arg5[%mul3A_319] : memref<3276800xi32, #tpu.memory_space<hbm>> -> memref<4096xi32, #tpu.memory_space<hbm>>
    %dma_start3A_321 = tpu.memref_slice %arg5[%mul3A_319] : memref<3276800xi32, #tpu.memory_space<hbm>> -> memref<4096xi32, #tpu.memory_space<hbm>>
    tpu.enqueue_dma source(%dma_start3A_321 : memref<4096xi32, #tpu.memory_space<hbm>>) target(%arg12 : memref<4096xi32, #tpu.memory_space<vmem>>) target_semaphore(%arg16 : memref<!tpu.dma_semaphore, #tpu.memory_space<semaphore_mem>>)
    %scan3A_322 = arith.constant 0 : i32
    %scan3A_323 = arith.constant 1 : i32
    %scan3A_324 = arith.constant 11 : i32
    %scan3A_325 = arith.addi %scan3A_323, %scan3A_324 : i32
    %scan3A_326 = arith.constant 1 : i32
    scf.for %scan3A_464 = %scan3A_323 to %scan3A_325 step %scan3A_326  : i32 {
      %mul3A_465 = arith.constant 2 : i32
      %mul3A_466 = arith.muli %scan3A_464, %mul3A_465 : i32
      %add3A_467 = arith.constant 0 : i32
      %add3A_468 = arith.addi %mul3A_466, %add3A_467 : i32
      %add3A_469 = arith.addi %mul3A_2, %add3A_468 : i32
      %mul3A_470 = arith.constant 4096 : i32
      %mul3A_471 = arith.muli %add3A_469, %mul3A_470 : i32
      %dma_wait3A_472 = tpu.memref_slice %arg5[%mul3A_471] : memref<3276800xi32, #tpu.memory_space<hbm>> -> memref<4096xi32, #tpu.memory_space<hbm>>
      %dma_wait3A_473 = tpu.memref_slice %arg5[%mul3A_471] : memref<3276800xi32, #tpu.memory_space<hbm>> -> memref<4096xi32, #tpu.memory_space<hbm>>
      tpu.wait_dma2 semaphore(%arg15 : memref<!tpu.dma_semaphore, #tpu.memory_space<semaphore_mem>>) src(%dma_wait3A_473 : memref<4096xi32, #tpu.memory_space<hbm>>) dst(%arg11 : memref<4096xi32, #tpu.memory_space<vmem>>)
      %dma_wait3A_474 = arith.constant 0 : i32
      %dma_wait3A_475 = tpu.memref_slice %arg6[%dma_wait3A_474] : memref<26214400xf32, #tpu.memory_space<hbm>> -> memref<32768xf32, #tpu.memory_space<hbm>>
      %dma_wait3A_476 = arith.constant 0 : i32
      %dma_wait3A_477 = tpu.memref_slice %arg6[%dma_wait3A_476] : memref<26214400xf32, #tpu.memory_space<hbm>> -> memref<32768xf32, #tpu.memory_space<hbm>>
      tpu.wait_dma2 semaphore(%arg17 : memref<!tpu.dma_semaphore, #tpu.memory_space<semaphore_mem>>) src(%arg13 : memref<32768xf32, #tpu.memory_space<vmem>>) dst(%dma_wait3A_477 : memref<32768xf32, #tpu.memory_space<hbm>>)
      %parallel_loop3A_478 = arith.constant 0 : i32
      %parallel_loop3A_479 = arith.constant 4096 : i32
      %parallel_loop3A_480 = arith.constant 16 : i32
      scf.for %parallel_loop3A_737 = %parallel_loop3A_478 to %parallel_loop3A_479 step %parallel_loop3A_480  : i32 {
        %parallel_loop3A_738 = arith.index_cast %parallel_loop3A_737 : i32 to index
        %parallel_loop3A_739 = tpu.vector_load %arg11[%parallel_loop3A_738] {strides = array<i32>} : memref<4096xi32, #tpu.memory_space<vmem>>, vector<16xi32>,
        %parallel_loop3A_740 = arith.constant 7 : i32
        %parallel_loop3A_741 = arith.shrsi %parallel_loop3A_737, %parallel_loop3A_740 : i32
        %parallel_loop3A_742 = arith.constant 7 : i32
        %parallel_loop3A_743 = arith.andi %parallel_loop3A_741, %parallel_loop3A_742 : i32
        %parallel_loop3A_744 = arith.constant 4096 : i32
        %parallel_loop3A_745 = arith.muli %parallel_loop3A_743, %parallel_loop3A_744 : i32
        %parallel_loop3A_746 = arith.constant 10 : i32
        %parallel_loop3A_747 = arith.shrsi %parallel_loop3A_737, %parallel_loop3A_746 : i32
        %parallel_loop3A_748 = arith.constant 10 : i32
        %parallel_loop3A_749 = arith.shli %parallel_loop3A_747, %parallel_loop3A_748 : i32
        %parallel_loop3A_750 = arith.ori %parallel_loop3A_745, %parallel_loop3A_749 : i32
        %parallel_loop3A_751 = arith.constant 127 : i32
        %parallel_loop3A_752 = arith.andi %parallel_loop3A_737, %parallel_loop3A_751 : i32
        %parallel_loop3A_753 = arith.ori %parallel_loop3A_750, %parallel_loop3A_752 : i32
        %parallel_loop3A_754 = arith.constant 0 : i32
        %parallel_loop3A_755 = vector.broadcast %parallel_loop3A_754 : i32 to vector<16xi32>
        %parallel_loop3A_756 = tpu.vector_load_idx %arg10[%parallel_loop3A_755, %parallel_loop3A_739] : memref<8x8xf32, #tpu.memory_space<vmem>>[vector<16xi32>, vector<16xi32>], vector<16xf32>,
        %parallel_loop3A_757 = arith.constant 0 : i32
        %parallel_loop3A_758 = arith.addi %parallel_loop3A_753, %parallel_loop3A_757 : i32
        %parallel_loop3A_759 = arith.index_cast %parallel_loop3A_758 : i32 to index
        %parallel_loop3A_760 = tpu.vector_load %arg13[%parallel_loop3A_759] {strides = array<i32>} : memref<32768xf32, #tpu.memory_space<vmem>>, vector<16xf32>,
        tpu.vector_store %arg13[%parallel_loop3A_759], %parallel_loop3A_756 {strides = array<i32>} : memref<32768xf32, #tpu.memory_space<vmem>>, vector<16xf32>,
        %parallel_loop3A_761 = arith.constant 1 : i32
        %parallel_loop3A_762 = vector.broadcast %parallel_loop3A_761 : i32 to vector<16xi32>
        %parallel_loop3A_763 = tpu.vector_load_idx %arg10[%parallel_loop3A_762, %parallel_loop3A_739] : memref<8x8xf32, #tpu.memory_space<vmem>>[vector<16xi32>, vector<16xi32>], vector<16xf32>,
        %parallel_loop3A_764 = arith.constant 128 : i32
        %parallel_loop3A_765 = arith.addi %parallel_loop3A_753, %parallel_loop3A_764 : i32
        %parallel_loop3A_766 = arith.index_cast %parallel_loop3A_765 : i32 to index
        %parallel_loop3A_767 = tpu.vector_load %arg13[%parallel_loop3A_766] {strides = array<i32>} : memref<32768xf32, #tpu.memory_space<vmem>>, vector<16xf32>,
        tpu.vector_store %arg13[%parallel_loop3A_766], %parallel_loop3A_763 {strides = array<i32>} : memref<32768xf32, #tpu.memory_space<vmem>>, vector<16xf32>,
        %parallel_loop3A_768 = arith.constant 2 : i32
        %parallel_loop3A_769 = vector.broadcast %parallel_loop3A_768 : i32 to vector<16xi32>
        %parallel_loop3A_770 = tpu.vector_load_idx %arg10[%parallel_loop3A_769, %parallel_loop3A_739] : memref<8x8xf32, #tpu.memory_space<vmem>>[vector<16xi32>, vector<16xi32>], vector<16xf32>,
        %parallel_loop3A_771 = arith.constant 256 : i32
        %parallel_loop3A_772 = arith.addi %parallel_loop3A_753, %parallel_loop3A_771 : i32
        %parallel_loop3A_773 = arith.index_cast %parallel_loop3A_772 : i32 to index
        %parallel_loop3A_774 = tpu.vector_load %arg13[%parallel_loop3A_773] {strides = array<i32>} : memref<32768xf32, #tpu.memory_space<vmem>>, vector<16xf32>,
        tpu.vector_store %arg13[%parallel_loop3A_773], %parallel_loop3A_770 {strides = array<i32>} : memref<32768xf32, #tpu.memory_space<vmem>>, vector<16xf32>,
        %parallel_loop3A_775 = arith.constant 3 : i32
        %parallel_loop3A_776 = vector.broadcast %parallel_loop3A_775 : i32 to vector<16xi32>
        %parallel_loop3A_777 = tpu.vector_load_idx %arg10[%parallel_loop3A_776, %parallel_loop3A_739] : memref<8x8xf32, #tpu.memory_space<vmem>>[vector<16xi32>, vector<16xi32>], vector<16xf32>,
        %parallel_loop3A_778 = arith.constant 384 : i32
        %parallel_loop3A_779 = arith.addi %parallel_loop3A_753, %parallel_loop3A_778 : i32
        %parallel_loop3A_780 = arith.index_cast %parallel_loop3A_779 : i32 to index
        %parallel_loop3A_781 = tpu.vector_load %arg13[%parallel_loop3A_780] {strides = array<i32>} : memref<32768xf32, #tpu.memory_space<vmem>>, vector<16xf32>,
        tpu.vector_store %arg13[%parallel_loop3A_780], %parallel_loop3A_777 {strides = array<i32>} : memref<32768xf32, #tpu.memory_space<vmem>>, vector<16xf32>,
        %parallel_loop3A_782 = arith.constant 4 : i32
        %parallel_loop3A_783 = vector.broadcast %parallel_loop3A_782 : i32 to vector<16xi32>
        %parallel_loop3A_784 = tpu.vector_load_idx %arg10[%parallel_loop3A_783, %parallel_loop3A_739] : memref<8x8xf32, #tpu.memory_space<vmem>>[vector<16xi32>, vector<16xi32>], vector<16xf32>,
        %parallel_loop3A_785 = arith.constant 512 : i32
        %parallel_loop3A_786 = arith.addi %parallel_loop3A_753, %parallel_loop3A_785 : i32
        %parallel_loop3A_787 = arith.index_cast %parallel_loop3A_786 : i32 to index
        %parallel_loop3A_788 = tpu.vector_load %arg13[%parallel_loop3A_787] {strides = array<i32>} : memref<32768xf32, #tpu.memory_space<vmem>>, vector<16xf32>,
        tpu.vector_store %arg13[%parallel_loop3A_787], %parallel_loop3A_784 {strides = array<i32>} : memref<32768xf32, #tpu.memory_space<vmem>>, vector<16xf32>,
        %parallel_loop3A_789 = arith.constant 5 : i32
        %parallel_loop3A_790 = vector.broadcast %parallel_loop3A_789 : i32 to vector<16xi32>
        %parallel_loop3A_791 = tpu.vector_load_idx %arg10[%parallel_loop3A_790, %parallel_loop3A_739] : memref<8x8xf32, #tpu.memory_space<vmem>>[vector<16xi32>, vector<16xi32>], vector<16xf32>,
        %parallel_loop3A_792 = arith.constant 640 : i32
        %parallel_loop3A_793 = arith.addi %parallel_loop3A_753, %parallel_loop3A_792 : i32
        %parallel_loop3A_794 = arith.index_cast %parallel_loop3A_793 : i32 to index
        %parallel_loop3A_795 = tpu.vector_load %arg13[%parallel_loop3A_794] {strides = array<i32>} : memref<32768xf32, #tpu.memory_space<vmem>>, vector<16xf32>,
        tpu.vector_store %arg13[%parallel_loop3A_794], %parallel_loop3A_791 {strides = array<i32>} : memref<32768xf32, #tpu.memory_space<vmem>>, vector<16xf32>,
        %parallel_loop3A_796 = arith.constant 6 : i32
        %parallel_loop3A_797 = vector.broadcast %parallel_loop3A_796 : i32 to vector<16xi32>
        %parallel_loop3A_798 = tpu.vector_load_idx %arg10[%parallel_loop3A_797, %parallel_loop3A_739] : memref<8x8xf32, #tpu.memory_space<vmem>>[vector<16xi32>, vector<16xi32>], vector<16xf32>,
        %parallel_loop3A_799 = arith.constant 768 : i32
        %parallel_loop3A_800 = arith.addi %parallel_loop3A_753, %parallel_loop3A_799 : i32
        %parallel_loop3A_801 = arith.index_cast %parallel_loop3A_800 : i32 to index
        %parallel_loop3A_802 = tpu.vector_load %arg13[%parallel_loop3A_801] {strides = array<i32>} : memref<32768xf32, #tpu.memory_space<vmem>>, vector<16xf32>,
        tpu.vector_store %arg13[%parallel_loop3A_801], %parallel_loop3A_798 {strides = array<i32>} : memref<32768xf32, #tpu.memory_space<vmem>>, vector<16xf32>,
        %parallel_loop3A_803 = arith.constant 7 : i32
        %parallel_loop3A_804 = vector.broadcast %parallel_loop3A_803 : i32 to vector<16xi32>
        %parallel_loop3A_805 = tpu.vector_load_idx %arg10[%parallel_loop3A_804, %parallel_loop3A_739] : memref<8x8xf32, #tpu.memory_space<vmem>>[vector<16xi32>, vector<16xi32>], vector<16xf32>,
        %parallel_loop3A_806 = arith.constant 896 : i32
        %parallel_loop3A_807 = arith.addi %parallel_loop3A_753, %parallel_loop3A_806 : i32
        %parallel_loop3A_808 = arith.index_cast %parallel_loop3A_807 : i32 to index
        %parallel_loop3A_809 = tpu.vector_load %arg13[%parallel_loop3A_808] {strides = array<i32>} : memref<32768xf32, #tpu.memory_space<vmem>>, vector<16xf32>,
        tpu.vector_store %arg13[%parallel_loop3A_808], %parallel_loop3A_805 {strides = array<i32>} : memref<32768xf32, #tpu.memory_space<vmem>>, vector<16xf32>,
      } {sc.loop_unroll_factor = 8 : i64, sc.parallel_access}
      %add3A_481 = arith.addi %mul3A_2, %add3A_468 : i32
      %jit3A_482 = arith.constant 32 : i32
      %div3A_483 = arith.divsi %add3A_481, %jit3A_482 : i32
      %sign3A_484 = arith.constant 0 : i32
      %sign3A_485 = arith.cmpi sgt, %add3A_481, %sign3A_484 : i32
      %sign3A_486 = arith.extui %sign3A_485 : i1 to i32
      %sign3A_487 = arith.constant 0 : i32
      %sign3A_488 = arith.cmpi slt, %add3A_481, %sign3A_487 : i32
      %sign3A_489 = arith.extui %sign3A_488 : i1 to i32
      %sign3A_490 = arith.subi %sign3A_486, %sign3A_489 : i32
      %sign3A_491 = arith.constant 0 : i32
      %sign3A_492 = arith.cmpi sgt, %jit3A_482, %sign3A_491 : i32
      %sign3A_493 = arith.extui %sign3A_492 : i1 to i32
      %sign3A_494 = arith.constant 0 : i32
      %sign3A_495 = arith.cmpi slt, %jit3A_482, %sign3A_494 : i32
      %sign3A_496 = arith.extui %sign3A_495 : i1 to i32
      %sign3A_497 = arith.subi %sign3A_493, %sign3A_496 : i32
      %ne3A_498 = arith.cmpi ne, %sign3A_490, %sign3A_497 : i32
      %rem3A_499 = arith.remsi %add3A_481, %jit3A_482 : i32
      %ne3A_500 = arith.constant 0 : i32
      %ne3A_501 = arith.cmpi ne, %rem3A_499, %ne3A_500 : i32
      %and3A_502 = arith.andi %ne3A_498, %ne3A_501 : i1
      %sub3A_503 = arith.constant 1 : i32
      %sub3A_504 = arith.subi %div3A_483, %sub3A_503 : i32
      %select_n3A_505 = arith.select %and3A_502, %sub3A_504, %div3A_483 : i32
      %jit3A_506 = arith.constant 32 : i32
      %eq3A_507 = arith.constant 0 : i32
      %eq3A_508 = arith.cmpi eq, %jit3A_506, %eq3A_507 : i32
      %jit3A_509 = arith.constant 1 : i32
      %select_n3A_510 = arith.select %eq3A_508, %jit3A_509, %jit3A_506 : i32
      %rem3A_511 = arith.remsi %add3A_481, %select_n3A_510 : i32
      %ne3A_512 = arith.constant 0 : i32
      %ne3A_513 = arith.cmpi ne, %rem3A_511, %ne3A_512 : i32
      %lt3A_514 = arith.constant 0 : i32
      %lt3A_515 = arith.cmpi slt, %rem3A_511, %lt3A_514 : i32
      %lt3A_516 = arith.constant 0 : i32
      %lt3A_517 = arith.cmpi slt, %select_n3A_510, %lt3A_516 : i32
      %ne3A_518 = arith.xori %lt3A_515, %lt3A_517 : i1
      %and3A_519 = arith.andi %ne3A_518, %ne3A_513 : i1
      %add3A_520 = arith.addi %rem3A_511, %select_n3A_510 : i32
      %select_n3A_521 = arith.select %and3A_519, %add3A_520, %rem3A_511 : i32
      %mul3A_522 = arith.constant 4 : i32
      %mul3A_523 = arith.muli %select_n3A_521, %mul3A_522 : i32
      %mul3A_524 = arith.constant 8 : i32
      %mul3A_525 = arith.muli %select_n3A_505, %mul3A_524 : i32
      %mul3A_526 = arith.constant 131072 : i32
      %mul3A_527 = arith.muli %mul3A_525, %mul3A_526 : i32
      %mul3A_528 = arith.constant 1024 : i32
      %mul3A_529 = arith.muli %mul3A_523, %mul3A_528 : i32
      %add3A_530 = arith.addi %mul3A_527, %mul3A_529 : i32
      %add3A_531 = arith.constant 0 : i32
      %add3A_532 = arith.addi %add3A_530, %add3A_531 : i32
      %dma_start3A_533 = arith.constant 0 : i32
      %dma_start3A_534 = tpu.memref_slice %arg13[%dma_start3A_533] : memref<32768xf32, #tpu.memory_space<vmem>> -> memref<4096xf32, #tpu.memory_space<vmem>>
      %dma_start3A_535 = tpu.memref_slice %arg6[%add3A_532] : memref<26214400xf32, #tpu.memory_space<hbm>> -> memref<4096xf32, #tpu.memory_space<hbm>>
      %dma_start3A_536 = tpu.memref_slice %arg6[%add3A_532] : memref<26214400xf32, #tpu.memory_space<hbm>> -> memref<4096xf32, #tpu.memory_space<hbm>>
      %dma_start3A_537 = arith.constant 0 : i32
      %dma_start3A_538 = tpu.memref_slice %arg13[%dma_start3A_537] : memref<32768xf32, #tpu.memory_space<vmem>> -> memref<4096xf32, #tpu.memory_space<vmem>>
      tpu.enqueue_dma source(%dma_start3A_538 : memref<4096xf32, #tpu.memory_space<vmem>>) target(%dma_start3A_536 : memref<4096xf32, #tpu.memory_space<hbm>>) target_semaphore(%arg17 : memref<!tpu.dma_semaphore, #tpu.memory_space<semaphore_mem>>)
      %add3A_539 = arith.constant 131072 : i32
      %add3A_540 = arith.addi %add3A_530, %add3A_539 : i32
      %dma_start3A_541 = arith.constant 4096 : i32
      %dma_start3A_542 = tpu.memref_slice %arg13[%dma_start3A_541] : memref<32768xf32, #tpu.memory_space<vmem>> -> memref<4096xf32, #tpu.memory_space<vmem>>
      %dma_start3A_543 = tpu.memref_slice %arg6[%add3A_540] : memref<26214400xf32, #tpu.memory_space<hbm>> -> memref<4096xf32, #tpu.memory_space<hbm>>
      %dma_start3A_544 = tpu.memref_slice %arg6[%add3A_540] : memref<26214400xf32, #tpu.memory_space<hbm>> -> memref<4096xf32, #tpu.memory_space<hbm>>
      %dma_start3A_545 = arith.constant 4096 : i32
      %dma_start3A_546 = tpu.memref_slice %arg13[%dma_start3A_545] : memref<32768xf32, #tpu.memory_space<vmem>> -> memref<4096xf32, #tpu.memory_space<vmem>>
      tpu.enqueue_dma source(%dma_start3A_546 : memref<4096xf32, #tpu.memory_space<vmem>>) target(%dma_start3A_544 : memref<4096xf32, #tpu.memory_space<hbm>>) target_semaphore(%arg17 : memref<!tpu.dma_semaphore, #tpu.memory_space<semaphore_mem>>)
      %add3A_547 = arith.constant 262144 : i32
      %add3A_548 = arith.addi %add3A_530, %add3A_547 : i32
      %dma_start3A_549 = arith.constant 8192 : i32
      %dma_start3A_550 = tpu.memref_slice %arg13[%dma_start3A_549] : memref<32768xf32, #tpu.memory_space<vmem>> -> memref<4096xf32, #tpu.memory_space<vmem>>
      %dma_start3A_551 = tpu.memref_slice %arg6[%add3A_548] : memref<26214400xf32, #tpu.memory_space<hbm>> -> memref<4096xf32, #tpu.memory_space<hbm>>
      %dma_start3A_552 = tpu.memref_slice %arg6[%add3A_548] : memref<26214400xf32, #tpu.memory_space<hbm>> -> memref<4096xf32, #tpu.memory_space<hbm>>
      %dma_start3A_553 = arith.constant 8192 : i32
      %dma_start3A_554 = tpu.memref_slice %arg13[%dma_start3A_553] : memref<32768xf32, #tpu.memory_space<vmem>> -> memref<4096xf32, #tpu.memory_space<vmem>>
      tpu.enqueue_dma source(%dma_start3A_554 : memref<4096xf32, #tpu.memory_space<vmem>>) target(%dma_start3A_552 : memref<4096xf32, #tpu.memory_space<hbm>>) target_semaphore(%arg17 : memref<!tpu.dma_semaphore, #tpu.memory_space<semaphore_mem>>)
      %add3A_555 = arith.constant 393216 : i32
      %add3A_556 = arith.addi %add3A_530, %add3A_555 : i32
      %dma_start3A_557 = arith.constant 12288 : i32
      %dma_start3A_558 = tpu.memref_slice %arg13[%dma_start3A_557] : memref<32768xf32, #tpu.memory_space<vmem>> -> memref<4096xf32, #tpu.memory_space<vmem>>
      %dma_start3A_559 = tpu.memref_slice %arg6[%add3A_556] : memref<26214400xf32, #tpu.memory_space<hbm>> -> memref<4096xf32, #tpu.memory_space<hbm>>
      %dma_start3A_560 = tpu.memref_slice %arg6[%add3A_556] : memref<26214400xf32, #tpu.memory_space<hbm>> -> memref<4096xf32, #tpu.memory_space<hbm>>
      %dma_start3A_561 = arith.constant 12288 : i32
      %dma_start3A_562 = tpu.memref_slice %arg13[%dma_start3A_561] : memref<32768xf32, #tpu.memory_space<vmem>> -> memref<4096xf32, #tpu.memory_space<vmem>>
      tpu.enqueue_dma source(%dma_start3A_562 : memref<4096xf32, #tpu.memory_space<vmem>>) target(%dma_start3A_560 : memref<4096xf32, #tpu.memory_space<hbm>>) target_semaphore(%arg17 : memref<!tpu.dma_semaphore, #tpu.memory_space<semaphore_mem>>)
      %add3A_563 = arith.constant 524288 : i32
      %add3A_564 = arith.addi %add3A_530, %add3A_563 : i32
      %dma_start3A_565 = arith.constant 16384 : i32
      %dma_start3A_566 = tpu.memref_slice %arg13[%dma_start3A_565] : memref<32768xf32, #tpu.memory_space<vmem>> -> memref<4096xf32, #tpu.memory_space<vmem>>
      %dma_start3A_567 = tpu.memref_slice %arg6[%add3A_564] : memref<26214400xf32, #tpu.memory_space<hbm>> -> memref<4096xf32, #tpu.memory_space<hbm>>
      %dma_start3A_568 = tpu.memref_slice %arg6[%add3A_564] : memref<26214400xf32, #tpu.memory_space<hbm>> -> memref<4096xf32, #tpu.memory_space<hbm>>
      %dma_start3A_569 = arith.constant 16384 : i32
      %dma_start3A_570 = tpu.memref_slice %arg13[%dma_start3A_569] : memref<32768xf32, #tpu.memory_space<vmem>> -> memref<4096xf32, #tpu.memory_space<vmem>>
      tpu.enqueue_dma source(%dma_start3A_570 : memref<4096xf32, #tpu.memory_space<vmem>>) target(%dma_start3A_568 : memref<4096xf32, #tpu.memory_space<hbm>>) target_semaphore(%arg17 : memref<!tpu.dma_semaphore, #tpu.memory_space<semaphore_mem>>)
      %add3A_571 = arith.constant 655360 : i32
      %add3A_572 = arith.addi %add3A_530, %add3A_571 : i32
      %dma_start3A_573 = arith.constant 20480 : i32
      %dma_start3A_574 = tpu.memref_slice %arg13[%dma_start3A_573] : memref<32768xf32, #tpu.memory_space<vmem>> -> memref<4096xf32, #tpu.memory_space<vmem>>
      %dma_start3A_575 = tpu.memref_slice %arg6[%add3A_572] : memref<26214400xf32, #tpu.memory_space<hbm>> -> memref<4096xf32, #tpu.memory_space<hbm>>
      %dma_start3A_576 = tpu.memref_slice %arg6[%add3A_572] : memref<26214400xf32, #tpu.memory_space<hbm>> -> memref<4096xf32, #tpu.memory_space<hbm>>
      %dma_start3A_577 = arith.constant 20480 : i32
      %dma_start3A_578 = tpu.memref_slice %arg13[%dma_start3A_577] : memref<32768xf32, #tpu.memory_space<vmem>> -> memref<4096xf32, #tpu.memory_space<vmem>>
      tpu.enqueue_dma source(%dma_start3A_578 : memref<4096xf32, #tpu.memory_space<vmem>>) target(%dma_start3A_576 : memref<4096xf32, #tpu.memory_space<hbm>>) target_semaphore(%arg17 : memref<!tpu.dma_semaphore, #tpu.memory_space<semaphore_mem>>)
      %add3A_579 = arith.constant 786432 : i32
      %add3A_580 = arith.addi %add3A_530, %add3A_579 : i32
      %dma_start3A_581 = arith.constant 24576 : i32
      %dma_start3A_582 = tpu.memref_slice %arg13[%dma_start3A_581] : memref<32768xf32, #tpu.memory_space<vmem>> -> memref<4096xf32, #tpu.memory_space<vmem>>
      %dma_start3A_583 = tpu.memref_slice %arg6[%add3A_580] : memref<26214400xf32, #tpu.memory_space<hbm>> -> memref<4096xf32, #tpu.memory_space<hbm>>
      %dma_start3A_584 = tpu.memref_slice %arg6[%add3A_580] : memref<26214400xf32, #tpu.memory_space<hbm>> -> memref<4096xf32, #tpu.memory_space<hbm>>
      %dma_start3A_585 = arith.constant 24576 : i32
      %dma_start3A_586 = tpu.memref_slice %arg13[%dma_start3A_585] : memref<32768xf32, #tpu.memory_space<vmem>> -> memref<4096xf32, #tpu.memory_space<vmem>>
      tpu.enqueue_dma source(%dma_start3A_586 : memref<4096xf32, #tpu.memory_space<vmem>>) target(%dma_start3A_584 : memref<4096xf32, #tpu.memory_space<hbm>>) target_semaphore(%arg17 : memref<!tpu.dma_semaphore, #tpu.memory_space<semaphore_mem>>)
      %add3A_587 = arith.constant 917504 : i32
      %add3A_588 = arith.addi %add3A_530, %add3A_587 : i32
      %dma_start3A_589 = arith.constant 28672 : i32
      %dma_start3A_590 = tpu.memref_slice %arg13[%dma_start3A_589] : memref<32768xf32, #tpu.memory_space<vmem>> -> memref<4096xf32, #tpu.memory_space<vmem>>
      %dma_start3A_591 = tpu.memref_slice %arg6[%add3A_588] : memref<26214400xf32, #tpu.memory_space<hbm>> -> memref<4096xf32, #tpu.memory_space<hbm>>
      %dma_start3A_592 = tpu.memref_slice %arg6[%add3A_588] : memref<26214400xf32, #tpu.memory_space<hbm>> -> memref<4096xf32, #tpu.memory_space<hbm>>
      %dma_start3A_593 = arith.constant 28672 : i32
      %dma_start3A_594 = tpu.memref_slice %arg13[%dma_start3A_593] : memref<32768xf32, #tpu.memory_space<vmem>> -> memref<4096xf32, #tpu.memory_space<vmem>>
      tpu.enqueue_dma source(%dma_start3A_594 : memref<4096xf32, #tpu.memory_space<vmem>>) target(%dma_start3A_592 : memref<4096xf32, #tpu.memory_space<hbm>>) target_semaphore(%arg17 : memref<!tpu.dma_semaphore, #tpu.memory_space<semaphore_mem>>)
      %add3A_595 = arith.constant 2 : i32
      %add3A_596 = arith.addi %add3A_468, %add3A_595 : i32
      %lt3A_597 = arith.constant 25 : i32
      %lt3A_598 = arith.cmpi slt, %add3A_596, %lt3A_597 : i32
      %convert_element_type3A = arith.extui %lt3A_598 : i1 to i32
      %cond3A = arith.constant 0 : i32
      %cond3A_599 = arith.cmpi ne, %convert_element_type3A, %cond3A : i32
      scf.if %cond3A_599 {
        %add3A_737 = arith.constant 2 : i32
        %add3A_738 = arith.addi %add3A_468, %add3A_737 : i32
        %add3A_739 = arith.addi %mul3A_2, %add3A_738 : i32
        %mul3A_740 = arith.constant 4096 : i32
        %mul3A_741 = arith.muli %add3A_739, %mul3A_740 : i32
        %dma_start3A_742 = tpu.memref_slice %arg5[%mul3A_741] : memref<3276800xi32, #tpu.memory_space<hbm>> -> memref<4096xi32, #tpu.memory_space<hbm>>
        %dma_start3A_743 = tpu.memref_slice %arg5[%mul3A_741] : memref<3276800xi32, #tpu.memory_space<hbm>> -> memref<4096xi32, #tpu.memory_space<hbm>>
        tpu.enqueue_dma source(%dma_start3A_743 : memref<4096xi32, #tpu.memory_space<hbm>>) target(%arg11 : memref<4096xi32, #tpu.memory_space<vmem>>) target_semaphore(%arg15 : memref<!tpu.dma_semaphore, #tpu.memory_space<semaphore_mem>>)
      } else {
      }
      %mul3A_600 = arith.constant 2 : i32
      %mul3A_601 = arith.muli %scan3A_464, %mul3A_600 : i32
      %add3A_602 = arith.constant 1 : i32
      %add3A_603 = arith.addi %mul3A_601, %add3A_602 : i32
      %add3A_604 = arith.addi %mul3A_2, %add3A_603 : i32
      %mul3A_605 = arith.constant 4096 : i32
      %mul3A_606 = arith.muli %add3A_604, %mul3A_605 : i32
      %dma_wait3A_607 = tpu.memref_slice %arg5[%mul3A_606] : memref<3276800xi32, #tpu.memory_space<hbm>> -> memref<4096xi32, #tpu.memory_space<hbm>>
      %dma_wait3A_608 = tpu.memref_slice %arg5[%mul3A_606] : memref<3276800xi32, #tpu.memory_space<hbm>> -> memref<4096xi32, #tpu.memory_space<hbm>>
      tpu.wait_dma2 semaphore(%arg16 : memref<!tpu.dma_semaphore, #tpu.memory_space<semaphore_mem>>) src(%dma_wait3A_608 : memref<4096xi32, #tpu.memory_space<hbm>>) dst(%arg12 : memref<4096xi32, #tpu.memory_space<vmem>>)
      %dma_wait3A_609 = arith.constant 0 : i32
      %dma_wait3A_610 = tpu.memref_slice %arg6[%dma_wait3A_609] : memref<26214400xf32, #tpu.memory_space<hbm>> -> memref<32768xf32, #tpu.memory_space<hbm>>
      %dma_wait3A_611 = arith.constant 0 : i32
      %dma_wait3A_612 = tpu.memref_slice %arg6[%dma_wait3A_611] : memref<26214400xf32, #tpu.memory_space<hbm>> -> memref<32768xf32, #tpu.memory_space<hbm>>
      tpu.wait_dma2 semaphore(%arg18 : memref<!tpu.dma_semaphore, #tpu.memory_space<semaphore_mem>>) src(%arg14 : memref<32768xf32, #tpu.memory_space<vmem>>) dst(%dma_wait3A_612 : memref<32768xf32, #tpu.memory_space<hbm>>)
      %parallel_loop3A_613 = arith.constant 0 : i32
      %parallel_loop3A_614 = arith.constant 4096 : i32
      %parallel_loop3A_615 = arith.constant 16 : i32
      scf.for %parallel_loop3A_737 = %parallel_loop3A_613 to %parallel_loop3A_614 step %parallel_loop3A_615  : i32 {
        %parallel_loop3A_738 = arith.index_cast %parallel_loop3A_737 : i32 to index
        %parallel_loop3A_739 = tpu.vector_load %arg12[%parallel_loop3A_738] {strides = array<i32>} : memref<4096xi32, #tpu.memory_space<vmem>>, vector<16xi32>,
        %parallel_loop3A_740 = arith.constant 7 : i32
        %parallel_loop3A_741 = arith.shrsi %parallel_loop3A_737, %parallel_loop3A_740 : i32
        %parallel_loop3A_742 = arith.constant 7 : i32
        %parallel_loop3A_743 = arith.andi %parallel_loop3A_741, %parallel_loop3A_742 : i32
        %parallel_loop3A_744 = arith.constant 4096 : i32
        %parallel_loop3A_745 = arith.muli %parallel_loop3A_743, %parallel_loop3A_744 : i32
        %parallel_loop3A_746 = arith.constant 10 : i32
        %parallel_loop3A_747 = arith.shrsi %parallel_loop3A_737, %parallel_loop3A_746 : i32
        %parallel_loop3A_748 = arith.constant 10 : i32
        %parallel_loop3A_749 = arith.shli %parallel_loop3A_747, %parallel_loop3A_748 : i32
        %parallel_loop3A_750 = arith.ori %parallel_loop3A_745, %parallel_loop3A_749 : i32
        %parallel_loop3A_751 = arith.constant 127 : i32
        %parallel_loop3A_752 = arith.andi %parallel_loop3A_737, %parallel_loop3A_751 : i32
        %parallel_loop3A_753 = arith.ori %parallel_loop3A_750, %parallel_loop3A_752 : i32
        %parallel_loop3A_754 = arith.constant 0 : i32
        %parallel_loop3A_755 = vector.broadcast %parallel_loop3A_754 : i32 to vector<16xi32>
        %parallel_loop3A_756 = tpu.vector_load_idx %arg10[%parallel_loop3A_755, %parallel_loop3A_739] : memref<8x8xf32, #tpu.memory_space<vmem>>[vector<16xi32>, vector<16xi32>], vector<16xf32>,
        %parallel_loop3A_757 = arith.constant 0 : i32
        %parallel_loop3A_758 = arith.addi %parallel_loop3A_753, %parallel_loop3A_757 : i32
        %parallel_loop3A_759 = arith.index_cast %parallel_loop3A_758 : i32 to index
        %parallel_loop3A_760 = tpu.vector_load %arg14[%parallel_loop3A_759] {strides = array<i32>} : memref<32768xf32, #tpu.memory_space<vmem>>, vector<16xf32>,
        tpu.vector_store %arg14[%parallel_loop3A_759], %parallel_loop3A_756 {strides = array<i32>} : memref<32768xf32, #tpu.memory_space<vmem>>, vector<16xf32>,
        %parallel_loop3A_761 = arith.constant 1 : i32
        %parallel_loop3A_762 = vector.broadcast %parallel_loop3A_761 : i32 to vector<16xi32>
        %parallel_loop3A_763 = tpu.vector_load_idx %arg10[%parallel_loop3A_762, %parallel_loop3A_739] : memref<8x8xf32, #tpu.memory_space<vmem>>[vector<16xi32>, vector<16xi32>], vector<16xf32>,
        %parallel_loop3A_764 = arith.constant 128 : i32
        %parallel_loop3A_765 = arith.addi %parallel_loop3A_753, %parallel_loop3A_764 : i32
        %parallel_loop3A_766 = arith.index_cast %parallel_loop3A_765 : i32 to index
        %parallel_loop3A_767 = tpu.vector_load %arg14[%parallel_loop3A_766] {strides = array<i32>} : memref<32768xf32, #tpu.memory_space<vmem>>, vector<16xf32>,
        tpu.vector_store %arg14[%parallel_loop3A_766], %parallel_loop3A_763 {strides = array<i32>} : memref<32768xf32, #tpu.memory_space<vmem>>, vector<16xf32>,
        %parallel_loop3A_768 = arith.constant 2 : i32
        %parallel_loop3A_769 = vector.broadcast %parallel_loop3A_768 : i32 to vector<16xi32>
        %parallel_loop3A_770 = tpu.vector_load_idx %arg10[%parallel_loop3A_769, %parallel_loop3A_739] : memref<8x8xf32, #tpu.memory_space<vmem>>[vector<16xi32>, vector<16xi32>], vector<16xf32>,
        %parallel_loop3A_771 = arith.constant 256 : i32
        %parallel_loop3A_772 = arith.addi %parallel_loop3A_753, %parallel_loop3A_771 : i32
        %parallel_loop3A_773 = arith.index_cast %parallel_loop3A_772 : i32 to index
        %parallel_loop3A_774 = tpu.vector_load %arg14[%parallel_loop3A_773] {strides = array<i32>} : memref<32768xf32, #tpu.memory_space<vmem>>, vector<16xf32>,
        tpu.vector_store %arg14[%parallel_loop3A_773], %parallel_loop3A_770 {strides = array<i32>} : memref<32768xf32, #tpu.memory_space<vmem>>, vector<16xf32>,
        %parallel_loop3A_775 = arith.constant 3 : i32
        %parallel_loop3A_776 = vector.broadcast %parallel_loop3A_775 : i32 to vector<16xi32>
        %parallel_loop3A_777 = tpu.vector_load_idx %arg10[%parallel_loop3A_776, %parallel_loop3A_739] : memref<8x8xf32, #tpu.memory_space<vmem>>[vector<16xi32>, vector<16xi32>], vector<16xf32>,
        %parallel_loop3A_778 = arith.constant 384 : i32
        %parallel_loop3A_779 = arith.addi %parallel_loop3A_753, %parallel_loop3A_778 : i32
        %parallel_loop3A_780 = arith.index_cast %parallel_loop3A_779 : i32 to index
        %parallel_loop3A_781 = tpu.vector_load %arg14[%parallel_loop3A_780] {strides = array<i32>} : memref<32768xf32, #tpu.memory_space<vmem>>, vector<16xf32>,
        tpu.vector_store %arg14[%parallel_loop3A_780], %parallel_loop3A_777 {strides = array<i32>} : memref<32768xf32, #tpu.memory_space<vmem>>, vector<16xf32>,
        %parallel_loop3A_782 = arith.constant 4 : i32
        %parallel_loop3A_783 = vector.broadcast %parallel_loop3A_782 : i32 to vector<16xi32>
        %parallel_loop3A_784 = tpu.vector_load_idx %arg10[%parallel_loop3A_783, %parallel_loop3A_739] : memref<8x8xf32, #tpu.memory_space<vmem>>[vector<16xi32>, vector<16xi32>], vector<16xf32>,
        %parallel_loop3A_785 = arith.constant 512 : i32
        %parallel_loop3A_786 = arith.addi %parallel_loop3A_753, %parallel_loop3A_785 : i32
        %parallel_loop3A_787 = arith.index_cast %parallel_loop3A_786 : i32 to index
        %parallel_loop3A_788 = tpu.vector_load %arg14[%parallel_loop3A_787] {strides = array<i32>} : memref<32768xf32, #tpu.memory_space<vmem>>, vector<16xf32>,
        tpu.vector_store %arg14[%parallel_loop3A_787], %parallel_loop3A_784 {strides = array<i32>} : memref<32768xf32, #tpu.memory_space<vmem>>, vector<16xf32>,
        %parallel_loop3A_789 = arith.constant 5 : i32
        %parallel_loop3A_790 = vector.broadcast %parallel_loop3A_789 : i32 to vector<16xi32>
        %parallel_loop3A_791 = tpu.vector_load_idx %arg10[%parallel_loop3A_790, %parallel_loop3A_739] : memref<8x8xf32, #tpu.memory_space<vmem>>[vector<16xi32>, vector<16xi32>], vector<16xf32>,
        %parallel_loop3A_792 = arith.constant 640 : i32
        %parallel_loop3A_793 = arith.addi %parallel_loop3A_753, %parallel_loop3A_792 : i32
        %parallel_loop3A_794 = arith.index_cast %parallel_loop3A_793 : i32 to index
        %parallel_loop3A_795 = tpu.vector_load %arg14[%parallel_loop3A_794] {strides = array<i32>} : memref<32768xf32, #tpu.memory_space<vmem>>, vector<16xf32>,
        tpu.vector_store %arg14[%parallel_loop3A_794], %parallel_loop3A_791 {strides = array<i32>} : memref<32768xf32, #tpu.memory_space<vmem>>, vector<16xf32>,
        %parallel_loop3A_796 = arith.constant 6 : i32
        %parallel_loop3A_797 = vector.broadcast %parallel_loop3A_796 : i32 to vector<16xi32>
        %parallel_loop3A_798 = tpu.vector_load_idx %arg10[%parallel_loop3A_797, %parallel_loop3A_739] : memref<8x8xf32, #tpu.memory_space<vmem>>[vector<16xi32>, vector<16xi32>], vector<16xf32>,
        %parallel_loop3A_799 = arith.constant 768 : i32
        %parallel_loop3A_800 = arith.addi %parallel_loop3A_753, %parallel_loop3A_799 : i32
        %parallel_loop3A_801 = arith.index_cast %parallel_loop3A_800 : i32 to index
        %parallel_loop3A_802 = tpu.vector_load %arg14[%parallel_loop3A_801] {strides = array<i32>} : memref<32768xf32, #tpu.memory_space<vmem>>, vector<16xf32>,
        tpu.vector_store %arg14[%parallel_loop3A_801], %parallel_loop3A_798 {strides = array<i32>} : memref<32768xf32, #tpu.memory_space<vmem>>, vector<16xf32>,
        %parallel_loop3A_803 = arith.constant 7 : i32
        %parallel_loop3A_804 = vector.broadcast %parallel_loop3A_803 : i32 to vector<16xi32>
        %parallel_loop3A_805 = tpu.vector_load_idx %arg10[%parallel_loop3A_804, %parallel_loop3A_739] : memref<8x8xf32, #tpu.memory_space<vmem>>[vector<16xi32>, vector<16xi32>], vector<16xf32>,
        %parallel_loop3A_806 = arith.constant 896 : i32
        %parallel_loop3A_807 = arith.addi %parallel_loop3A_753, %parallel_loop3A_806 : i32
        %parallel_loop3A_808 = arith.index_cast %parallel_loop3A_807 : i32 to index
        %parallel_loop3A_809 = tpu.vector_load %arg14[%parallel_loop3A_808] {strides = array<i32>} : memref<32768xf32, #tpu.memory_space<vmem>>, vector<16xf32>,
        tpu.vector_store %arg14[%parallel_loop3A_808], %parallel_loop3A_805 {strides = array<i32>} : memref<32768xf32, #tpu.memory_space<vmem>>, vector<16xf32>,
      } {sc.loop_unroll_factor = 8 : i64, sc.parallel_access}
      %add3A_616 = arith.addi %mul3A_2, %add3A_603 : i32
      %jit3A_617 = arith.constant 32 : i32
      %div3A_618 = arith.divsi %add3A_616, %jit3A_617 : i32
      %sign3A_619 = arith.constant 0 : i32
      %sign3A_620 = arith.cmpi sgt, %add3A_616, %sign3A_619 : i32
      %sign3A_621 = arith.extui %sign3A_620 : i1 to i32
      %sign3A_622 = arith.constant 0 : i32
      %sign3A_623 = arith.cmpi slt, %add3A_616, %sign3A_622 : i32
      %sign3A_624 = arith.extui %sign3A_623 : i1 to i32
      %sign3A_625 = arith.subi %sign3A_621, %sign3A_624 : i32
      %sign3A_626 = arith.constant 0 : i32
      %sign3A_627 = arith.cmpi sgt, %jit3A_617, %sign3A_626 : i32
      %sign3A_628 = arith.extui %sign3A_627 : i1 to i32
      %sign3A_629 = arith.constant 0 : i32
      %sign3A_630 = arith.cmpi slt, %jit3A_617, %sign3A_629 : i32
      %sign3A_631 = arith.extui %sign3A_630 : i1 to i32
      %sign3A_632 = arith.subi %sign3A_628, %sign3A_631 : i32
      %ne3A_633 = arith.cmpi ne, %sign3A_625, %sign3A_632 : i32
      %rem3A_634 = arith.remsi %add3A_616, %jit3A_617 : i32
      %ne3A_635 = arith.constant 0 : i32
      %ne3A_636 = arith.cmpi ne, %rem3A_634, %ne3A_635 : i32
      %and3A_637 = arith.andi %ne3A_633, %ne3A_636 : i1
      %sub3A_638 = arith.constant 1 : i32
      %sub3A_639 = arith.subi %div3A_618, %sub3A_638 : i32
      %select_n3A_640 = arith.select %and3A_637, %sub3A_639, %div3A_618 : i32
      %jit3A_641 = arith.constant 32 : i32
      %eq3A_642 = arith.constant 0 : i32
      %eq3A_643 = arith.cmpi eq, %jit3A_641, %eq3A_642 : i32
      %jit3A_644 = arith.constant 1 : i32
      %select_n3A_645 = arith.select %eq3A_643, %jit3A_644, %jit3A_641 : i32
      %rem3A_646 = arith.remsi %add3A_616, %select_n3A_645 : i32
      %ne3A_647 = arith.constant 0 : i32
      %ne3A_648 = arith.cmpi ne, %rem3A_646, %ne3A_647 : i32
      %lt3A_649 = arith.constant 0 : i32
      %lt3A_650 = arith.cmpi slt, %rem3A_646, %lt3A_649 : i32
      %lt3A_651 = arith.constant 0 : i32
      %lt3A_652 = arith.cmpi slt, %select_n3A_645, %lt3A_651 : i32
      %ne3A_653 = arith.xori %lt3A_650, %lt3A_652 : i1
      %and3A_654 = arith.andi %ne3A_653, %ne3A_648 : i1
      %add3A_655 = arith.addi %rem3A_646, %select_n3A_645 : i32
      %select_n3A_656 = arith.select %and3A_654, %add3A_655, %rem3A_646 : i32
      %mul3A_657 = arith.constant 4 : i32
      %mul3A_658 = arith.muli %select_n3A_656, %mul3A_657 : i32
      %mul3A_659 = arith.constant 8 : i32
      %mul3A_660 = arith.muli %select_n3A_640, %mul3A_659 : i32
      %mul3A_661 = arith.constant 131072 : i32
      %mul3A_662 = arith.muli %mul3A_660, %mul3A_661 : i32
      %mul3A_663 = arith.constant 1024 : i32
      %mul3A_664 = arith.muli %mul3A_658, %mul3A_663 : i32
      %add3A_665 = arith.addi %mul3A_662, %mul3A_664 : i32
      %add3A_666 = arith.constant 0 : i32
      %add3A_667 = arith.addi %add3A_665, %add3A_666 : i32
      %dma_start3A_668 = arith.constant 0 : i32
      %dma_start3A_669 = tpu.memref_slice %arg14[%dma_start3A_668] : memref<32768xf32, #tpu.memory_space<vmem>> -> memref<4096xf32, #tpu.memory_space<vmem>>
      %dma_start3A_670 = tpu.memref_slice %arg6[%add3A_667] : memref<26214400xf32, #tpu.memory_space<hbm>> -> memref<4096xf32, #tpu.memory_space<hbm>>
      %dma_start3A_671 = tpu.memref_slice %arg6[%add3A_667] : memref<26214400xf32, #tpu.memory_space<hbm>> -> memref<4096xf32, #tpu.memory_space<hbm>>
      %dma_start3A_672 = arith.constant 0 : i32
      %dma_start3A_673 = tpu.memref_slice %arg14[%dma_start3A_672] : memref<32768xf32, #tpu.memory_space<vmem>> -> memref<4096xf32, #tpu.memory_space<vmem>>
      tpu.enqueue_dma source(%dma_start3A_673 : memref<4096xf32, #tpu.memory_space<vmem>>) target(%dma_start3A_671 : memref<4096xf32, #tpu.memory_space<hbm>>) target_semaphore(%arg18 : memref<!tpu.dma_semaphore, #tpu.memory_space<semaphore_mem>>)
      %add3A_674 = arith.constant 131072 : i32
      %add3A_675 = arith.addi %add3A_665, %add3A_674 : i32
      %dma_start3A_676 = arith.constant 4096 : i32
      %dma_start3A_677 = tpu.memref_slice %arg14[%dma_start3A_676] : memref<32768xf32, #tpu.memory_space<vmem>> -> memref<4096xf32, #tpu.memory_space<vmem>>
      %dma_start3A_678 = tpu.memref_slice %arg6[%add3A_675] : memref<26214400xf32, #tpu.memory_space<hbm>> -> memref<4096xf32, #tpu.memory_space<hbm>>
      %dma_start3A_679 = tpu.memref_slice %arg6[%add3A_675] : memref<26214400xf32, #tpu.memory_space<hbm>> -> memref<4096xf32, #tpu.memory_space<hbm>>
      %dma_start3A_680 = arith.constant 4096 : i32
      %dma_start3A_681 = tpu.memref_slice %arg14[%dma_start3A_680] : memref<32768xf32, #tpu.memory_space<vmem>> -> memref<4096xf32, #tpu.memory_space<vmem>>
      tpu.enqueue_dma source(%dma_start3A_681 : memref<4096xf32, #tpu.memory_space<vmem>>) target(%dma_start3A_679 : memref<4096xf32, #tpu.memory_space<hbm>>) target_semaphore(%arg18 : memref<!tpu.dma_semaphore, #tpu.memory_space<semaphore_mem>>)
      %add3A_682 = arith.constant 262144 : i32
      %add3A_683 = arith.addi %add3A_665, %add3A_682 : i32
      %dma_start3A_684 = arith.constant 8192 : i32
      %dma_start3A_685 = tpu.memref_slice %arg14[%dma_start3A_684] : memref<32768xf32, #tpu.memory_space<vmem>> -> memref<4096xf32, #tpu.memory_space<vmem>>
      %dma_start3A_686 = tpu.memref_slice %arg6[%add3A_683] : memref<26214400xf32, #tpu.memory_space<hbm>> -> memref<4096xf32, #tpu.memory_space<hbm>>
      %dma_start3A_687 = tpu.memref_slice %arg6[%add3A_683] : memref<26214400xf32, #tpu.memory_space<hbm>> -> memref<4096xf32, #tpu.memory_space<hbm>>
      %dma_start3A_688 = arith.constant 8192 : i32
      %dma_start3A_689 = tpu.memref_slice %arg14[%dma_start3A_688] : memref<32768xf32, #tpu.memory_space<vmem>> -> memref<4096xf32, #tpu.memory_space<vmem>>
      tpu.enqueue_dma source(%dma_start3A_689 : memref<4096xf32, #tpu.memory_space<vmem>>) target(%dma_start3A_687 : memref<4096xf32, #tpu.memory_space<hbm>>) target_semaphore(%arg18 : memref<!tpu.dma_semaphore, #tpu.memory_space<semaphore_mem>>)
      %add3A_690 = arith.constant 393216 : i32
      %add3A_691 = arith.addi %add3A_665, %add3A_690 : i32
      %dma_start3A_692 = arith.constant 12288 : i32
      %dma_start3A_693 = tpu.memref_slice %arg14[%dma_start3A_692] : memref<32768xf32, #tpu.memory_space<vmem>> -> memref<4096xf32, #tpu.memory_space<vmem>>
      %dma_start3A_694 = tpu.memref_slice %arg6[%add3A_691] : memref<26214400xf32, #tpu.memory_space<hbm>> -> memref<4096xf32, #tpu.memory_space<hbm>>
      %dma_start3A_695 = tpu.memref_slice %arg6[%add3A_691] : memref<26214400xf32, #tpu.memory_space<hbm>> -> memref<4096xf32, #tpu.memory_space<hbm>>
      %dma_start3A_696 = arith.constant 12288 : i32
      %dma_start3A_697 = tpu.memref_slice %arg14[%dma_start3A_696] : memref<32768xf32, #tpu.memory_space<vmem>> -> memref<4096xf32, #tpu.memory_space<vmem>>
      tpu.enqueue_dma source(%dma_start3A_697 : memref<4096xf32, #tpu.memory_space<vmem>>) target(%dma_start3A_695 : memref<4096xf32, #tpu.memory_space<hbm>>) target_semaphore(%arg18 : memref<!tpu.dma_semaphore, #tpu.memory_space<semaphore_mem>>)
      %add3A_698 = arith.constant 524288 : i32
      %add3A_699 = arith.addi %add3A_665, %add3A_698 : i32
      %dma_start3A_700 = arith.constant 16384 : i32
      %dma_start3A_701 = tpu.memref_slice %arg14[%dma_start3A_700] : memref<32768xf32, #tpu.memory_space<vmem>> -> memref<4096xf32, #tpu.memory_space<vmem>>
      %dma_start3A_702 = tpu.memref_slice %arg6[%add3A_699] : memref<26214400xf32, #tpu.memory_space<hbm>> -> memref<4096xf32, #tpu.memory_space<hbm>>
      %dma_start3A_703 = tpu.memref_slice %arg6[%add3A_699] : memref<26214400xf32, #tpu.memory_space<hbm>> -> memref<4096xf32, #tpu.memory_space<hbm>>
      %dma_start3A_704 = arith.constant 16384 : i32
      %dma_start3A_705 = tpu.memref_slice %arg14[%dma_start3A_704] : memref<32768xf32, #tpu.memory_space<vmem>> -> memref<4096xf32, #tpu.memory_space<vmem>>
      tpu.enqueue_dma source(%dma_start3A_705 : memref<4096xf32, #tpu.memory_space<vmem>>) target(%dma_start3A_703 : memref<4096xf32, #tpu.memory_space<hbm>>) target_semaphore(%arg18 : memref<!tpu.dma_semaphore, #tpu.memory_space<semaphore_mem>>)
      %add3A_706 = arith.constant 655360 : i32
      %add3A_707 = arith.addi %add3A_665, %add3A_706 : i32
      %dma_start3A_708 = arith.constant 20480 : i32
      %dma_start3A_709 = tpu.memref_slice %arg14[%dma_start3A_708] : memref<32768xf32, #tpu.memory_space<vmem>> -> memref<4096xf32, #tpu.memory_space<vmem>>
      %dma_start3A_710 = tpu.memref_slice %arg6[%add3A_707] : memref<26214400xf32, #tpu.memory_space<hbm>> -> memref<4096xf32, #tpu.memory_space<hbm>>
      %dma_start3A_711 = tpu.memref_slice %arg6[%add3A_707] : memref<26214400xf32, #tpu.memory_space<hbm>> -> memref<4096xf32, #tpu.memory_space<hbm>>
      %dma_start3A_712 = arith.constant 20480 : i32
      %dma_start3A_713 = tpu.memref_slice %arg14[%dma_start3A_712] : memref<32768xf32, #tpu.memory_space<vmem>> -> memref<4096xf32, #tpu.memory_space<vmem>>
      tpu.enqueue_dma source(%dma_start3A_713 : memref<4096xf32, #tpu.memory_space<vmem>>) target(%dma_start3A_711 : memref<4096xf32, #tpu.memory_space<hbm>>) target_semaphore(%arg18 : memref<!tpu.dma_semaphore, #tpu.memory_space<semaphore_mem>>)
      %add3A_714 = arith.constant 786432 : i32
      %add3A_715 = arith.addi %add3A_665, %add3A_714 : i32
      %dma_start3A_716 = arith.constant 24576 : i32
      %dma_start3A_717 = tpu.memref_slice %arg14[%dma_start3A_716] : memref<32768xf32, #tpu.memory_space<vmem>> -> memref<4096xf32, #tpu.memory_space<vmem>>
      %dma_start3A_718 = tpu.memref_slice %arg6[%add3A_715] : memref<26214400xf32, #tpu.memory_space<hbm>> -> memref<4096xf32, #tpu.memory_space<hbm>>
      %dma_start3A_719 = tpu.memref_slice %arg6[%add3A_715] : memref<26214400xf32, #tpu.memory_space<hbm>> -> memref<4096xf32, #tpu.memory_space<hbm>>
      %dma_start3A_720 = arith.constant 24576 : i32
      %dma_start3A_721 = tpu.memref_slice %arg14[%dma_start3A_720] : memref<32768xf32, #tpu.memory_space<vmem>> -> memref<4096xf32, #tpu.memory_space<vmem>>
      tpu.enqueue_dma source(%dma_start3A_721 : memref<4096xf32, #tpu.memory_space<vmem>>) target(%dma_start3A_719 : memref<4096xf32, #tpu.memory_space<hbm>>) target_semaphore(%arg18 : memref<!tpu.dma_semaphore, #tpu.memory_space<semaphore_mem>>)
      %add3A_722 = arith.constant 917504 : i32
      %add3A_723 = arith.addi %add3A_665, %add3A_722 : i32
      %dma_start3A_724 = arith.constant 28672 : i32
      %dma_start3A_725 = tpu.memref_slice %arg14[%dma_start3A_724] : memref<32768xf32, #tpu.memory_space<vmem>> -> memref<4096xf32, #tpu.memory_space<vmem>>
      %dma_start3A_726 = tpu.memref_slice %arg6[%add3A_723] : memref<26214400xf32, #tpu.memory_space<hbm>> -> memref<4096xf32, #tpu.memory_space<hbm>>
      %dma_start3A_727 = tpu.memref_slice %arg6[%add3A_723] : memref<26214400xf32, #tpu.memory_space<hbm>> -> memref<4096xf32, #tpu.memory_space<hbm>>
      %dma_start3A_728 = arith.constant 28672 : i32
      %dma_start3A_729 = tpu.memref_slice %arg14[%dma_start3A_728] : memref<32768xf32, #tpu.memory_space<vmem>> -> memref<4096xf32, #tpu.memory_space<vmem>>
      tpu.enqueue_dma source(%dma_start3A_729 : memref<4096xf32, #tpu.memory_space<vmem>>) target(%dma_start3A_727 : memref<4096xf32, #tpu.memory_space<hbm>>) target_semaphore(%arg18 : memref<!tpu.dma_semaphore, #tpu.memory_space<semaphore_mem>>)
      %add3A_730 = arith.constant 2 : i32
      %add3A_731 = arith.addi %add3A_603, %add3A_730 : i32
      %lt3A_732 = arith.constant 25 : i32
      %lt3A_733 = arith.cmpi slt, %add3A_731, %lt3A_732 : i32
      %convert_element_type3A_734 = arith.extui %lt3A_733 : i1 to i32
      %cond3A_735 = arith.constant 0 : i32
      %cond3A_736 = arith.cmpi ne, %convert_element_type3A_734, %cond3A_735 : i32
      scf.if %cond3A_736 {
        %add3A_737 = arith.constant 2 : i32
        %add3A_738 = arith.addi %add3A_603, %add3A_737 : i32
        %add3A_739 = arith.addi %mul3A_2, %add3A_738 : i32
        %mul3A_740 = arith.constant 4096 : i32
        %mul3A_741 = arith.muli %add3A_739, %mul3A_740 : i32
        %dma_start3A_742 = tpu.memref_slice %arg5[%mul3A_741] : memref<3276800xi32, #tpu.memory_space<hbm>> -> memref<4096xi32, #tpu.memory_space<hbm>>
        %dma_start3A_743 = tpu.memref_slice %arg5[%mul3A_741] : memref<3276800xi32, #tpu.memory_space<hbm>> -> memref<4096xi32, #tpu.memory_space<hbm>>
        tpu.enqueue_dma source(%dma_start3A_743 : memref<4096xi32, #tpu.memory_space<hbm>>) target(%arg12 : memref<4096xi32, #tpu.memory_space<vmem>>) target_semaphore(%arg16 : memref<!tpu.dma_semaphore, #tpu.memory_space<semaphore_mem>>)
      } else {
      }
    }
    %scan3A_327 = arith.constant 11 : i32
    %add3A_328 = arith.constant 24 : i32
    %add3A_329 = arith.addi %mul3A_2, %add3A_328 : i32
    %mul3A_330 = arith.constant 4096 : i32
    %mul3A_331 = arith.muli %add3A_329, %mul3A_330 : i32
    %dma_wait3A_332 = tpu.memref_slice %arg5[%mul3A_331] : memref<3276800xi32, #tpu.memory_space<hbm>> -> memref<4096xi32, #tpu.memory_space<hbm>>
    %dma_wait3A_333 = tpu.memref_slice %arg5[%mul3A_331] : memref<3276800xi32, #tpu.memory_space<hbm>> -> memref<4096xi32, #tpu.memory_space<hbm>>
    tpu.wait_dma2 semaphore(%arg15 : memref<!tpu.dma_semaphore, #tpu.memory_space<semaphore_mem>>) src(%dma_wait3A_333 : memref<4096xi32, #tpu.memory_space<hbm>>) dst(%arg11 : memref<4096xi32, #tpu.memory_space<vmem>>)
    %dma_wait3A_334 = arith.constant 0 : i32
    %dma_wait3A_335 = tpu.memref_slice %arg6[%dma_wait3A_334] : memref<26214400xf32, #tpu.memory_space<hbm>> -> memref<32768xf32, #tpu.memory_space<hbm>>
    %dma_wait3A_336 = arith.constant 0 : i32
    %dma_wait3A_337 = tpu.memref_slice %arg6[%dma_wait3A_336] : memref<26214400xf32, #tpu.memory_space<hbm>> -> memref<32768xf32, #tpu.memory_space<hbm>>
    tpu.wait_dma2 semaphore(%arg17 : memref<!tpu.dma_semaphore, #tpu.memory_space<semaphore_mem>>) src(%arg13 : memref<32768xf32, #tpu.memory_space<vmem>>) dst(%dma_wait3A_337 : memref<32768xf32, #tpu.memory_space<hbm>>)
    %parallel_loop3A_338 = arith.constant 0 : i32
    %parallel_loop3A_339 = arith.constant 4096 : i32
    %parallel_loop3A_340 = arith.constant 16 : i32
    scf.for %parallel_loop3A_464 = %parallel_loop3A_338 to %parallel_loop3A_339 step %parallel_loop3A_340  : i32 {
      %parallel_loop3A_465 = arith.index_cast %parallel_loop3A_464 : i32 to index
      %parallel_loop3A_466 = tpu.vector_load %arg11[%parallel_loop3A_465] {strides = array<i32>} : memref<4096xi32, #tpu.memory_space<vmem>>, vector<16xi32>,
      %parallel_loop3A_467 = arith.constant 7 : i32
      %parallel_loop3A_468 = arith.shrsi %parallel_loop3A_464, %parallel_loop3A_467 : i32
      %parallel_loop3A_469 = arith.constant 7 : i32
      %parallel_loop3A_470 = arith.andi %parallel_loop3A_468, %parallel_loop3A_469 : i32
      %parallel_loop3A_471 = arith.constant 4096 : i32
      %parallel_loop3A_472 = arith.muli %parallel_loop3A_470, %parallel_loop3A_471 : i32
      %parallel_loop3A_473 = arith.constant 10 : i32
      %parallel_loop3A_474 = arith.shrsi %parallel_loop3A_464, %parallel_loop3A_473 : i32
      %parallel_loop3A_475 = arith.constant 10 : i32
      %parallel_loop3A_476 = arith.shli %parallel_loop3A_474, %parallel_loop3A_475 : i32
      %parallel_loop3A_477 = arith.ori %parallel_loop3A_472, %parallel_loop3A_476 : i32
      %parallel_loop3A_478 = arith.constant 127 : i32
      %parallel_loop3A_479 = arith.andi %parallel_loop3A_464, %parallel_loop3A_478 : i32
      %parallel_loop3A_480 = arith.ori %parallel_loop3A_477, %parallel_loop3A_479 : i32
      %parallel_loop3A_481 = arith.constant 0 : i32
      %parallel_loop3A_482 = vector.broadcast %parallel_loop3A_481 : i32 to vector<16xi32>
      %parallel_loop3A_483 = tpu.vector_load_idx %arg10[%parallel_loop3A_482, %parallel_loop3A_466] : memref<8x8xf32, #tpu.memory_space<vmem>>[vector<16xi32>, vector<16xi32>], vector<16xf32>,
      %parallel_loop3A_484 = arith.constant 0 : i32
      %parallel_loop3A_485 = arith.addi %parallel_loop3A_480, %parallel_loop3A_484 : i32
      %parallel_loop3A_486 = arith.index_cast %parallel_loop3A_485 : i32 to index
      %parallel_loop3A_487 = tpu.vector_load %arg13[%parallel_loop3A_486] {strides = array<i32>} : memref<32768xf32, #tpu.memory_space<vmem>>, vector<16xf32>,
      tpu.vector_store %arg13[%parallel_loop3A_486], %parallel_loop3A_483 {strides = array<i32>} : memref<32768xf32, #tpu.memory_space<vmem>>, vector<16xf32>,
      %parallel_loop3A_488 = arith.constant 1 : i32
      %parallel_loop3A_489 = vector.broadcast %parallel_loop3A_488 : i32 to vector<16xi32>
      %parallel_loop3A_490 = tpu.vector_load_idx %arg10[%parallel_loop3A_489, %parallel_loop3A_466] : memref<8x8xf32, #tpu.memory_space<vmem>>[vector<16xi32>, vector<16xi32>], vector<16xf32>,
      %parallel_loop3A_491 = arith.constant 128 : i32
      %parallel_loop3A_492 = arith.addi %parallel_loop3A_480, %parallel_loop3A_491 : i32
      %parallel_loop3A_493 = arith.index_cast %parallel_loop3A_492 : i32 to index
      %parallel_loop3A_494 = tpu.vector_load %arg13[%parallel_loop3A_493] {strides = array<i32>} : memref<32768xf32, #tpu.memory_space<vmem>>, vector<16xf32>,
      tpu.vector_store %arg13[%parallel_loop3A_493], %parallel_loop3A_490 {strides = array<i32>} : memref<32768xf32, #tpu.memory_space<vmem>>, vector<16xf32>,
      %parallel_loop3A_495 = arith.constant 2 : i32
      %parallel_loop3A_496 = vector.broadcast %parallel_loop3A_495 : i32 to vector<16xi32>
      %parallel_loop3A_497 = tpu.vector_load_idx %arg10[%parallel_loop3A_496, %parallel_loop3A_466] : memref<8x8xf32, #tpu.memory_space<vmem>>[vector<16xi32>, vector<16xi32>], vector<16xf32>,
      %parallel_loop3A_498 = arith.constant 256 : i32
      %parallel_loop3A_499 = arith.addi %parallel_loop3A_480, %parallel_loop3A_498 : i32
      %parallel_loop3A_500 = arith.index_cast %parallel_loop3A_499 : i32 to index
      %parallel_loop3A_501 = tpu.vector_load %arg13[%parallel_loop3A_500] {strides = array<i32>} : memref<32768xf32, #tpu.memory_space<vmem>>, vector<16xf32>,
      tpu.vector_store %arg13[%parallel_loop3A_500], %parallel_loop3A_497 {strides = array<i32>} : memref<32768xf32, #tpu.memory_space<vmem>>, vector<16xf32>,
      %parallel_loop3A_502 = arith.constant 3 : i32
      %parallel_loop3A_503 = vector.broadcast %parallel_loop3A_502 : i32 to vector<16xi32>
      %parallel_loop3A_504 = tpu.vector_load_idx %arg10[%parallel_loop3A_503, %parallel_loop3A_466] : memref<8x8xf32, #tpu.memory_space<vmem>>[vector<16xi32>, vector<16xi32>], vector<16xf32>,
      %parallel_loop3A_505 = arith.constant 384 : i32
      %parallel_loop3A_506 = arith.addi %parallel_loop3A_480, %parallel_loop3A_505 : i32
      %parallel_loop3A_507 = arith.index_cast %parallel_loop3A_506 : i32 to index
      %parallel_loop3A_508 = tpu.vector_load %arg13[%parallel_loop3A_507] {strides = array<i32>} : memref<32768xf32, #tpu.memory_space<vmem>>, vector<16xf32>,
      tpu.vector_store %arg13[%parallel_loop3A_507], %parallel_loop3A_504 {strides = array<i32>} : memref<32768xf32, #tpu.memory_space<vmem>>, vector<16xf32>,
      %parallel_loop3A_509 = arith.constant 4 : i32
      %parallel_loop3A_510 = vector.broadcast %parallel_loop3A_509 : i32 to vector<16xi32>
      %parallel_loop3A_511 = tpu.vector_load_idx %arg10[%parallel_loop3A_510, %parallel_loop3A_466] : memref<8x8xf32, #tpu.memory_space<vmem>>[vector<16xi32>, vector<16xi32>], vector<16xf32>,
      %parallel_loop3A_512 = arith.constant 512 : i32
      %parallel_loop3A_513 = arith.addi %parallel_loop3A_480, %parallel_loop3A_512 : i32
      %parallel_loop3A_514 = arith.index_cast %parallel_loop3A_513 : i32 to index
      %parallel_loop3A_515 = tpu.vector_load %arg13[%parallel_loop3A_514] {strides = array<i32>} : memref<32768xf32, #tpu.memory_space<vmem>>, vector<16xf32>,
      tpu.vector_store %arg13[%parallel_loop3A_514], %parallel_loop3A_511 {strides = array<i32>} : memref<32768xf32, #tpu.memory_space<vmem>>, vector<16xf32>,
      %parallel_loop3A_516 = arith.constant 5 : i32
      %parallel_loop3A_517 = vector.broadcast %parallel_loop3A_516 : i32 to vector<16xi32>
      %parallel_loop3A_518 = tpu.vector_load_idx %arg10[%parallel_loop3A_517, %parallel_loop3A_466] : memref<8x8xf32, #tpu.memory_space<vmem>>[vector<16xi32>, vector<16xi32>], vector<16xf32>,
      %parallel_loop3A_519 = arith.constant 640 : i32
      %parallel_loop3A_520 = arith.addi %parallel_loop3A_480, %parallel_loop3A_519 : i32
      %parallel_loop3A_521 = arith.index_cast %parallel_loop3A_520 : i32 to index
      %parallel_loop3A_522 = tpu.vector_load %arg13[%parallel_loop3A_521] {strides = array<i32>} : memref<32768xf32, #tpu.memory_space<vmem>>, vector<16xf32>,
      tpu.vector_store %arg13[%parallel_loop3A_521], %parallel_loop3A_518 {strides = array<i32>} : memref<32768xf32, #tpu.memory_space<vmem>>, vector<16xf32>,
      %parallel_loop3A_523 = arith.constant 6 : i32
      %parallel_loop3A_524 = vector.broadcast %parallel_loop3A_523 : i32 to vector<16xi32>
      %parallel_loop3A_525 = tpu.vector_load_idx %arg10[%parallel_loop3A_524, %parallel_loop3A_466] : memref<8x8xf32, #tpu.memory_space<vmem>>[vector<16xi32>, vector<16xi32>], vector<16xf32>,
      %parallel_loop3A_526 = arith.constant 768 : i32
      %parallel_loop3A_527 = arith.addi %parallel_loop3A_480, %parallel_loop3A_526 : i32
      %parallel_loop3A_528 = arith.index_cast %parallel_loop3A_527 : i32 to index
      %parallel_loop3A_529 = tpu.vector_load %arg13[%parallel_loop3A_528] {strides = array<i32>} : memref<32768xf32, #tpu.memory_space<vmem>>, vector<16xf32>,
      tpu.vector_store %arg13[%parallel_loop3A_528], %parallel_loop3A_525 {strides = array<i32>} : memref<32768xf32, #tpu.memory_space<vmem>>, vector<16xf32>,
      %parallel_loop3A_530 = arith.constant 7 : i32
      %parallel_loop3A_531 = vector.broadcast %parallel_loop3A_530 : i32 to vector<16xi32>
      %parallel_loop3A_532 = tpu.vector_load_idx %arg10[%parallel_loop3A_531, %parallel_loop3A_466] : memref<8x8xf32, #tpu.memory_space<vmem>>[vector<16xi32>, vector<16xi32>], vector<16xf32>,
      %parallel_loop3A_533 = arith.constant 896 : i32
      %parallel_loop3A_534 = arith.addi %parallel_loop3A_480, %parallel_loop3A_533 : i32
      %parallel_loop3A_535 = arith.index_cast %parallel_loop3A_534 : i32 to index
      %parallel_loop3A_536 = tpu.vector_load %arg13[%parallel_loop3A_535] {strides = array<i32>} : memref<32768xf32, #tpu.memory_space<vmem>>, vector<16xf32>,
      tpu.vector_store %arg13[%parallel_loop3A_535], %parallel_loop3A_532 {strides = array<i32>} : memref<32768xf32, #tpu.memory_space<vmem>>, vector<16xf32>,
    } {sc.loop_unroll_factor = 4 : i64, sc.parallel_access}
    %add3A_341 = arith.constant 24 : i32
    %add3A_342 = arith.addi %mul3A_2, %add3A_341 : i32
    %jit3A_343 = arith.constant 32 : i32
    %div3A_344 = arith.divsi %add3A_342, %jit3A_343 : i32
    %sign3A_345 = arith.constant 0 : i32
    %sign3A_346 = arith.cmpi sgt, %add3A_342, %sign3A_345 : i32
    %sign3A_347 = arith.extui %sign3A_346 : i1 to i32
    %sign3A_348 = arith.constant 0 : i32
    %sign3A_349 = arith.cmpi slt, %add3A_342, %sign3A_348 : i32
    %sign3A_350 = arith.extui %sign3A_349 : i1 to i32
    %sign3A_351 = arith.subi %sign3A_347, %sign3A_350 : i32
    %sign3A_352 = arith.constant 0 : i32
    %sign3A_353 = arith.cmpi sgt, %jit3A_343, %sign3A_352 : i32
    %sign3A_354 = arith.extui %sign3A_353 : i1 to i32
    %sign3A_355 = arith.constant 0 : i32
    %sign3A_356 = arith.cmpi slt, %jit3A_343, %sign3A_355 : i32
    %sign3A_357 = arith.extui %sign3A_356 : i1 to i32
    %sign3A_358 = arith.subi %sign3A_354, %sign3A_357 : i32
    %ne3A_359 = arith.cmpi ne, %sign3A_351, %sign3A_358 : i32
    %rem3A_360 = arith.remsi %add3A_342, %jit3A_343 : i32
    %ne3A_361 = arith.constant 0 : i32
    %ne3A_362 = arith.cmpi ne, %rem3A_360, %ne3A_361 : i32
    %and3A_363 = arith.andi %ne3A_359, %ne3A_362 : i1
    %sub3A_364 = arith.constant 1 : i32
    %sub3A_365 = arith.subi %div3A_344, %sub3A_364 : i32
    %select_n3A_366 = arith.select %and3A_363, %sub3A_365, %div3A_344 : i32
    %jit3A_367 = arith.constant 32 : i32
    %eq3A_368 = arith.constant 0 : i32
    %eq3A_369 = arith.cmpi eq, %jit3A_367, %eq3A_368 : i32
    %jit3A_370 = arith.constant 1 : i32
    %select_n3A_371 = arith.select %eq3A_369, %jit3A_370, %jit3A_367 : i32
    %rem3A_372 = arith.remsi %add3A_342, %select_n3A_371 : i32
    %ne3A_373 = arith.constant 0 : i32
    %ne3A_374 = arith.cmpi ne, %rem3A_372, %ne3A_373 : i32
    %lt3A_375 = arith.constant 0 : i32
    %lt3A_376 = arith.cmpi slt, %rem3A_372, %lt3A_375 : i32
    %lt3A_377 = arith.constant 0 : i32
    %lt3A_378 = arith.cmpi slt, %select_n3A_371, %lt3A_377 : i32
    %ne3A_379 = arith.xori %lt3A_376, %lt3A_378 : i1
    %and3A_380 = arith.andi %ne3A_379, %ne3A_374 : i1
    %add3A_381 = arith.addi %rem3A_372, %select_n3A_371 : i32
    %select_n3A_382 = arith.select %and3A_380, %add3A_381, %rem3A_372 : i32
    %mul3A_383 = arith.constant 4 : i32
    %mul3A_384 = arith.muli %select_n3A_382, %mul3A_383 : i32
    %mul3A_385 = arith.constant 8 : i32
    %mul3A_386 = arith.muli %select_n3A_366, %mul3A_385 : i32
    %mul3A_387 = arith.constant 131072 : i32
    %mul3A_388 = arith.muli %mul3A_386, %mul3A_387 : i32
    %mul3A_389 = arith.constant 1024 : i32
    %mul3A_390 = arith.muli %mul3A_384, %mul3A_389 : i32
    %add3A_391 = arith.addi %mul3A_388, %mul3A_390 : i32
    %add3A_392 = arith.constant 0 : i32
    %add3A_393 = arith.addi %add3A_391, %add3A_392 : i32
    %dma_start3A_394 = arith.constant 0 : i32
    %dma_start3A_395 = tpu.memref_slice %arg13[%dma_start3A_394] : memref<32768xf32, #tpu.memory_space<vmem>> -> memref<4096xf32, #tpu.memory_space<vmem>>
    %dma_start3A_396 = tpu.memref_slice %arg6[%add3A_393] : memref<26214400xf32, #tpu.memory_space<hbm>> -> memref<4096xf32, #tpu.memory_space<hbm>>
    %dma_start3A_397 = tpu.memref_slice %arg6[%add3A_393] : memref<26214400xf32, #tpu.memory_space<hbm>> -> memref<4096xf32, #tpu.memory_space<hbm>>
    %dma_start3A_398 = arith.constant 0 : i32
    %dma_start3A_399 = tpu.memref_slice %arg13[%dma_start3A_398] : memref<32768xf32, #tpu.memory_space<vmem>> -> memref<4096xf32, #tpu.memory_space<vmem>>
    tpu.enqueue_dma source(%dma_start3A_399 : memref<4096xf32, #tpu.memory_space<vmem>>) target(%dma_start3A_397 : memref<4096xf32, #tpu.memory_space<hbm>>) target_semaphore(%arg17 : memref<!tpu.dma_semaphore, #tpu.memory_space<semaphore_mem>>)
    %add3A_400 = arith.constant 131072 : i32
    %add3A_401 = arith.addi %add3A_391, %add3A_400 : i32
    %dma_start3A_402 = arith.constant 4096 : i32
    %dma_start3A_403 = tpu.memref_slice %arg13[%dma_start3A_402] : memref<32768xf32, #tpu.memory_space<vmem>> -> memref<4096xf32, #tpu.memory_space<vmem>>
    %dma_start3A_404 = tpu.memref_slice %arg6[%add3A_401] : memref<26214400xf32, #tpu.memory_space<hbm>> -> memref<4096xf32, #tpu.memory_space<hbm>>
    %dma_start3A_405 = tpu.memref_slice %arg6[%add3A_401] : memref<26214400xf32, #tpu.memory_space<hbm>> -> memref<4096xf32, #tpu.memory_space<hbm>>
    %dma_start3A_406 = arith.constant 4096 : i32
    %dma_start3A_407 = tpu.memref_slice %arg13[%dma_start3A_406] : memref<32768xf32, #tpu.memory_space<vmem>> -> memref<4096xf32, #tpu.memory_space<vmem>>
    tpu.enqueue_dma source(%dma_start3A_407 : memref<4096xf32, #tpu.memory_space<vmem>>) target(%dma_start3A_405 : memref<4096xf32, #tpu.memory_space<hbm>>) target_semaphore(%arg17 : memref<!tpu.dma_semaphore, #tpu.memory_space<semaphore_mem>>)
    %add3A_408 = arith.constant 262144 : i32
    %add3A_409 = arith.addi %add3A_391, %add3A_408 : i32
    %dma_start3A_410 = arith.constant 8192 : i32
    %dma_start3A_411 = tpu.memref_slice %arg13[%dma_start3A_410] : memref<32768xf32, #tpu.memory_space<vmem>> -> memref<4096xf32, #tpu.memory_space<vmem>>
    %dma_start3A_412 = tpu.memref_slice %arg6[%add3A_409] : memref<26214400xf32, #tpu.memory_space<hbm>> -> memref<4096xf32, #tpu.memory_space<hbm>>
    %dma_start3A_413 = tpu.memref_slice %arg6[%add3A_409] : memref<26214400xf32, #tpu.memory_space<hbm>> -> memref<4096xf32, #tpu.memory_space<hbm>>
    %dma_start3A_414 = arith.constant 8192 : i32
    %dma_start3A_415 = tpu.memref_slice %arg13[%dma_start3A_414] : memref<32768xf32, #tpu.memory_space<vmem>> -> memref<4096xf32, #tpu.memory_space<vmem>>
    tpu.enqueue_dma source(%dma_start3A_415 : memref<4096xf32, #tpu.memory_space<vmem>>) target(%dma_start3A_413 : memref<4096xf32, #tpu.memory_space<hbm>>) target_semaphore(%arg17 : memref<!tpu.dma_semaphore, #tpu.memory_space<semaphore_mem>>)
    %add3A_416 = arith.constant 393216 : i32
    %add3A_417 = arith.addi %add3A_391, %add3A_416 : i32
    %dma_start3A_418 = arith.constant 12288 : i32
    %dma_start3A_419 = tpu.memref_slice %arg13[%dma_start3A_418] : memref<32768xf32, #tpu.memory_space<vmem>> -> memref<4096xf32, #tpu.memory_space<vmem>>
    %dma_start3A_420 = tpu.memref_slice %arg6[%add3A_417] : memref<26214400xf32, #tpu.memory_space<hbm>> -> memref<4096xf32, #tpu.memory_space<hbm>>
    %dma_start3A_421 = tpu.memref_slice %arg6[%add3A_417] : memref<26214400xf32, #tpu.memory_space<hbm>> -> memref<4096xf32, #tpu.memory_space<hbm>>
    %dma_start3A_422 = arith.constant 12288 : i32
    %dma_start3A_423 = tpu.memref_slice %arg13[%dma_start3A_422] : memref<32768xf32, #tpu.memory_space<vmem>> -> memref<4096xf32, #tpu.memory_space<vmem>>
    tpu.enqueue_dma source(%dma_start3A_423 : memref<4096xf32, #tpu.memory_space<vmem>>) target(%dma_start3A_421 : memref<4096xf32, #tpu.memory_space<hbm>>) target_semaphore(%arg17 : memref<!tpu.dma_semaphore, #tpu.memory_space<semaphore_mem>>)
    %add3A_424 = arith.constant 524288 : i32
    %add3A_425 = arith.addi %add3A_391, %add3A_424 : i32
    %dma_start3A_426 = arith.constant 16384 : i32
    %dma_start3A_427 = tpu.memref_slice %arg13[%dma_start3A_426] : memref<32768xf32, #tpu.memory_space<vmem>> -> memref<4096xf32, #tpu.memory_space<vmem>>
    %dma_start3A_428 = tpu.memref_slice %arg6[%add3A_425] : memref<26214400xf32, #tpu.memory_space<hbm>> -> memref<4096xf32, #tpu.memory_space<hbm>>
    %dma_start3A_429 = tpu.memref_slice %arg6[%add3A_425] : memref<26214400xf32, #tpu.memory_space<hbm>> -> memref<4096xf32, #tpu.memory_space<hbm>>
    %dma_start3A_430 = arith.constant 16384 : i32
    %dma_start3A_431 = tpu.memref_slice %arg13[%dma_start3A_430] : memref<32768xf32, #tpu.memory_space<vmem>> -> memref<4096xf32, #tpu.memory_space<vmem>>
    tpu.enqueue_dma source(%dma_start3A_431 : memref<4096xf32, #tpu.memory_space<vmem>>) target(%dma_start3A_429 : memref<4096xf32, #tpu.memory_space<hbm>>) target_semaphore(%arg17 : memref<!tpu.dma_semaphore, #tpu.memory_space<semaphore_mem>>)
    %add3A_432 = arith.constant 655360 : i32
    %add3A_433 = arith.addi %add3A_391, %add3A_432 : i32
    %dma_start3A_434 = arith.constant 20480 : i32
    %dma_start3A_435 = tpu.memref_slice %arg13[%dma_start3A_434] : memref<32768xf32, #tpu.memory_space<vmem>> -> memref<4096xf32, #tpu.memory_space<vmem>>
    %dma_start3A_436 = tpu.memref_slice %arg6[%add3A_433] : memref<26214400xf32, #tpu.memory_space<hbm>> -> memref<4096xf32, #tpu.memory_space<hbm>>
    %dma_start3A_437 = tpu.memref_slice %arg6[%add3A_433] : memref<26214400xf32, #tpu.memory_space<hbm>> -> memref<4096xf32, #tpu.memory_space<hbm>>
    %dma_start3A_438 = arith.constant 20480 : i32
    %dma_start3A_439 = tpu.memref_slice %arg13[%dma_start3A_438] : memref<32768xf32, #tpu.memory_space<vmem>> -> memref<4096xf32, #tpu.memory_space<vmem>>
    tpu.enqueue_dma source(%dma_start3A_439 : memref<4096xf32, #tpu.memory_space<vmem>>) target(%dma_start3A_437 : memref<4096xf32, #tpu.memory_space<hbm>>) target_semaphore(%arg17 : memref<!tpu.dma_semaphore, #tpu.memory_space<semaphore_mem>>)
    %add3A_440 = arith.constant 786432 : i32
    %add3A_441 = arith.addi %add3A_391, %add3A_440 : i32
    %dma_start3A_442 = arith.constant 24576 : i32
    %dma_start3A_443 = tpu.memref_slice %arg13[%dma_start3A_442] : memref<32768xf32, #tpu.memory_space<vmem>> -> memref<4096xf32, #tpu.memory_space<vmem>>
    %dma_start3A_444 = tpu.memref_slice %arg6[%add3A_441] : memref<26214400xf32, #tpu.memory_space<hbm>> -> memref<4096xf32, #tpu.memory_space<hbm>>
    %dma_start3A_445 = tpu.memref_slice %arg6[%add3A_441] : memref<26214400xf32, #tpu.memory_space<hbm>> -> memref<4096xf32, #tpu.memory_space<hbm>>
    %dma_start3A_446 = arith.constant 24576 : i32
    %dma_start3A_447 = tpu.memref_slice %arg13[%dma_start3A_446] : memref<32768xf32, #tpu.memory_space<vmem>> -> memref<4096xf32, #tpu.memory_space<vmem>>
    tpu.enqueue_dma source(%dma_start3A_447 : memref<4096xf32, #tpu.memory_space<vmem>>) target(%dma_start3A_445 : memref<4096xf32, #tpu.memory_space<hbm>>) target_semaphore(%arg17 : memref<!tpu.dma_semaphore, #tpu.memory_space<semaphore_mem>>)
    %add3A_448 = arith.constant 917504 : i32
    %add3A_449 = arith.addi %add3A_391, %add3A_448 : i32
    %dma_start3A_450 = arith.constant 28672 : i32
    %dma_start3A_451 = tpu.memref_slice %arg13[%dma_start3A_450] : memref<32768xf32, #tpu.memory_space<vmem>> -> memref<4096xf32, #tpu.memory_space<vmem>>
    %dma_start3A_452 = tpu.memref_slice %arg6[%add3A_449] : memref<26214400xf32, #tpu.memory_space<hbm>> -> memref<4096xf32, #tpu.memory_space<hbm>>
    %dma_start3A_453 = tpu.memref_slice %arg6[%add3A_449] : memref<26214400xf32, #tpu.memory_space<hbm>> -> memref<4096xf32, #tpu.memory_space<hbm>>
    %dma_start3A_454 = arith.constant 28672 : i32
    %dma_start3A_455 = tpu.memref_slice %arg13[%dma_start3A_454] : memref<32768xf32, #tpu.memory_space<vmem>> -> memref<4096xf32, #tpu.memory_space<vmem>>
    tpu.enqueue_dma source(%dma_start3A_455 : memref<4096xf32, #tpu.memory_space<vmem>>) target(%dma_start3A_453 : memref<4096xf32, #tpu.memory_space<hbm>>) target_semaphore(%arg17 : memref<!tpu.dma_semaphore, #tpu.memory_space<semaphore_mem>>)
    %dma_wait3A_456 = arith.constant 0 : i32
    %dma_wait3A_457 = tpu.memref_slice %arg6[%dma_wait3A_456] : memref<26214400xf32, #tpu.memory_space<hbm>> -> memref<32768xf32, #tpu.memory_space<hbm>>
    %dma_wait3A_458 = arith.constant 0 : i32
    %dma_wait3A_459 = tpu.memref_slice %arg6[%dma_wait3A_458] : memref<26214400xf32, #tpu.memory_space<hbm>> -> memref<32768xf32, #tpu.memory_space<hbm>>
    tpu.wait_dma2 semaphore(%arg17 : memref<!tpu.dma_semaphore, #tpu.memory_space<semaphore_mem>>) src(%arg13 : memref<32768xf32, #tpu.memory_space<vmem>>) dst(%dma_wait3A_459 : memref<32768xf32, #tpu.memory_space<hbm>>)
    %dma_wait3A_460 = arith.constant 0 : i32
    %dma_wait3A_461 = tpu.memref_slice %arg6[%dma_wait3A_460] : memref<26214400xf32, #tpu.memory_space<hbm>> -> memref<32768xf32, #tpu.memory_space<hbm>>
    %dma_wait3A_462 = arith.constant 0 : i32
    %dma_wait3A_463 = tpu.memref_slice %arg6[%dma_wait3A_462] : memref<26214400xf32, #tpu.memory_space<hbm>> -> memref<32768xf32, #tpu.memory_space<hbm>>
    tpu.wait_dma2 semaphore(%arg18 : memref<!tpu.dma_semaphore, #tpu.memory_space<semaphore_mem>>) src(%arg14 : memref<32768xf32, #tpu.memory_space<vmem>>) dst(%dma_wait3A_463 : memref<32768xf32, #tpu.memory_space<hbm>>)
    return
  }
}

</mosaic_0001>

<sc_bundles>
// kernel: kernel.3.cloned.1.call-start
scs
__scs_entry_jumppad:
0x0: {  	(pc) =	sbr.rel $0x88, $3  }
0x1: {  	(tag) =	ssettag $0x0;
	lr =	simm.s32 $0x1  }
0x2: {  	[smem:$0x3F9D] =	sst lr;
	_ =	strace $0xD0000000  }
0x3: {  	_ = 	snop  }
0x4: {  	_ = 	snop  }
0x5: {  	_ = 	snop  }
0x6: {  	_ = 	snop  }
0x7: {  	_ = 	snop  }
__scs_overlays_trampoline_lowered:
0x8: {  	[smem:$0x3FAC] =	sst s0  }
0x9: {  	[smem:$0x3FAD] =	sst s1  }
0xa: {  	[smem:$0x3FAE] =	sst s2  }
0xb: {  	[smem:$0x3FAF] =	sst s3  }
0xc: {  	[smem:$0x3FB0] =	sst s4  }
0xd: {  	[smem:$0x3FB1] =	sst s5  }
0xe: {  	[smem:$0x3FB2] =	sst s6  }
0xf: {  	[smem:$0x3FB3] =	sst s7  }
0x10: {  	[smem:$0x3FB4] =	sst s8  }
0x11: {  	[smem:$0x3FB5] =	sst s9;
	s0 =	simm.s32 @!p0 $0x0  }
0x12: {  	s1 =	sld [smem:$0x3F9B];
	s0 =	simm.s32 @p0 $0x1  }
0x13: {  	[smem:$0x3FB6] =	sst s0;
	s0 =	simm.s32 @!p1 $0x0  }
0x14: {  	s2 =	sld [smem:$0x3F9A];
	s0 =	simm.s32 @p1 $0x1  }
0x15: {  	[smem:$0x3FB7] =	sst s0;
	s0 =	simm.s32 @!p2 $0x0  }
0x16: {  	s3 =	sld [smem:$0x3FDB];
	s0 =	simm.s32 @p2 $0x1  }
0x17: {  	s4 =	simm.s32 $0x1BF5;
	[smem:$0x3FB9] =	sst s0  }
0x18: {  	s0 =	sld [smem:$0x3F9C];
	_ =	swait.ge [sflag:s4], $0x0  }
0x19: {  	s7 =	sld [smem:$0x3F9D]  }
0x1a: {  	s8 =	sadd.s32 $0xFFFFE003, lr  }
0x1b: {  	s9 =	sadd.s32 $0xFFFFFEF7, lr;
	s5 =	simm.s32 $0xFFFFFFFF;
	p2 =	slt.u32 s8, $0xFFFFF086  }
0x1c: {  	p1 =	slt.u32 s9, $0xF7A;
	s5 =	simm.s32 @!p2 $0x0  }
0x1d: {  	s5 =	simm.s32 @p1 $0x1;
	p0 =	seq.s32 s7, s2  }
0x1e: {  	s7 =	smul.u32 @!p0 $0xF7A, s2;
	p2 =	seq.s32 @!p0 s5, $0x0  }
0x1f: {  	s9 =	smul.u32 $0xF7A, s1;
	s8 =	simm.s32 @!p0 $0x1BF5;
	p2 =	por !p2, p0  }
0x20: {  	[sflag:s8] =	ssyncset.s32 @!p0 $0xFFFFF086;
	s6 =	sadd.s32 @!p0 s3, s7;
	s7 =	simm.s32 @!p0 $0x108  }
0x21: {  	s3 =	sadd.s32 s3, s9;
	s6 =	sadd.s32 @!p0 $0x88, s6;
	s7 =	simm.s32 @p2 $0x1082  }
0x22: {  	[simem:s7], [sflag:s8] =	dma.local @!p0 [hbm:s6], $0xF7A  }
0x23: {  	s9 =	sor.u32 $0xD0000000, s2;
	s6 =	simm.s32 $0x108;
	_ =	swait.ge @!p0 [sflag:s8], $0x0  }
0x24: {  	s3 =	sadd.s32 $0x88, s3;
	s6 =	simm.s32 @!p1 $0x1082;
	[sflag:s4] =	ssyncset.s32 $0xFFFFF086  }
0x25: {  	[simem:s6], [sflag:s4] =	dma.local [hbm:s3], $0xF7A  }
0x26: {  	[smem:$0x3F9D] =	sst s1;
	(tag) =	ssettag s2;
	_ =	strace s9  }
0x27: {  	s1 =	sld [smem:$0x3FAD]  }
0x28: {  	s2 =	sld [smem:$0x3FAE]  }
0x29: {  	s4 =	sld [smem:$0x3FB0]  }
0x2a: {  	p0 =	seq.s32 s5, $0x0;
	s5 =	sld [smem:$0x3FB1]  }
0x2b: {  	s6 =	sld [smem:$0x3FB2]  }
0x2c: {  	s7 =	sld [smem:$0x3FB3]  }
0x2d: {  	s3 =	simm.s32 $0x108;
	s8 =	sld [smem:$0x3FB4]  }
0x2e: {  	s3 =	simm.s32 @!p0 $0x1082;
	s9 =	sld [smem:$0x3FB5]  }
0x2f: {  	lr =	sadd.s32 s0, s3;
	s0 =	sld [smem:$0x3FAC]  }
0x30: {  	s3 =	sld [smem:$0x3FAF]  }
0x31: {  	[smem:$0x3FB8] =	sst s10  }
0x32: {  	s10 =	sld [smem:$0x3FB6];
	_ =	sdelay $0x3  }
0x33: {  	p0 =	seq.s32 s10, $0x1;
	s10 =	sld [smem:$0x3FB8];
	_ =	sdelay $0x3  }
0x34: {  	[smem:$0x3FB8] =	sst s10  }
0x35: {  	s10 =	sld [smem:$0x3FB7];
	_ =	sdelay $0x3  }
0x36: {  	p1 =	seq.s32 s10, $0x1;
	s10 =	sld [smem:$0x3FB8];
	_ =	sdelay $0x3  }
0x37: {  	[smem:$0x3FB8] =	sst s10  }
0x38: {  	s10 =	sld [smem:$0x3FB9]  }
0x39: {  	_ = 	snop;
	(pc) =	sbr.ind lr, $3  }
0x3a: {  	_ = 	snop  }
0x3b: {  	_ = 	snop  }
0x3c: {  	p2 =	seq.s32 s10, $0x1;
	s10 =	sld [smem:$0x3FB8]  }
0x3d: {  	_ =	shalt  }
0x3e: {  	_ =	shalt  }
0x3f: {  	_ =	shalt  }
0x40: {  	_ =	shalt  }
0x41: {  	_ =	shalt  }
0x42: {  	_ =	shalt  }
0x43: {  	_ =	shalt  }
0x44: {  	_ =	shalt  }
0x45: {  	_ =	shalt  }
0x46: {  	_ =	shalt  }
0x47: {  	_ =	shalt  }
0x48: {  	_ =	shalt  }
0x49: {  	_ =	shalt  }
0x4a: {  	_ =	shalt  }
0x4b: {  	_ =	shalt  }
0x4c: {  	_ =	shalt  }
0x4d: {  	_ =	shalt  }
0x4e: {  	_ =	shalt  }
0x4f: {  	_ =	shalt  }
0x50: {  	_ =	shalt  }
0x51: {  	_ =	shalt  }
0x52: {  	_ =	shalt  }
0x53: {  	_ =	shalt  }
0x54: {  	_ =	shalt  }
0x55: {  	_ =	shalt  }
0x56: {  	_ =	shalt  }
0x57: {  	_ =	shalt  }
0x58: {  	_ =	shalt  }
0x59: {  	_ =	shalt  }
0x5a: {  	_ =	shalt  }
0x5b: {  	_ =	shalt  }
0x5c: {  	_ =	shalt  }
0x5d: {  	_ =	shalt  }
0x5e: {  	_ =	shalt  }
0x5f: {  	_ =	shalt  }
0x60: {  	_ =	shalt  }
0x61: {  	_ =	shalt  }
0x62: {  	_ =	shalt  }
0x63: {  	_ =	shalt  }
0x64: {  	_ =	shalt  }
0x65: {  	_ =	shalt  }
0x66: {  	_ =	shalt  }
0x67: {  	_ =	shalt  }
0x68: {  	_ =	shalt  }
0x69: {  	_ =	shalt  }
0x6a: {  	_ =	shalt  }
0x6b: {  	_ =	shalt  }
0x6c: {  	_ =	shalt  }
0x6d: {  	_ =	shalt  }
0x6e: {  	_ =	shalt  }
0x6f: {  	_ =	shalt  }
0x70: {  	_ =	shalt  }
0x71: {  	_ =	shalt  }
0x72: {  	_ =	shalt  }
0x73: {  	_ =	shalt  }
0x74: {  	_ =	shalt  }
0x75: {  	_ =	shalt  }
0x76: {  	_ =	shalt  }
0x77: {  	_ =	shalt  }
0x78: {  	_ =	shalt  }
0x79: {  	_ =	shalt  }
0x7a: {  	_ =	shalt  }
0x7b: {  	_ =	shalt  }
0x7c: {  	_ =	shalt  }
0x7d: {  	_ =	shalt  }
0x7e: {  	_ =	shalt  }
0x7f: {  	_ =	shalt  }
0x80: {  	_ =	shalt  }
0x81: {  	_ =	shalt  }
0x82: {  	_ =	shalt  }
0x83: {  	_ =	shalt  }
0x84: {  	_ =	shalt  }
0x85: {  	_ =	shalt  }
0x86: {  	_ =	shalt  }
0x87: {  	_ =	shalt  }
.Lfunc_end0:
.L_simem_size_0:
called_computation_lowered:
.L_overlay_start_0:
0x88: {  	s2 =	sld [smem:$0x3FD9]  }
0x89: {  	s3 =	sld [smem:$0x3FFE];
	_ =	sdelay $0x1  }
0x8a: {  	s1 =	srdreg.scid  }
0x8b: {  	s0 =	sand.u32 $0x1, s1  }
0x8c: {  	s17 =	sshll.u32 s0, $0xA;
	s2 =	sadd.s32 s3, s2  }
0x8d: {  	s2 =	sadd.s32 s2, s17  }
0x8e: {  	[smem:$0x3FC4] =	sst s2  }
0x8f: {  	_ = 	snop  }
0x90: {  	s2 =	sld [smem:$0x3FC9]  }
0x91: {  	s18 =	sld [smem:$0x3FD0];
	(tm) =	ssettm $0x1  }
0x92: {  	s4 =	sld [smem:$0x3FFB];
	_ =	sdelay $0x3  }
0x93: {  	_ =	strace s4  }
0x94: {  	s4 =	sld [smem:$0x3FFC];
	_ =	sdelay $0x3  }
0x95: {  	_ =	strace s4  }
0x96: {  	s4 =	sld [smem:$0x3FFD];
	_ =	sdelay $0x3  }
0x97: {  	_ =	strace s4  }
0x98: {  	_ =	strace $0x8FFFFFFF  }
0x99: {  	s19 =	sld [smem:$0x3FDB];
	_ =	sdelay $0x1  }
0x9a: {  	s5 =	simm.s32 $_scs_section_size  }
0x9b: {  	s6 =	simm.s32 $_size__tile_overlayer_lowered;
	s7 =	simm.s32 $_tile_overlayer_lowered  }
0x9c: {  	s22 =	simm.s32 $0x1BFF;
	s21 =	sshll.u32 s7, $0x1;
	s4 =	sadd.s32 s5, s19  }
0x9d: {  	s8 =	simm.s32 $0x0;
	s20 =	sshll.u32 s6, $0x1;
	s6 =	sadd.s32 s21, s4  }
0x9e: {  	[timem:s8], [sflag:s22] =	dma.local [hbm:s6], s20  }
0x9f: {  	_ =	swait.ge [sflag:s22], s20  }
0xa0: {  	s5 =	ssub.s32 $0x0, s20;
	[sflag:s22] =	ssyncset.done $0x0  }
0xa1: {  	[sflag:s22] =	ssyncadd.s32 s5;
	_ =	sdelay $0x1  }
0xa2: {  	s23 =	simm.s32 $0x1B8B  }
0xa3: {  	_ =	swait.ge [sflag:s23], $0x1  }
0xa4: {  	[sflag:s23] =	ssyncset.done $0x0  }
0xa5: {  	s25 =	simm.s32 $0x1B8E;
	s24 =	sld [smem:$0x3FFE];
	[sflag:s23] =	ssyncadd.s32 $0xFFFFFFFF  }
0xa6: {  	s26 =	simm.s32 $execute0_lowered;
	[smem:$0x3FD2] =	sst s25  }
0xa7: {  	s6 =	sshll.u32 s26, $0x1;
	_ =	strace $0x80000046;
	[dreg:$0x1] =	wrdreg $0xFFFFFFFF  }
0xa8: {  	s28 =	simm.s32 $_size_execute0_lowered;
	s4 =	sadd.s32 s4, s6;
	[dreg:$0x0] =	wrdreg $0x0  }
0xa9: {  	s6 =	sshll.u32 s28, $0x1;
	[dreg:$0x2] =	wrdreg s4  }
0xaa: {  	[dreg:$0x3] =	wrdreg s6  }
0xab: {  	[dreg:$0x4] =	wrdreg $0xC0  }
0xac: {  	_ =	task [dreg:s8], $0x5FFFF  }
0xad: {  	[dreg:$0x1] =	wrdreg $0xFFFFFFFF  }
0xae: {  	[dreg:$0x0] =	wrdreg $0x60  }
0xaf: {  	[dreg:$0x2] =	wrdreg s24  }
0xb0: {  	[dreg:$0x3] =	wrdreg s2  }
0xb1: {  	[dreg:$0x4] =	wrdreg s18  }
0xb2: {  	[dreg:$0x5] =	wrdreg $0x9  }
0xb3: {  	_ =	task.clear_ibuf [dreg:s8], $0x6FFFF;
	_ =	strace $0x90000046  }
0xb4: {  	s29 =	simm.s32 $0x9;
	_ =	strace $0x80000048  }
0xb5: {  	_ =	swait.ge [sflag:s29], $0x1  }
0xb6: {  	[sflag:s29] =	ssyncadd.s32 $0xFFFFFFFF  }
0xb7: {  	_ =	strace $0x90000048  }
0xb8: {  	_ =	sfence  }
0xb9: {  	s30 =	sld [smem:$0x0];
	_ =	sdelay $0x2  }
0xba: {  	s31 =	sshll.u32 s1, $0xD;
	s1 =	sshrl.u32 s1, $0x2  }
0xbb: {  	s3 =	sand.u32 $0x4000, s31;
	s1 =	sadd.s32 s1, s30  }
0xbc: {  	s0 =	sor.u32 s3, s0;
	s1 =	sshll.u32 s1, $0x11  }
0xbd: {  	s0 =	sor.u32 s1, s0  }
0xbe: {  	s0 =	sadd.s32 $0x8F2B, s0  }
0xbf: {  	[sflag:s0] =	ssyncadd.remote.s32 $0x1  }
0xc0: {  	_ =	sfence.sel $0xFFFF  }
0xc1: {  	[dreg:$0x0] =	wrdreg $0xFFFFFFFF;
	(pc) =	sbr.abs _section_cstart, $3  }
0xc2: {  	[dreg:$0x1] =	wrdreg $0xFFFFFFFF  }
0xc3: {  	_ =	task.clear_ibuf [dreg:s8], $0x2FFFF;
	_ =	strace $0x9FFFFFFF  }
0xc4: {  	(tm) =	ssettm $0x7FFFFFFF  }
0xc5: {  	_ =	shalt  }
tec
execute0_lowered:
.L_overlay_start_1:
0x0: {  	(tag) =	ssettag $0x1  }
0x1: {  	s0 =	rddreg [dreg:$0x0]  }
0x2: {  	s11 =	rddreg [dreg:$0x1];
	s1 =	srdreg.scid  }
0x3: {  	s2 =	stileid.u32;
	s3 =	rddreg [dreg:$0x2];
	s4 =	simm.s32 $0x0  }
0x4: {  	s1 =	sand.u32 $0x1, s1;
	s5 =	sshll.u32 s2, $0x1;
	[smem:$0x7FF] =	sst s4  }
0x5: {  	s14 =	sadd.s32 $0x400, s0;
	s15 =	sadd.s32 $0x600, s0;
	s0 =	sadd.s32 $0x800, s0  }
0x6: {  	s12 =	sadd.s32 $0x4000, s3;
	s13 =	sadd.s32 $0x8000, s3;
	s6 =	sor.u32 s1, s5  }
0x7: {  	s18 =	sadd.s32 $0x10000, s3;
	s22 =	sadd.s32 $0x18000, s3;
	s5 =	smul.u32 $0x19, s6  }
0x8: {  	_ =	strace $0x80000047;
	[dreg:$0x4] =	wrdreg s14;
	s7 =	smul.u32 $0xC8000, s6  }
0x9: {  	[dreg:$0x5] =	wrdreg s15;
	s1 =	ssub.s32 $0x2, s1;
	s8 =	smul.u32 $0x19000, s6  }
0xa: {  	[dreg:$0x6] =	wrdreg s0;
	s16 =	sshrl.u32 s1, $0x1;
	s6 =	smul.u32 $0x3200, s6  }
0xb: {  	s0 =	ssub.s32 s1, s16;
	s9 =	sadd.s32 $0x1, s5;
	s7 =	sand.u32 $0x1F00000, s7  }
0xc: {  	s10 =	sand.u32 $0x1F000, s8;
	s19 =	sadd.s32 s11, s6;
	s0 =	smax.u32 s0, $0x1  }
0xd: {  	s17 =	sshll.u32 s9, $0x9;
	s7 =	sor.u32 s10, s7;
	[dreg:$0x7] =	wrdreg s19  }
0xe: {  	[smem:$0x7FD] =	sst s0;
	s20 =	sadd.s32 s11, s17;
	s21 =	sshrl.u32 s7, $0x3  }
0xf: {  	s16 =	sadd.s32 $0xC000, s3;
	[dreg:$0x8] =	wrdreg s20;
	s23 =	sadd.s32 s3, s21  }
0x10: {  	s2 =	sadd.s32 $0x18, s5;
	s24 =	sadd.s32 s21, s12;
	[dreg:$0x9] =	wrdreg s23  }
0x11: {  	s28 =	sshll.u32 s9, $0xC;
	s25 =	sadd.s32 s21, s13;
	[dreg:$0xa] =	wrdreg s24  }
0x12: {  	s7 =	sand.u32 $0x7E0000, s28;
	s26 =	sadd.s32 s21, s16;
	[dreg:$0xb] =	wrdreg s25  }
0x13: {  	s1 =	sand.u32 $0x3E00, s17;
	s14 =	sadd.s32 s21, s18;
	[dreg:$0xc] =	wrdreg s26  }
0x14: {  	s20 =	sadd.s32 $0x14000, s3;
	s17 =	sadd.s32 s21, s22;
	[dreg:$0xd] =	wrdreg s14  }
0x15: {  	s1 =	sor.u32 s1, s7;
	s15 =	sadd.s32 s21, s20;
	[dreg:$0xf] =	wrdreg s17  }
0x16: {  	s10 =	sshll.u32 s2, $0xC;
	s24 =	sadd.s32 s3, s1;
	[dreg:$0xe] =	wrdreg s15  }
0x17: {  	s9 =	sshll.u32 s2, $0x9;
	s25 =	sadd.s32 s1, s12;
	[dreg:$0x11] =	wrdreg s24  }
0x18: {  	s9 =	sand.u32 $0x3E00, s9;
	s26 =	sadd.s32 s1, s13;
	[dreg:$0x12] =	wrdreg s25  }
0x19: {  	s7 =	sand.u32 $0x7E0000, s10;
	s28 =	sadd.s32 s1, s16;
	[dreg:$0x13] =	wrdreg s26  }
0x1a: {  	s7 =	sor.u32 s9, s7;
	s9 =	sadd.s32 s1, s20;
	[dreg:$0x14] =	wrdreg s28  }
0x1b: {  	s23 =	sadd.s32 $0x1C000, s3;
	s10 =	sadd.s32 s1, s22;
	[dreg:$0x16] =	wrdreg s9  }
0x1c: {  	s8 =	sshrl.u32 s8, $0x3;
	s19 =	sadd.s32 s21, s23;
	[dreg:$0x17] =	wrdreg s10  }
0x1d: {  	s21 =	sadd.s32 s11, s8;
	s8 =	sadd.s32 s1, s18;
	[dreg:$0x10] =	wrdreg s19  }
0x1e: {  	s1 =	sadd.s32 s1, s23;
	[dreg:$0x15] =	wrdreg s8  }
0x1f: {  	s31 =	simm.s32 $0x80;
	s15 =	sadd.s32 s3, s7;
	[dreg:$0x18] =	wrdreg s1  }
0x20: {  	s30 =	simm.s32 $0x3;
	s17 =	sadd.s32 s7, s12;
	[dreg:$0x1b] =	wrdreg s15  }
0x21: {  	v0 =	vlaneseq.u32;
	s29 =	simm.s32 $0x4;
	s24 =	sadd.s32 s7, s18;
	[dreg:$0x1c] =	wrdreg s17  }
0x22: {  	v1 =	vshrl.u32 v0, $0x3;
	s6 =	simm.s32 $0x1;
	s25 =	sadd.s32 s7, s20;
	[dreg:$0x1f] =	wrdreg s24  }
0x23: {  	v4 =	vor.u32 $0x2, v1;
	s2 =	simm.s32 $0x150;
	s26 =	sadd.s32 s7, s22;
	[smem:$0x7FA] =	sst s25  }
0x24: {  	[tilespmem:$0x1FFA0] =	vst v4;
	v4 =	vor.u32 $0x10, v0;
	s0 =	simm.s32 $0x110;
	s28 =	sadd.s32 s7, s23;
	[smem:$0x7FB] =	sst s26  }
0x25: {  	[tilespmem:$0x1FFB0] =	vst v4;
	v4 =	vor.u32 $0x4, v1;
	s9 =	simm.s32 $0x0;
	s11 =	sadd.s32 $0x400, s21;
	[smem:$0x7FC] =	sst s28  }
0x26: {  	[tilespmem:$0x1FFC0] =	vst v4;
	v4 =	vor.u32 $0x20, v0;
	s14 =	sadd.s32 $0x600, s21;
	s19 =	sadd.s32 s7, s13;
	[dreg:$0x19] =	wrdreg s11  }
0x27: {  	v3 =	vand.u32 $0x7, v0;
	v2 =	vmul.u32 $0x10, v1;
	v0 =	vor.u32 $0x30, v0;
	[tilespmem:$0x1FFD0] =	vst v4;
	s21 =	sadd.s32 s7, s16;
	s25 =	sadd.s32 $0x2, s5;
	[dreg:$0x1a] =	wrdreg s14  }
0x28: {  	v3 =	vmul.u32 $0x10, v3;
	v4 =	vor.u32 $0x6, v1;
	[tilespmem:$0x1FFF0] =	vst v0;
	s26 =	sadd.s32 $0x3, s5;
	s7 =	simm.s32 $0x1150;
	[dreg:$0x1d] =	wrdreg s19  }
0x29: {  	v5 =	vor.u32 $0x20, v2;
	v8 =	vor.u32 $0x40, v2;
	v11 =	vor.u32 $0x60, v2;
	[tilespmem:$0x1FFE0] =	vst v4;
	s8 =	simm.s32 $0x100;
	[dreg:$0x1e] =	wrdreg s21;
	s19 =	simm.s32 $0x2  }
.LBB2_1:
0x2a: {  	s1 =	rddreg [dreg:$0x7]  }
0x2b: {  	[tilespmem:s2], [sflag:$0x1] =	stream.linear.gather [hbm4b:s1+s4], $0x1000, $0x38;
	[tilespmem:$0x12150] =	vst v63  }
0x2c: {  	s11 =	rddreg [dreg:$0x8]  }
0x2d: {  	[tilespmem:s7], [sflag:$0x2] =	stream.linear.gather [hbm4b:s11+s4], $0x1000, $0x38;
	[tilespmem:$0x12150] =	vst v63  }
0x2e: {  	s14 =	rddreg [dreg:$0x4];
	s15 =	simm.s32 $0x5  }
0x2f: {  	[tilespmem:s4], [sflag:$0x5] =	stream.linear.gather [hbm4b:s14+s4], $0x80, $0x38;
	[tilespmem:$0x12150] =	vst v63  }
0x30: {  	_ =	swait.ge [sflag:s15], $0x80  }
0x31: {  	[sflag:s15] =	ssyncset.done $0x0  }
0x32: {  	v13 =	vmov s4;
	s17 =	rddreg [dreg:$0x5];
	[sflag:s15] =	ssyncadd.s32 $0xFFFFFF80  }
0x33: {  	v13 =	vand.u32 $0xF, v13;
	[tilespmem:s31], [sflag:$0x5] =	stream.linear.gather [hbm4b:s17+s4], $0x80, $0x38;
	[tilespmem:$0x12150] =	vst v63  }
0x34: {  	v13 =	vbroadcast v13, $0x0;
	_ =	swait.ge [sflag:s15], $0x80  }
0x35: {  	[sflag:s15] =	ssyncset.done $0x0  }
0x36: {  	s21 =	simm.s32 $0x1;
	v14 =	vor.u32 v2, v13;
	s24 =	rddreg [dreg:$0x6];
	[sflag:s15] =	ssyncadd.s32 $0xFFFFFF80  }
0x37: {  	v13 =	vor.u32 v3, v13;
	[tilespmem:s8], [sflag:$0x5] =	stream.linear.gather [hbm4b:s24+s4], $0x10, $0x38;
	[tilespmem:$0x12150] =	vst v63  }
0x38: {  	v15 =	vmov s21;
	_ =	swait.ge [sflag:s15], $0x10  }
0x39: {  	v15 =	vand.u32 $0xF, v15;
	[sflag:s15] =	ssyncset.done $0x0  }
0x3a: {  	v15 =	vbroadcast v15, $0x0;
	[sflag:s15] =	ssyncadd.s32 $0xFFFFFFF0  }
0x3b: {  	v17 =	vld.idx.msk [tilespmem:v14+s31+$0x0], $0xffff  }
0x3c: {  	s28 =	simm.s32 $0x2;
	v14 =	vor.u32 v2, v15;
	v18 =	vld.idx.msk [tilespmem:v13+s4+$0x0], $0xffff  }
0x3d: {  	v15 =	vor.u32 v3, v15;
	v13 =	vmov s28  }
0x3e: {  	v16 =	vand.u32 $0xF, v13;
	v13 =	vld.idx.msk [tilespmem:v1+s8+$0x0], $0xffff  }
0x3f: {  	v19 =	vbroadcast v16, $0x0;
	_ =	sdelay $0x1  }
0x40: {  	v16 =	vor.u32 v2, v19;
	v14 =	vld.idx.msk [tilespmem:v14+s31+$0x0], $0xffff;
	v18 =	vmul.f32 v18, v17  }
0x41: {  	s1 =	simm.s32 $0x3;
	v15 =	vld.idx.msk [tilespmem:v15+s4+$0x0], $0xffff;
	v17 =	vor.u32 v3, v19  }
.LBB2_2:
0x42: {  	v19 =	vmov s1;
	v13 =	vadd.f32 v18, v13;
	p0 =	sne.s32 s1, $0xF  }
.Ltmp0:
0x43: {  	s1 =	sadd.s32 $0x1, s1;
	v0 =	vand.u32 $0xF, v19;
	(pc) =	sbr.rel @p0 .LBB2_2-.Ltmp0, $4  }
0x44: {  	v19 =	vbroadcast v0, $0x0  }
0x45: {  	v18 =	vmov v14;
	v14 =	vld.idx.msk [tilespmem:v16+s31+$0x0], $0xffff  }
0x46: {  	v18 =	vmul.f32 v15, v18;
	v16 =	vor.u32 v2, v19;
	v15 =	vld.idx.msk [tilespmem:v17+s4+$0x0], $0xffff  }
0x47: {  	v17 =	vor.u32 v3, v19  }
0x48: {  	_ =	sdelay $0x3  }
0x49: {  	v16 =	vld.idx.msk [tilespmem:v16+s31+$0x0], $0xffff  }
0x4a: {  	v17 =	vld.idx.msk [tilespmem:v17+s4+$0x0], $0xffff;
	_ =	sdelay $0x2  }
0x4b: {  	v13 =	vadd.f32 v18, v13;
	v14 =	vmul.f32 v15, v14  }
0x4c: {  	s1 =	simm.s32 $0x0;
	v0 =	vlaneseq.u32  }
0x4d: {  	v19 =	vmov s1;
	v13 =	vadd.f32 v14, v13;
	v14 =	vmul.f32 v17, v16  }
0x4e: {  	v19 =	vand.u32 $0xF, v19  }
0x4f: {  	v15 =	vbroadcast v19, $0x0;
	v13 =	vadd.f32 v14, v13;
	_ =	sdelay $0x1  }
0x50: {  	v16 =	vor.u32 v5, v15;
	[tilespmem:v0+s0+$0x0] =	vst.idx.msk $0xffff, v13;
	v0 =	vld [tilespmem:$0x1FFA0]  }
0x51: {  	s24 =	simm.s32 $0x1;
	v15 =	vor.u32 v3, v15  }
0x52: {  	v17 =	vmov s24  }
0x53: {  	v14 =	vand.u32 $0xF, v17  }
0x54: {  	v14 =	vbroadcast v14, $0x0  }
0x55: {  	v17 =	vld.idx.msk [tilespmem:v16+s31+$0x0], $0xffff  }
0x56: {  	s28 =	simm.s32 $0x2;
	v16 =	vor.u32 v5, v14;
	v18 =	vld.idx.msk [tilespmem:v15+s4+$0x0], $0xffff  }
0x57: {  	v13 =	vmov s28;
	v15 =	vor.u32 v3, v14  }
0x58: {  	v14 =	vand.u32 $0xF, v13;
	v13 =	vld.idx.msk [tilespmem:v0+s8+$0x0], $0xffff  }
0x59: {  	v19 =	vbroadcast v14, $0x0;
	_ =	sdelay $0x1  }
0x5a: {  	v14 =	vld.idx.msk [tilespmem:v16+s31+$0x0], $0xffff;
	v16 =	vor.u32 v5, v19;
	v18 =	vmul.f32 v18, v17  }
0x5b: {  	s1 =	simm.s32 $0x3;
	v15 =	vld.idx.msk [tilespmem:v15+s4+$0x0], $0xffff;
	v17 =	vor.u32 v3, v19  }
.LBB2_4:
0x5c: {  	v19 =	vmov s1;
	v13 =	vadd.f32 v18, v13;
	p0 =	sne.s32 s1, $0xF  }
.Ltmp1:
0x5d: {  	s1 =	sadd.s32 $0x1, s1;
	v0 =	vand.u32 $0xF, v19;
	(pc) =	sbr.rel @p0 .LBB2_4-.Ltmp1, $4  }
0x5e: {  	v19 =	vbroadcast v0, $0x0  }
0x5f: {  	v18 =	vmov v14;
	v14 =	vld.idx.msk [tilespmem:v16+s31+$0x0], $0xffff  }
0x60: {  	v18 =	vmul.f32 v15, v18;
	v16 =	vor.u32 v5, v19;
	v15 =	vld.idx.msk [tilespmem:v17+s4+$0x0], $0xffff  }
0x61: {  	v17 =	vor.u32 v3, v19  }
0x62: {  	_ =	sdelay $0x3  }
0x63: {  	v16 =	vld.idx.msk [tilespmem:v16+s31+$0x0], $0xffff  }
0x64: {  	v17 =	vld.idx.msk [tilespmem:v17+s4+$0x0], $0xffff  }
0x65: {  	v0 =	vld [tilespmem:$0x1FFB0];
	_ =	sdelay $0x1  }
0x66: {  	v13 =	vadd.f32 v18, v13;
	v14 =	vmul.f32 v15, v14  }
0x67: {  	s1 =	simm.s32 $0x0  }
0x68: {  	v19 =	vmov s1;
	v13 =	vadd.f32 v14, v13;
	v14 =	vmul.f32 v17, v16  }
0x69: {  	v19 =	vand.u32 $0xF, v19  }
0x6a: {  	v15 =	vbroadcast v19, $0x0;
	v13 =	vadd.f32 v14, v13;
	_ =	sdelay $0x1  }
0x6b: {  	v16 =	vor.u32 v8, v15;
	[tilespmem:v0+s0+$0x0] =	vst.idx.msk $0xffff, v13;
	v0 =	vld [tilespmem:$0x1FFC0]  }
0x6c: {  	s24 =	simm.s32 $0x1;
	v15 =	vor.u32 v3, v15  }
0x6d: {  	v17 =	vmov s24  }
0x6e: {  	v14 =	vand.u32 $0xF, v17  }
0x6f: {  	v14 =	vbroadcast v14, $0x0  }
0x70: {  	v17 =	vld.idx.msk [tilespmem:v16+s31+$0x0], $0xffff  }
0x71: {  	s28 =	simm.s32 $0x2;
	v16 =	vor.u32 v8, v14;
	v18 =	vld.idx.msk [tilespmem:v15+s4+$0x0], $0xffff  }
0x72: {  	v13 =	vmov s28;
	v15 =	vor.u32 v3, v14  }
0x73: {  	v14 =	vand.u32 $0xF, v13;
	v13 =	vld.idx.msk [tilespmem:v0+s8+$0x0], $0xffff  }
0x74: {  	v19 =	vbroadcast v14, $0x0;
	_ =	sdelay $0x1  }
0x75: {  	v14 =	vld.idx.msk [tilespmem:v16+s31+$0x0], $0xffff;
	v16 =	vor.u32 v8, v19;
	v18 =	vmul.f32 v18, v17  }
0x76: {  	s1 =	simm.s32 $0x3;
	v15 =	vld.idx.msk [tilespmem:v15+s4+$0x0], $0xffff;
	v17 =	vor.u32 v3, v19  }
.LBB2_6:
0x77: {  	v19 =	vmov s1;
	v13 =	vadd.f32 v18, v13;
	p0 =	sne.s32 s1, $0xF  }
.Ltmp2:
0x78: {  	s1 =	sadd.s32 $0x1, s1;
	v0 =	vand.u32 $0xF, v19;
	(pc) =	sbr.rel @p0 .LBB2_6-.Ltmp2, $4  }
0x79: {  	v19 =	vbroadcast v0, $0x0  }
0x7a: {  	v18 =	vmov v14;
	v14 =	vld.idx.msk [tilespmem:v16+s31+$0x0], $0xffff  }
0x7b: {  	v18 =	vmul.f32 v15, v18;
	v16 =	vor.u32 v8, v19;
	v15 =	vld.idx.msk [tilespmem:v17+s4+$0x0], $0xffff  }
0x7c: {  	v17 =	vor.u32 v3, v19  }
0x7d: {  	_ =	sdelay $0x3  }
0x7e: {  	v16 =	vld.idx.msk [tilespmem:v16+s31+$0x0], $0xffff  }
0x7f: {  	v17 =	vld.idx.msk [tilespmem:v17+s4+$0x0], $0xffff  }
0x80: {  	v0 =	vld [tilespmem:$0x1FFD0];
	_ =	sdelay $0x1  }
0x81: {  	v13 =	vadd.f32 v18, v13;
	v14 =	vmul.f32 v15, v14  }
0x82: {  	s1 =	simm.s32 $0x0  }
0x83: {  	v19 =	vmov s1;
	v13 =	vadd.f32 v14, v13;
	v14 =	vmul.f32 v17, v16  }
0x84: {  	v19 =	vand.u32 $0xF, v19  }
0x85: {  	v15 =	vbroadcast v19, $0x0;
	v13 =	vadd.f32 v14, v13;
	_ =	sdelay $0x1  }
0x86: {  	v16 =	vor.u32 v11, v15;
	[tilespmem:v0+s0+$0x0] =	vst.idx.msk $0xffff, v13;
	v0 =	vld [tilespmem:$0x1FFE0]  }
0x87: {  	s24 =	simm.s32 $0x1;
	v15 =	vor.u32 v3, v15  }
0x88: {  	v17 =	vmov s24  }
0x89: {  	v14 =	vand.u32 $0xF, v17  }
0x8a: {  	v14 =	vbroadcast v14, $0x0  }
0x8b: {  	v17 =	vld.idx.msk [tilespmem:v16+s31+$0x0], $0xffff  }
0x8c: {  	s28 =	simm.s32 $0x2;
	v16 =	vor.u32 v11, v14;
	v18 =	vld.idx.msk [tilespmem:v15+s4+$0x0], $0xffff  }
0x8d: {  	v13 =	vmov s28;
	v15 =	vor.u32 v3, v14  }
0x8e: {  	v14 =	vand.u32 $0xF, v13;
	v13 =	vld.idx.msk [tilespmem:v0+s8+$0x0], $0xffff  }
0x8f: {  	v19 =	vbroadcast v14, $0x0;
	_ =	sdelay $0x1  }
0x90: {  	v14 =	vld.idx.msk [tilespmem:v16+s31+$0x0], $0xffff;
	v16 =	vor.u32 v11, v19;
	v18 =	vmul.f32 v18, v17  }
0x91: {  	[smem:$0x7F9] =	sst s9;
	s1 =	simm.s32 $0x3;
	v15 =	vld.idx.msk [tilespmem:v15+s4+$0x0], $0xffff;
	v17 =	vor.u32 v3, v19  }
.LBB2_8:
0x92: {  	v19 =	vmov s1;
	v13 =	vadd.f32 v18, v13;
	p0 =	sne.s32 s1, $0xF  }
.Ltmp3:
0x93: {  	s1 =	sadd.s32 $0x1, s1;
	v0 =	vand.u32 $0xF, v19;
	(pc) =	sbr.rel @p0 .LBB2_8-.Ltmp3, $4  }
0x94: {  	v19 =	vbroadcast v0, $0x0  }
0x95: {  	v18 =	vmov v14;
	v14 =	vld.idx.msk [tilespmem:v16+s31+$0x0], $0xffff  }
0x96: {  	v18 =	vmul.f32 v15, v18;
	v16 =	vor.u32 v11, v19;
	v15 =	vld.idx.msk [tilespmem:v17+s4+$0x0], $0xffff  }
0x97: {  	v17 =	vor.u32 v3, v19  }
0x98: {  	_ =	sdelay $0x3  }
0x99: {  	v16 =	vld.idx.msk [tilespmem:v16+s31+$0x0], $0xffff  }
0x9a: {  	v17 =	vld.idx.msk [tilespmem:v17+s4+$0x0], $0xffff  }
0x9b: {  	v0 =	vld [tilespmem:$0x1FFF0];
	_ =	sdelay $0x1  }
0x9c: {  	v13 =	vadd.f32 v18, v13;
	v14 =	vmul.f32 v15, v14;
	_ =	sdelay $0x1  }
0x9d: {  	v13 =	vadd.f32 v14, v13;
	v14 =	vmul.f32 v17, v16;
	_ =	sdelay $0x1  }
0x9e: {  	v13 =	vadd.f32 v14, v13;
	_ =	sdelay $0x1  }
0x9f: {  	[tilespmem:v0+s0+$0x0] =	vst.idx.msk $0xffff, v13  }
0xa0: {  	_ =	swait.ge [sflag:s6], $0x1000  }
0xa1: {  	[sflag:s6] =	ssyncset.done $0x0  }
0xa2: {  	s1 =	simm.s32 $0x170;
	[sflag:s6] =	ssyncadd.s32 $0xFFFFF000  }
0xa3: {  	v17 =	vld [tilespmem:s1+$0xFFFFFFE0]  }
0xa4: {  	v20 =	vld [tilespmem:s1+$0x10]  }
0xa5: {  	v19 =	vld [tilespmem:s1+$0x0]  }
0xa6: {  	v18 =	vld [tilespmem:s1+$0xFFFFFFF0];
	_ =	sdelay $0x4  }
0xa7: {  	v13 =	vld.idx.msk [tilespmem:v17+s0+$0x0], $0xffff  }
0xa8: {  	s9 =	simm.s32 $0x0;
	s7 =	simm.s32 $0x0;
	v14 =	vadd.s32 $0x8, v17;
	v15 =	vld.idx.msk [tilespmem:v20+s0+$0x0], $0xffff  }
0xa9: {  	s8 =	simm.s32 $0x20;
	s11 =	simm.s32 $0x30;
	s1 =	sand.u32 $0x7000, s9;
	v21 =	vadd.s32 $0x8, v20;
	v16 =	vld.idx.msk [tilespmem:v19+s0+$0x0], $0xffff  }
0xaa: {  	s9 =	sand.u32 $0xC40, s7;
	s7 =	sand.u32 $0xC00, s7;
	s10 =	sadd.s32 $0x2150, s1;
	v23 =	vadd.s32 $0x8, v19;
	v22 =	vld.idx.msk [tilespmem:v18+s0+$0x0], $0xffff  }
0xab: {  	s1 =	sadd.s32 s9, s10;
	s7 =	sor.u32 s7, s10;
	s10 =	sand.u32 $0x70, s11;
	v24 =	vadd.s32 $0x8, v18  }
0xac: {  	s8 =	sand.u32 $0x60, s8;
	s11 =	simm.s32 $0x10;
	s15 =	sadd.s32 s10, s7;
	[tilespmem:s1+$0x0] =	vst v13  }
0xad: {  	s14 =	sand.u32 $0x50, s11;
	s21 =	sadd.s32 s8, s7;
	[tilespmem:s15+$0x0] =	vst v15;
	v13 =	vld.idx.msk [tilespmem:v14+s0+$0x0], $0xffff  }
0xae: {  	s7 =	sadd.s32 s14, s7;
	[tilespmem:s21+$0x0] =	vst v16;
	v14 =	vadd.s32 $0x10, v17;
	v15 =	vld.idx.msk [tilespmem:v21+s0+$0x0], $0xffff  }
0xaf: {  	[tilespmem:s7+$0x0] =	vst v22;
	v16 =	vld.idx.msk [tilespmem:v23+s0+$0x0], $0xffff;
	v21 =	vadd.s32 $0x10, v20  }
0xb0: {  	v22 =	vld.idx.msk [tilespmem:v24+s0+$0x0], $0xffff;
	v23 =	vadd.s32 $0x10, v19  }
0xb1: {  	v24 =	vadd.s32 $0x10, v18  }
0xb2: {  	[tilespmem:s1+$0x80] =	vst v13  }
0xb3: {  	[tilespmem:s15+$0x80] =	vst v15;
	v13 =	vld.idx.msk [tilespmem:v14+s0+$0x0], $0xffff  }
0xb4: {  	[tilespmem:s21+$0x80] =	vst v16;
	v14 =	vld.idx.msk [tilespmem:v21+s0+$0x0], $0xffff  }
0xb5: {  	[tilespmem:s7+$0x80] =	vst v22;
	v16 =	vld.idx.msk [tilespmem:v23+s0+$0x0], $0xffff;
	v21 =	vadd.s32 $0x18, v20  }
0xb6: {  	v22 =	vld.idx.msk [tilespmem:v24+s0+$0x0], $0xffff;
	v23 =	vadd.s32 $0x18, v19  }
0xb7: {  	v24 =	vadd.s32 $0x18, v18  }
0xb8: {  	s8 =	simm.s32 $0x1B0;
	[tilespmem:s1+$0x100] =	vst v13  }
0xb9: {  	v15 =	vadd.s32 $0x18, v17;
	[tilespmem:s15+$0x100] =	vst v14;
	v13 =	vld [tilespmem:s8+$0xFFFFFFE0]  }
0xba: {  	[tilespmem:s21+$0x100] =	vst v16;
	v21 =	vld.idx.msk [tilespmem:v21+s0+$0x0], $0xffff  }
0xbb: {  	[tilespmem:s7+$0x100] =	vst v22;
	v22 =	vld.idx.msk [tilespmem:v23+s0+$0x0], $0xffff  }
0xbc: {  	v23 =	vld.idx.msk [tilespmem:v24+s0+$0x0], $0xffff;
	v24 =	vadd.s32 $0x20, v20  }
0xbd: {  	v26 =	vadd.s32 $0x20, v19;
	v14 =	vld [tilespmem:s8+$0xFFFFFFF0]  }
0xbe: {  	v27 =	vadd.s32 $0x20, v18;
	v25 =	vld.idx.msk [tilespmem:v15+s0+$0x0], $0xffff  }
0xbf: {  	v28 =	vadd.s32 $0x20, v17;
	v16 =	vld [tilespmem:s8+$0x10]  }
0xc0: {  	v15 =	vld [tilespmem:s8+$0x0];
	[tilespmem:s15+$0x180] =	vst v21  }
0xc1: {  	[tilespmem:s21+$0x180] =	vst v22;
	v21 =	vld.idx.msk [tilespmem:v24+s0+$0x0], $0xffff  }
0xc2: {  	[tilespmem:s7+$0x180] =	vst v23;
	v22 =	vld.idx.msk [tilespmem:v26+s0+$0x0], $0xffff  }
0xc3: {  	[tilespmem:s1+$0x180] =	vst v25;
	v23 =	vld.idx.msk [tilespmem:v27+s0+$0x0], $0xffff  }
0xc4: {  	v24 =	vadd.s32 $0x28, v20;
	v25 =	vld.idx.msk [tilespmem:v28+s0+$0x0], $0xffff  }
0xc5: {  	v27 =	vadd.s32 $0x28, v19;
	v26 =	vld.idx.msk [tilespmem:v13+s0+$0x0], $0xffff  }
0xc6: {  	s28 =	simm.s32 $0x40;
	s10 =	simm.s32 $0x800;
	v29 =	vadd.s32 $0x28, v18;
	v55 =	vld.idx.msk [tilespmem:v14+s0+$0x0], $0xffff;
	[tilespmem:s15+$0x200] =	vst v21  }
0xc7: {  	s24 =	sand.u32 $0xC40, s28;
	s11 =	simm.s32 $0x50;
	s17 =	sand.u32 $0x7000, s10;
	v30 =	vadd.s32 $0x28, v17;
	v32 =	vld.idx.msk [tilespmem:v16+s0+$0x0], $0xffff;
	[tilespmem:s21+$0x200] =	vst v22  }
0xc8: {  	s2 =	sand.u32 $0xC00, s28;
	s11 =	sand.u32 $0x50, s11;
	s17 =	sadd.s32 $0x2150, s17;
	v31 =	vld.idx.msk [tilespmem:v15+s0+$0x0], $0xffff;
	v21 =	vadd.s32 $0x8, v13;
	[tilespmem:s7+$0x200] =	vst v23  }
0xc9: {  	s9 =	sadd.s32 s24, s17;
	s2 =	sor.u32 s2, s17;
	s24 =	simm.s32 $0x70;
	[tilespmem:s1+$0x200] =	vst v25;
	v22 =	vld.idx.msk [tilespmem:v24+s0+$0x0], $0xffff;
	v24 =	vadd.s32 $0x8, v14  }
0xca: {  	s14 =	simm.s32 $0x60;
	s11 =	sadd.s32 s11, s2;
	s17 =	sand.u32 $0x70, s24;
	v23 =	vld.idx.msk [tilespmem:v27+s0+$0x0], $0xffff;
	[tilespmem:s9+$0x0] =	vst v26;
	v26 =	vadd.s32 $0x8, v16  }
0xcb: {  	s14 =	sand.u32 $0x60, s14;
	s24 =	sadd.s32 s17, s2;
	v56 =	vadd.s32 $0x8, v15;
	v27 =	vld.idx.msk [tilespmem:v29+s0+$0x0], $0xffff;
	[tilespmem:s11+$0x0] =	vst v55  }
0xcc: {  	s14 =	sadd.s32 s14, s2;
	v25 =	vadd.s32 $0x30, v20;
	v57 =	vld.idx.msk [tilespmem:v30+s0+$0x0], $0xffff;
	[tilespmem:s24+$0x0] =	vst v32  }
0xcd: {  	v59 =	vadd.s32 $0x30, v19;
	[tilespmem:s14+$0x0] =	vst v31;
	v21 =	vld.idx.msk [tilespmem:v21+s0+$0x0], $0xffff  }
0xce: {  	v58 =	vadd.s32 $0x30, v18;
	v24 =	vld.idx.msk [tilespmem:v24+s0+$0x0], $0xffff;
	[tilespmem:s15+$0x280] =	vst v22  }
0xcf: {  	v60 =	vadd.s32 $0x30, v17;
	v26 =	vld.idx.msk [tilespmem:v26+s0+$0x0], $0xffff;
	[tilespmem:s21+$0x280] =	vst v23  }
0xd0: {  	v22 =	vadd.s32 $0x10, v13;
	v23 =	vld.idx.msk [tilespmem:v56+s0+$0x0], $0xffff;
	[tilespmem:s7+$0x280] =	vst v27  }
0xd1: {  	v27 =	vadd.s32 $0x10, v16;
	[tilespmem:s1+$0x280] =	vst v57;
	v25 =	vld.idx.msk [tilespmem:v25+s0+$0x0], $0xffff  }
0xd2: {  	v20 =	vadd.s32 $0x38, v20;
	v62 =	vld.idx.msk [tilespmem:v59+s0+$0x0], $0xffff;
	[tilespmem:s9+$0x80] =	vst v21  }
0xd3: {  	v19 =	vadd.s32 $0x38, v19;
	v61 =	vld.idx.msk [tilespmem:v58+s0+$0x0], $0xffff;
	[tilespmem:s11+$0x80] =	vst v24  }
0xd4: {  	v63 =	vld.idx.msk [tilespmem:v60+s0+$0x0], $0xffff;
	v21 =	vadd.s32 $0x10, v15;
	[tilespmem:s24+$0x80] =	vst v26  }
0xd5: {  	v22 =	vld.idx.msk [tilespmem:v22+s0+$0x0], $0xffff;
	v24 =	vadd.s32 $0x10, v14;
	[tilespmem:s14+$0x80] =	vst v23  }
0xd6: {  	v18 =	vadd.s32 $0x38, v18;
	[tilespmem:s15+$0x300] =	vst v25;
	v23 =	vld.idx.msk [tilespmem:v27+s0+$0x0], $0xffff  }
0xd7: {  	v17 =	vadd.s32 $0x38, v17;
	[tilespmem:s21+$0x300] =	vst v62;
	v20 =	vld.idx.msk [tilespmem:v20+s0+$0x0], $0xffff  }
0xd8: {  	v25 =	vadd.s32 $0x18, v13;
	v19 =	vld.idx.msk [tilespmem:v19+s0+$0x0], $0xffff  }
0xd9: {  	[tilespmem:s7+$0x300] =	vst v61;
	v27 =	vadd.s32 $0x18, v16;
	v26 =	vld.idx.msk [tilespmem:v21+s0+$0x0], $0xffff  }
0xda: {  	[tilespmem:s1+$0x300] =	vst v63;
	v21 =	vld.idx.msk [tilespmem:v24+s0+$0x0], $0xffff;
	v24 =	vadd.s32 $0x18, v15  }
0xdb: {  	v18 =	vld.idx.msk [tilespmem:v18+s0+$0x0], $0xffff;
	[tilespmem:s24+$0x100] =	vst v23;
	v23 =	vadd.s32 $0x18, v14  }
0xdc: {  	v17 =	vld.idx.msk [tilespmem:v17+s0+$0x0], $0xffff;
	[tilespmem:s9+$0x100] =	vst v22  }
0xdd: {  	[tilespmem:s15+$0x380] =	vst v20;
	v20 =	vld.idx.msk [tilespmem:v25+s0+$0x0], $0xffff  }
0xde: {  	v22 =	vld.idx.msk [tilespmem:v27+s0+$0x0], $0xffff;
	[tilespmem:s14+$0x100] =	vst v26  }
.LBB2_10:
0xdf: {  	[tilespmem:s11+$0x100] =	vst v21;
	v21 =	vld.idx.msk [tilespmem:v24+s0+$0x0], $0xffff;
	s8 =	sadd.s32 $0x40, s8;
	s15 =	smov.u32 s28;
	s28 =	sadd.s32 $0x40, s28  }
0xe0: {  	v24 =	vadd.s32 $0x20, v16;
	p0 =	slt.u32 s28, $0xFC0;
	v23 =	vld.idx.msk [tilespmem:v23+s0+$0x0], $0xffff;
	[tilespmem:s21+$0x380] =	vst v19;
	s21 =	smov.u32 s14  }
0xe1: {  	v25 =	vadd.s32 $0x20, v15;
	v19 =	vld [tilespmem:s8+$0xFFFFFFE0];
	[tilespmem:s7+$0x380] =	vst v18;
	s7 =	smov.u32 s11  }
0xe2: {  	v26 =	vadd.s32 $0x20, v14;
	v18 =	vld [tilespmem:s8+$0xFFFFFFF0];
	[tilespmem:s1+$0x380] =	vst v17;
	s1 =	smov.u32 s9  }
0xe3: {  	v27 =	vadd.s32 $0x20, v13;
	v17 =	vld [tilespmem:s8+$0x0]  }
0xe4: {  	v28 =	vld [tilespmem:s8+$0x10];
	[tilespmem:s24+$0x180] =	vst v22  }
0xe5: {  	[tilespmem:s21+$0x180] =	vst v21;
	v21 =	vld.idx.msk [tilespmem:v24+s0+$0x0], $0xffff  }
0xe6: {  	[tilespmem:s7+$0x180] =	vst v23;
	v22 =	vld.idx.msk [tilespmem:v25+s0+$0x0], $0xffff  }
0xe7: {  	v23 =	vadd.s32 $0x28, v16;
	[tilespmem:s1+$0x180] =	vst v20;
	v20 =	vld.idx.msk [tilespmem:v26+s0+$0x0], $0xffff  }
0xe8: {  	v24 =	vld.idx.msk [tilespmem:v27+s0+$0x0], $0xffff  }
0xe9: {  	v26 =	vadd.s32 $0x28, v15;
	v25 =	vld.idx.msk [tilespmem:v19+s0+$0x0], $0xffff  }
0xea: {  	v29 =	vadd.s32 $0x28, v13;
	v30 =	vadd.s32 $0x28, v14;
	v27 =	vld.idx.msk [tilespmem:v18+s0+$0x0], $0xffff  }
0xeb: {  	s10 =	sadd.s32 $0x800, s10;
	v31 =	vld.idx.msk [tilespmem:v17+s0+$0x0], $0xffff;
	[tilespmem:s24+$0x200] =	vst v21  }
0xec: {  	s2 =	sand.u32 $0x7000, s10;
	s14 =	sadd.s32 $0x60, s15;
	s11 =	sadd.s32 $0x50, s15;
	v21 =	vadd.s32 $0x8, v19;
	[tilespmem:s21+$0x200] =	vst v22;
	v22 =	vld.idx.msk [tilespmem:v23+s0+$0x0], $0xffff  }
0xed: {  	s17 =	sand.u32 $0xC00, s28;
	s2 =	sadd.s32 $0x2150, s2;
	s9 =	sand.u32 $0xC40, s28;
	v23 =	vadd.s32 $0x8, v18;
	v32 =	vld.idx.msk [tilespmem:v28+s0+$0x0], $0xffff;
	[tilespmem:s7+$0x200] =	vst v20  }
0xee: {  	s11 =	sand.u32 $0x50, s11;
	s9 =	sadd.s32 s9, s2;
	s2 =	sor.u32 s17, s2;
	[tilespmem:s1+$0x200] =	vst v24;
	v20 =	vld.idx.msk [tilespmem:v26+s0+$0x0], $0xffff;
	v24 =	vadd.s32 $0x30, v16  }
0xef: {  	s14 =	sand.u32 $0x60, s14;
	s11 =	sadd.s32 s11, s2;
	[tilespmem:s9+$0x0] =	vst v25;
	v25 =	vadd.s32 $0x8, v28;
	v26 =	vld.idx.msk [tilespmem:v30+s0+$0x0], $0xffff  }
0xf0: {  	s15 =	sadd.s32 $0x70, s15;
	s14 =	sadd.s32 s14, s2;
	[tilespmem:s11+$0x0] =	vst v27;
	v27 =	vadd.s32 $0x8, v17;
	v29 =	vld.idx.msk [tilespmem:v29+s0+$0x0], $0xffff  }
0xf1: {  	s15 =	sand.u32 $0x70, s15;
	v30 =	vadd.s32 $0x30, v14;
	v21 =	vld.idx.msk [tilespmem:v21+s0+$0x0], $0xffff;
	[tilespmem:s14+$0x0] =	vst v31  }
0xf2: {  	s2 =	sadd.s32 s15, s2;
	v31 =	vadd.s32 $0x30, v15;
	v23 =	vld.idx.msk [tilespmem:v23+s0+$0x0], $0xffff;
	[tilespmem:s24+$0x280] =	vst v22  }
0xf3: {  	v22 =	vadd.s32 $0x10, v19;
	[tilespmem:s2+$0x0] =	vst v32;
	v32 =	vadd.s32 $0x30, v13;
	v24 =	vld.idx.msk [tilespmem:v24+s0+$0x0], $0xffff  }
0xf4: {  	v25 =	vld.idx.msk [tilespmem:v25+s0+$0x0], $0xffff;
	[tilespmem:s21+$0x280] =	vst v20  }
0xf5: {  	v20 =	vld.idx.msk [tilespmem:v27+s0+$0x0], $0xffff;
	[tilespmem:s7+$0x280] =	vst v26;
	v26 =	vadd.s32 $0x38, v16;
	v16 =	vmov v28  }
0xf6: {  	v27 =	vadd.s32 $0x10, v16;
	[tilespmem:s1+$0x280] =	vst v29;
	v28 =	vld.idx.msk [tilespmem:v30+s0+$0x0], $0xffff  }
0xf7: {  	[tilespmem:s9+$0x80] =	vst v21;
	v21 =	vadd.s32 $0x10, v17;
	v29 =	vld.idx.msk [tilespmem:v31+s0+$0x0], $0xffff  }
0xf8: {  	v22 =	vld.idx.msk [tilespmem:v22+s0+$0x0], $0xffff;
	[tilespmem:s11+$0x80] =	vst v23;
	v23 =	vadd.s32 $0x10, v18  }
0xf9: {  	v31 =	vadd.s32 $0x38, v15;
	v15 =	vmov v17;
	v30 =	vld.idx.msk [tilespmem:v32+s0+$0x0], $0xffff;
	[tilespmem:s24+$0x300] =	vst v24  }
0xfa: {  	v17 =	vadd.s32 $0x38, v13;
	v13 =	vmovc v19;
	[tilespmem:s2+$0x80] =	vst v25;
	v25 =	vadd.s32 $0x38, v14;
	v26 =	vld.idx.msk [tilespmem:v26+s0+$0x0], $0xffff;
	v14 =	vmov v18  }
0xfb: {  	[tilespmem:s14+$0x80] =	vst v20;
	v27 =	vld.idx.msk [tilespmem:v27+s0+$0x0], $0xffff  }
0xfc: {  	v20 =	vadd.s32 $0x18, v13;
	v32 =	vld.idx.msk [tilespmem:v21+s0+$0x0], $0xffff;
	[tilespmem:s7+$0x300] =	vst v28  }
0xfd: {  	v28 =	vadd.s32 $0x18, v16;
	v21 =	vld.idx.msk [tilespmem:v23+s0+$0x0], $0xffff;
	[tilespmem:s21+$0x300] =	vst v29  }
.Ltmp4:
0xfe: {  	v24 =	vadd.s32 $0x18, v15;
	[tilespmem:s9+$0x100] =	vst v22;
	v19 =	vld.idx.msk [tilespmem:v31+s0+$0x0], $0xffff;
	(pc) =	sbr.rel @p0 .LBB2_10-.Ltmp4, $4  }
0xff: {  	v23 =	vadd.s32 $0x18, v14;
	[tilespmem:s1+$0x300] =	vst v30;
	v18 =	vld.idx.msk [tilespmem:v25+s0+$0x0], $0xffff  }
0x100: {  	v17 =	vld.idx.msk [tilespmem:v17+s0+$0x0], $0xffff;
	[tilespmem:s24+$0x380] =	vst v26;
	s24 =	smov.u32 s2  }
0x101: {  	v20 =	vld.idx.msk [tilespmem:v20+s0+$0x0], $0xffff;
	[tilespmem:s24+$0x100] =	vst v27  }
0x102: {  	[tilespmem:s14+$0x100] =	vst v32;
	v22 =	vld.idx.msk [tilespmem:v28+s0+$0x0], $0xffff  }
0x103: {  	_ =	sdelay $0x3  }
0x104: {  	[tilespmem:s11+$0x100] =	vst v21;
	v21 =	vld.idx.msk [tilespmem:v24+s0+$0x0], $0xffff;
	v24 =	vadd.s32 $0x20, v16  }
0x105: {  	v25 =	vadd.s32 $0x20, v15  }
0x106: {  	v27 =	vadd.s32 $0x20, v13;
	v23 =	vld.idx.msk [tilespmem:v23+s0+$0x0], $0xffff  }
0x107: {  	v26 =	vadd.s32 $0x20, v14  }
0x108: {  	[tilespmem:s24+$0x180] =	vst v22  }
0x109: {  	[tilespmem:s14+$0x180] =	vst v21;
	v21 =	vld.idx.msk [tilespmem:v24+s0+$0x0], $0xffff  }
0x10a: {  	[tilespmem:s9+$0x180] =	vst v20;
	v22 =	vld.idx.msk [tilespmem:v25+s0+$0x0], $0xffff  }
0x10b: {  	[tilespmem:s11+$0x180] =	vst v23;
	v23 =	vadd.s32 $0x28, v16;
	v25 =	vld.idx.msk [tilespmem:v27+s0+$0x0], $0xffff  }
0x10c: {  	v24 =	vadd.s32 $0x28, v15;
	v20 =	vld.idx.msk [tilespmem:v26+s0+$0x0], $0xffff  }
0x10d: {  	v27 =	vadd.s32 $0x28, v13  }
0x10e: {  	v26 =	vadd.s32 $0x28, v14;
	[tilespmem:s24+$0x200] =	vst v21  }
0x10f: {  	[tilespmem:s14+$0x200] =	vst v22  }
0x110: {  	v21 =	vld.idx.msk [tilespmem:v23+s0+$0x0], $0xffff;
	[tilespmem:s9+$0x200] =	vst v25  }
0x111: {  	v22 =	vadd.s32 $0x30, v16;
	[tilespmem:s11+$0x200] =	vst v20;
	v20 =	vld.idx.msk [tilespmem:v24+s0+$0x0], $0xffff  }
0x112: {  	v24 =	vadd.s32 $0x30, v15;
	v25 =	vld.idx.msk [tilespmem:v27+s0+$0x0], $0xffff  }
0x113: {  	v27 =	vadd.s32 $0x30, v13;
	v23 =	vld.idx.msk [tilespmem:v26+s0+$0x0], $0xffff  }
0x114: {  	v26 =	vadd.s32 $0x30, v14  }
0x115: {  	[tilespmem:s24+$0x280] =	vst v21  }
0x116: {  	v21 =	vld.idx.msk [tilespmem:v22+s0+$0x0], $0xffff;
	[tilespmem:s14+$0x280] =	vst v20  }
0x117: {  	v16 =	vadd.s32 $0x38, v16;
	[tilespmem:s9+$0x280] =	vst v25;
	v20 =	vld.idx.msk [tilespmem:v24+s0+$0x0], $0xffff  }
0x118: {  	v15 =	vadd.s32 $0x38, v15;
	[tilespmem:s11+$0x280] =	vst v23;
	v23 =	vld.idx.msk [tilespmem:v27+s0+$0x0], $0xffff  }
0x119: {  	v13 =	vadd.s32 $0x38, v13;
	v22 =	vld.idx.msk [tilespmem:v26+s0+$0x0], $0xffff  }
0x11a: {  	[tilespmem:s21+$0x380] =	vst v19;
	v14 =	vadd.s32 $0x38, v14  }
0x11b: {  	[tilespmem:s24+$0x300] =	vst v21  }
0x11c: {  	v16 =	vld.idx.msk [tilespmem:v16+s0+$0x0], $0xffff;
	[tilespmem:s14+$0x300] =	vst v20  }
0x11d: {  	[tilespmem:s9+$0x300] =	vst v23;
	v15 =	vld.idx.msk [tilespmem:v15+s0+$0x0], $0xffff  }
0x11e: {  	[tilespmem:s11+$0x300] =	vst v22;
	v13 =	vld.idx.msk [tilespmem:v13+s0+$0x0], $0xffff  }
0x11f: {  	[tilespmem:s7+$0x380] =	vst v18;
	v14 =	vld.idx.msk [tilespmem:v14+s0+$0x0], $0xffff  }
0x120: {  	[tilespmem:s1+$0x380] =	vst v17  }
0x121: {  	[tilespmem:s24+$0x380] =	vst v16  }
0x122: {  	[tilespmem:s14+$0x380] =	vst v15  }
0x123: {  	[tilespmem:s9+$0x380] =	vst v13  }
0x124: {  	[tilespmem:s11+$0x380] =	vst v14  }
0x125: {  	s1 =	simm.s32 $0x0;
	s14 =	simm.s32 $0x2150;
	s2 =	rddreg [dreg:$0x9]  }
0x126: {  	[hbm4b:s2+s1] =	stream.linear.scatter [tilespmem:s14], [sflag:$0x3], $0x1000, $0x38;
	[tilespmem:$0x12150] =	vst v63  }
0x127: {  	s17 =	simm.s32 $0x3150;
	s15 =	rddreg [dreg:$0xa]  }
0x128: {  	[hbm4b:s15+s1] =	stream.linear.scatter [tilespmem:s17], [sflag:$0x3], $0x1000, $0x38;
	[tilespmem:$0x12150] =	vst v63  }
0x129: {  	s24 =	simm.s32 $0x4150;
	s21 =	rddreg [dreg:$0xb]  }
0x12a: {  	[hbm4b:s21+s1] =	stream.linear.scatter [tilespmem:s24], [sflag:$0x3], $0x1000, $0x38;
	[tilespmem:$0x12150] =	vst v63  }
0x12b: {  	s8 =	simm.s32 $0x5150;
	s7 =	rddreg [dreg:$0xc]  }
0x12c: {  	[hbm4b:s7+s1] =	stream.linear.scatter [tilespmem:s8], [sflag:$0x3], $0x1000, $0x38;
	[tilespmem:$0x12150] =	vst v63  }
0x12d: {  	s10 =	simm.s32 $0x6150;
	s9 =	rddreg [dreg:$0xd]  }
0x12e: {  	[hbm4b:s9+s1] =	stream.linear.scatter [tilespmem:s10], [sflag:$0x3], $0x1000, $0x38;
	[tilespmem:$0x12150] =	vst v63  }
0x12f: {  	s11 =	rddreg [dreg:$0xe];
	s14 =	simm.s32 $0x7150  }
0x130: {  	[hbm4b:s11+s1] =	stream.linear.scatter [tilespmem:s14], [sflag:$0x3], $0x1000, $0x38;
	[tilespmem:$0x12150] =	vst v63  }
0x131: {  	s15 =	rddreg [dreg:$0xf];
	s17 =	simm.s32 $0x8150  }
0x132: {  	[hbm4b:s15+s1] =	stream.linear.scatter [tilespmem:s17], [sflag:$0x3], $0x1000, $0x38;
	[tilespmem:$0x12150] =	vst v63  }
0x133: {  	s21 =	rddreg [dreg:$0x10];
	s24 =	simm.s32 $0x9150  }
0x134: {  	[hbm4b:s21+s1] =	stream.linear.scatter [tilespmem:s24], [sflag:$0x3], $0x1000, $0x38;
	[tilespmem:$0x12150] =	vst v63  }
0x135: {  	s8 =	rddreg [dreg:$0x19];
	s9 =	simm.s32 $0x150  }
0x136: {  	[tilespmem:s9], [sflag:$0x1] =	stream.linear.gather [hbm4b:s8+s1], $0x1000, $0x38;
	[tilespmem:$0x12150] =	vst v63  }
0x137: {  	_ =	swait.ge [sflag:s19], $0x1000  }
0x138: {  	[sflag:s19] =	ssyncset.done $0x0  }
0x139: {  	s10 =	simm.s32 $0x1170;
	[sflag:s19] =	ssyncadd.s32 $0xFFFFF000  }
0x13a: {  	v20 =	vld [tilespmem:s10+$0x10];
	_ =	sdelay $0x7  }
0x13b: {  	v13 =	vld.idx.msk [tilespmem:v20+s0+$0x0], $0xffff  }
0x13c: {  	s14 =	simm.s32 $0x0;
	s1 =	sand.u32 $0x7000, s1;
	v14 =	vadd.s32 $0x8, v20  }
0x13d: {  	s15 =	simm.s32 $0x30;
	s8 =	sand.u32 $0xC00, s14;
	s1 =	sadd.s32 $0xA150, s1  }
0x13e: {  	s9 =	sand.u32 $0x70, s15;
	s8 =	sor.u32 s8, s1;
	v17 =	vld [tilespmem:s10+$0xFFFFFFE0]  }
0x13f: {  	s11 =	sadd.s32 s9, s8;
	v18 =	vld [tilespmem:s10+$0xFFFFFFF0]  }
0x140: {  	v19 =	vld [tilespmem:s10+$0x0];
	[tilespmem:s11+$0x0] =	vst v13  }
0x141: {  	v13 =	vld.idx.msk [tilespmem:v14+s0+$0x0], $0xffff  }
0x142: {  	v14 =	vadd.s32 $0x10, v20;
	_ =	sdelay $0x3  }
0x143: {  	v15 =	vld.idx.msk [tilespmem:v17+s0+$0x0], $0xffff;
	[tilespmem:s11+$0x80] =	vst v13  }
0x144: {  	v13 =	vadd.s32 $0x8, v17;
	v14 =	vld.idx.msk [tilespmem:v14+s0+$0x0], $0xffff  }
0x145: {  	v21 =	vadd.s32 $0x18, v20;
	v16 =	vld.idx.msk [tilespmem:v19+s0+$0x0], $0xffff  }
0x146: {  	s17 =	sand.u32 $0xC40, s14;
	v23 =	vadd.s32 $0x8, v19;
	v22 =	vld.idx.msk [tilespmem:v18+s0+$0x0], $0xffff  }
0x147: {  	s21 =	simm.s32 $0x20;
	s1 =	sadd.s32 s17, s1;
	v24 =	vadd.s32 $0x8, v18  }
0x148: {  	s24 =	simm.s32 $0x10;
	s7 =	sand.u32 $0x60, s21;
	[tilespmem:s1+$0x0] =	vst v15  }
0x149: {  	s2 =	sand.u32 $0x50, s24;
	s21 =	sadd.s32 s7, s8;
	v13 =	vld.idx.msk [tilespmem:v13+s0+$0x0], $0xffff;
	[tilespmem:s11+$0x100] =	vst v14  }
0x14a: {  	s7 =	sadd.s32 s2, s8;
	[tilespmem:s21+$0x0] =	vst v16;
	v14 =	vadd.s32 $0x10, v17;
	v15 =	vld.idx.msk [tilespmem:v21+s0+$0x0], $0xffff  }
0x14b: {  	[tilespmem:s7+$0x0] =	vst v22;
	v16 =	vld.idx.msk [tilespmem:v23+s0+$0x0], $0xffff;
	v21 =	vadd.s32 $0x20, v20  }
0x14c: {  	v22 =	vld.idx.msk [tilespmem:v24+s0+$0x0], $0xffff;
	v23 =	vadd.s32 $0x10, v19  }
0x14d: {  	v24 =	vadd.s32 $0x10, v18  }
0x14e: {  	[tilespmem:s1+$0x80] =	vst v13  }
0x14f: {  	v13 =	vld.idx.msk [tilespmem:v14+s0+$0x0], $0xffff;
	[tilespmem:s11+$0x180] =	vst v15  }
0x150: {  	[tilespmem:s21+$0x80] =	vst v16;
	v15 =	vld.idx.msk [tilespmem:v21+s0+$0x0], $0xffff  }
0x151: {  	[tilespmem:s7+$0x80] =	vst v22;
	v16 =	vld.idx.msk [tilespmem:v23+s0+$0x0], $0xffff;
	v21 =	vadd.s32 $0x28, v20  }
0x152: {  	v22 =	vld.idx.msk [tilespmem:v24+s0+$0x0], $0xffff;
	v14 =	vadd.s32 $0x18, v17  }
0x153: {  	v23 =	vadd.s32 $0x18, v19  }
0x154: {  	s8 =	simm.s32 $0x11B0;
	v24 =	vadd.s32 $0x18, v18;
	[tilespmem:s1+$0x100] =	vst v13  }
0x155: {  	v13 =	vld [tilespmem:s8+$0xFFFFFFE0];
	[tilespmem:s11+$0x200] =	vst v15  }
0x156: {  	[tilespmem:s21+$0x100] =	vst v16;
	v16 =	vld.idx.msk [tilespmem:v21+s0+$0x0], $0xffff  }
0x157: {  	[tilespmem:s7+$0x100] =	vst v22;
	v22 =	vadd.s32 $0x30, v20;
	v25 =	vld.idx.msk [tilespmem:v14+s0+$0x0], $0xffff  }
0x158: {  	v21 =	vld.idx.msk [tilespmem:v23+s0+$0x0], $0xffff  }
0x159: {  	v23 =	vld.idx.msk [tilespmem:v24+s0+$0x0], $0xffff;
	v24 =	vadd.s32 $0x20, v19  }
0x15a: {  	v26 =	vadd.s32 $0x20, v18;
	v14 =	vld [tilespmem:s8+$0xFFFFFFF0]  }
0x15b: {  	v27 =	vadd.s32 $0x20, v17;
	[tilespmem:s11+$0x280] =	vst v16;
	v16 =	vld [tilespmem:s8+$0x10]  }
0x15c: {  	v22 =	vld.idx.msk [tilespmem:v22+s0+$0x0], $0xffff  }
0x15d: {  	v20 =	vadd.s32 $0x38, v20;
	v15 =	vld [tilespmem:s8+$0x0];
	[tilespmem:s21+$0x180] =	vst v21  }
0x15e: {  	[tilespmem:s7+$0x180] =	vst v23;
	v21 =	vld.idx.msk [tilespmem:v24+s0+$0x0], $0xffff  }
0x15f: {  	[tilespmem:s1+$0x180] =	vst v25;
	v23 =	vld.idx.msk [tilespmem:v26+s0+$0x0], $0xffff  }
0x160: {  	v24 =	vld.idx.msk [tilespmem:v27+s0+$0x0], $0xffff;
	v26 =	vadd.s32 $0x28, v19  }
0x161: {  	v25 =	vld.idx.msk [tilespmem:v13+s0+$0x0], $0xffff;
	[tilespmem:s11+$0x300] =	vst v22  }
0x162: {  	s10 =	simm.s32 $0x800;
	v22 =	vadd.s32 $0x28, v18;
	v20 =	vld.idx.msk [tilespmem:v20+s0+$0x0], $0xffff  }
0x163: {  	s28 =	simm.s32 $0x40;
	s9 =	sand.u32 $0x7000, s10;
	v30 =	vadd.s32 $0x8, v13;
	v27 =	vld.idx.msk [tilespmem:v14+s0+$0x0], $0xffff;
	[tilespmem:s21+$0x200] =	vst v21  }
0x164: {  	s14 =	sand.u32 $0xC40, s28;
	s2 =	sadd.s32 $0xA150, s9;
	v28 =	vadd.s32 $0x28, v17;
	[tilespmem:s7+$0x200] =	vst v23;
	v31 =	vld.idx.msk [tilespmem:v16+s0+$0x0], $0xffff  }
0x165: {  	s15 =	sand.u32 $0xC00, s28;
	s17 =	simm.s32 $0x50;
	s9 =	sadd.s32 s14, s2;
	[tilespmem:s1+$0x200] =	vst v24;
	v24 =	vadd.s32 $0x8, v16;
	v23 =	vld.idx.msk [tilespmem:v26+s0+$0x0], $0xffff  }
0x166: {  	s24 =	simm.s32 $0x70;
	s14 =	sand.u32 $0x50, s17;
	s2 =	sor.u32 s15, s2;
	v29 =	vld.idx.msk [tilespmem:v15+s0+$0x0], $0xffff;
	[tilespmem:s9+$0x0] =	vst v25;
	v21 =	vadd.s32 $0x8, v14  }
0x167: {  	s15 =	sand.u32 $0x70, s24;
	v26 =	vadd.s32 $0x8, v15;
	v22 =	vld.idx.msk [tilespmem:v22+s0+$0x0], $0xffff;
	[tilespmem:s11+$0x380] =	vst v20;
	s11 =	sadd.s32 s14, s2  }
0x168: {  	s17 =	simm.s32 $0x60;
	s24 =	sadd.s32 s15, s2;
	v25 =	vadd.s32 $0x30, v18;
	[tilespmem:s11+$0x0] =	vst v27;
	v27 =	vld.idx.msk [tilespmem:v30+s0+$0x0], $0xffff  }
0x169: {  	s17 =	sand.u32 $0x60, s17;
	v61 =	vadd.s32 $0x10, v13;
	v20 =	vld.idx.msk [tilespmem:v28+s0+$0x0], $0xffff;
	[tilespmem:s24+$0x0] =	vst v31  }
0x16a: {  	v60 =	vadd.s32 $0x30, v19;
	s14 =	sadd.s32 s17, s2;
	[tilespmem:s21+$0x280] =	vst v23;
	v24 =	vld.idx.msk [tilespmem:v24+s0+$0x0], $0xffff  }
0x16b: {  	v62 =	vadd.s32 $0x30, v17;
	[tilespmem:s14+$0x0] =	vst v29;
	v21 =	vld.idx.msk [tilespmem:v21+s0+$0x0], $0xffff  }
0x16c: {  	v63 =	vadd.s32 $0x10, v14;
	v26 =	vld.idx.msk [tilespmem:v26+s0+$0x0], $0xffff;
	[tilespmem:s7+$0x280] =	vst v22  }
0x16d: {  	v22 =	vadd.s32 $0x10, v16;
	v23 =	vld.idx.msk [tilespmem:v25+s0+$0x0], $0xffff;
	[tilespmem:s9+$0x80] =	vst v27  }
0x16e: {  	v25 =	vadd.s32 $0x10, v15;
	[tilespmem:s1+$0x280] =	vst v20;
	v20 =	vld.idx.msk [tilespmem:v61+s0+$0x0], $0xffff  }
0x16f: {  	v27 =	vld.idx.msk [tilespmem:v60+s0+$0x0], $0xffff;
	[tilespmem:s24+$0x80] =	vst v24;
	v24 =	vadd.s32 $0x18, v13  }
0x170: {  	v19 =	vadd.s32 $0x38, v19;
	v29 =	vld.idx.msk [tilespmem:v62+s0+$0x0], $0xffff;
	[tilespmem:s11+$0x80] =	vst v21  }
0x171: {  	v18 =	vadd.s32 $0x38, v18;
	v21 =	vld.idx.msk [tilespmem:v63+s0+$0x0], $0xffff  }
0x172: {  	v17 =	vadd.s32 $0x38, v17;
	[tilespmem:s14+$0x80] =	vst v26;
	v22 =	vld.idx.msk [tilespmem:v22+s0+$0x0], $0xffff  }
0x173: {  	v26 =	vadd.s32 $0x18, v16;
	v25 =	vld.idx.msk [tilespmem:v25+s0+$0x0], $0xffff;
	[tilespmem:s9+$0x100] =	vst v20  }
0x174: {  	[tilespmem:s21+$0x300] =	vst v27;
	v20 =	vld.idx.msk [tilespmem:v24+s0+$0x0], $0xffff;
	v24 =	vadd.s32 $0x18, v15  }
0x175: {  	[tilespmem:s7+$0x300] =	vst v23;
	v23 =	vadd.s32 $0x18, v14;
	v19 =	vld.idx.msk [tilespmem:v19+s0+$0x0], $0xffff  }
0x176: {  	[tilespmem:s1+$0x300] =	vst v29;
	v18 =	vld.idx.msk [tilespmem:v18+s0+$0x0], $0xffff  }
0x177: {  	v17 =	vld.idx.msk [tilespmem:v17+s0+$0x0], $0xffff;
	[tilespmem:s24+$0x100] =	vst v22  }
0x178: {  	[tilespmem:s14+$0x100] =	vst v25;
	v22 =	vld.idx.msk [tilespmem:v26+s0+$0x0], $0xffff  }
.LBB2_12:
0x179: {  	[tilespmem:s11+$0x100] =	vst v21;
	v21 =	vld.idx.msk [tilespmem:v24+s0+$0x0], $0xffff;
	s8 =	sadd.s32 $0x40, s8;
	s15 =	smov.u32 s28;
	s28 =	sadd.s32 $0x40, s28  }
0x17a: {  	v24 =	vadd.s32 $0x20, v16;
	p0 =	slt.u32 s28, $0xFC0;
	v23 =	vld.idx.msk [tilespmem:v23+s0+$0x0], $0xffff;
	[tilespmem:s21+$0x380] =	vst v19;
	s21 =	smov.u32 s14  }
0x17b: {  	v25 =	vadd.s32 $0x20, v15;
	v19 =	vld [tilespmem:s8+$0xFFFFFFE0];
	[tilespmem:s7+$0x380] =	vst v18;
	s7 =	smov.u32 s11  }
0x17c: {  	v26 =	vadd.s32 $0x20, v14;
	v18 =	vld [tilespmem:s8+$0xFFFFFFF0];
	[tilespmem:s1+$0x380] =	vst v17;
	s1 =	smov.u32 s9  }
0x17d: {  	v27 =	vadd.s32 $0x20, v13;
	v17 =	vld [tilespmem:s8+$0x0]  }
0x17e: {  	v28 =	vld [tilespmem:s8+$0x10];
	[tilespmem:s24+$0x180] =	vst v22  }
0x17f: {  	[tilespmem:s21+$0x180] =	vst v21;
	v21 =	vld.idx.msk [tilespmem:v24+s0+$0x0], $0xffff  }
0x180: {  	[tilespmem:s7+$0x180] =	vst v23;
	v22 =	vld.idx.msk [tilespmem:v25+s0+$0x0], $0xffff  }
0x181: {  	v23 =	vadd.s32 $0x28, v16;
	[tilespmem:s1+$0x180] =	vst v20;
	v20 =	vld.idx.msk [tilespmem:v26+s0+$0x0], $0xffff  }
0x182: {  	v24 =	vld.idx.msk [tilespmem:v27+s0+$0x0], $0xffff  }
0x183: {  	v26 =	vadd.s32 $0x28, v15;
	v25 =	vld.idx.msk [tilespmem:v19+s0+$0x0], $0xffff  }
0x184: {  	v29 =	vadd.s32 $0x28, v13;
	v30 =	vadd.s32 $0x28, v14;
	v27 =	vld.idx.msk [tilespmem:v18+s0+$0x0], $0xffff  }
0x185: {  	s10 =	sadd.s32 $0x800, s10;
	v31 =	vld.idx.msk [tilespmem:v17+s0+$0x0], $0xffff;
	[tilespmem:s24+$0x200] =	vst v21  }
0x186: {  	s2 =	sand.u32 $0x7000, s10;
	s14 =	sadd.s32 $0x60, s15;
	s11 =	sadd.s32 $0x50, s15;
	v21 =	vadd.s32 $0x8, v19;
	[tilespmem:s21+$0x200] =	vst v22;
	v22 =	vld.idx.msk [tilespmem:v23+s0+$0x0], $0xffff  }
0x187: {  	s17 =	sand.u32 $0xC00, s28;
	s2 =	sadd.s32 $0xA150, s2;
	s9 =	sand.u32 $0xC40, s28;
	v23 =	vadd.s32 $0x8, v18;
	v32 =	vld.idx.msk [tilespmem:v28+s0+$0x0], $0xffff;
	[tilespmem:s7+$0x200] =	vst v20  }
0x188: {  	s11 =	sand.u32 $0x50, s11;
	s9 =	sadd.s32 s9, s2;
	s2 =	sor.u32 s17, s2;
	[tilespmem:s1+$0x200] =	vst v24;
	v20 =	vld.idx.msk [tilespmem:v26+s0+$0x0], $0xffff;
	v24 =	vadd.s32 $0x30, v16  }
0x189: {  	s14 =	sand.u32 $0x60, s14;
	s11 =	sadd.s32 s11, s2;
	[tilespmem:s9+$0x0] =	vst v25;
	v25 =	vadd.s32 $0x8, v28;
	v26 =	vld.idx.msk [tilespmem:v30+s0+$0x0], $0xffff  }
0x18a: {  	s15 =	sadd.s32 $0x70, s15;
	s14 =	sadd.s32 s14, s2;
	[tilespmem:s11+$0x0] =	vst v27;
	v27 =	vadd.s32 $0x8, v17;
	v29 =	vld.idx.msk [tilespmem:v29+s0+$0x0], $0xffff  }
0x18b: {  	s15 =	sand.u32 $0x70, s15;
	v30 =	vadd.s32 $0x30, v14;
	v21 =	vld.idx.msk [tilespmem:v21+s0+$0x0], $0xffff;
	[tilespmem:s14+$0x0] =	vst v31  }
0x18c: {  	s2 =	sadd.s32 s15, s2;
	v31 =	vadd.s32 $0x30, v15;
	v23 =	vld.idx.msk [tilespmem:v23+s0+$0x0], $0xffff;
	[tilespmem:s24+$0x280] =	vst v22  }
0x18d: {  	v22 =	vadd.s32 $0x10, v19;
	[tilespmem:s2+$0x0] =	vst v32;
	v32 =	vadd.s32 $0x30, v13;
	v24 =	vld.idx.msk [tilespmem:v24+s0+$0x0], $0xffff  }
0x18e: {  	v25 =	vld.idx.msk [tilespmem:v25+s0+$0x0], $0xffff;
	[tilespmem:s21+$0x280] =	vst v20  }
0x18f: {  	v20 =	vld.idx.msk [tilespmem:v27+s0+$0x0], $0xffff;
	[tilespmem:s7+$0x280] =	vst v26;
	v26 =	vadd.s32 $0x38, v16;
	v16 =	vmov v28  }
0x190: {  	v27 =	vadd.s32 $0x10, v16;
	[tilespmem:s1+$0x280] =	vst v29;
	v28 =	vld.idx.msk [tilespmem:v30+s0+$0x0], $0xffff  }
0x191: {  	[tilespmem:s9+$0x80] =	vst v21;
	v21 =	vadd.s32 $0x10, v17;
	v29 =	vld.idx.msk [tilespmem:v31+s0+$0x0], $0xffff  }
0x192: {  	v22 =	vld.idx.msk [tilespmem:v22+s0+$0x0], $0xffff;
	[tilespmem:s11+$0x80] =	vst v23;
	v23 =	vadd.s32 $0x10, v18  }
0x193: {  	v31 =	vadd.s32 $0x38, v15;
	v15 =	vmov v17;
	v30 =	vld.idx.msk [tilespmem:v32+s0+$0x0], $0xffff;
	[tilespmem:s24+$0x300] =	vst v24  }
0x194: {  	v17 =	vadd.s32 $0x38, v13;
	v13 =	vmovc v19;
	[tilespmem:s2+$0x80] =	vst v25;
	v25 =	vadd.s32 $0x38, v14;
	v26 =	vld.idx.msk [tilespmem:v26+s0+$0x0], $0xffff;
	v14 =	vmov v18  }
0x195: {  	[tilespmem:s14+$0x80] =	vst v20;
	v27 =	vld.idx.msk [tilespmem:v27+s0+$0x0], $0xffff  }
0x196: {  	v20 =	vadd.s32 $0x18, v13;
	v32 =	vld.idx.msk [tilespmem:v21+s0+$0x0], $0xffff;
	[tilespmem:s7+$0x300] =	vst v28  }
0x197: {  	v28 =	vadd.s32 $0x18, v16;
	v21 =	vld.idx.msk [tilespmem:v23+s0+$0x0], $0xffff;
	[tilespmem:s21+$0x300] =	vst v29  }
.Ltmp5:
0x198: {  	v24 =	vadd.s32 $0x18, v15;
	[tilespmem:s9+$0x100] =	vst v22;
	v19 =	vld.idx.msk [tilespmem:v31+s0+$0x0], $0xffff;
	(pc) =	sbr.rel @p0 .LBB2_12-.Ltmp5, $4  }
0x199: {  	v23 =	vadd.s32 $0x18, v14;
	[tilespmem:s1+$0x300] =	vst v30;
	v18 =	vld.idx.msk [tilespmem:v25+s0+$0x0], $0xffff  }
0x19a: {  	v17 =	vld.idx.msk [tilespmem:v17+s0+$0x0], $0xffff;
	[tilespmem:s24+$0x380] =	vst v26;
	s24 =	smov.u32 s2  }
0x19b: {  	v20 =	vld.idx.msk [tilespmem:v20+s0+$0x0], $0xffff;
	[tilespmem:s24+$0x100] =	vst v27  }
0x19c: {  	[tilespmem:s14+$0x100] =	vst v32;
	v22 =	vld.idx.msk [tilespmem:v28+s0+$0x0], $0xffff  }
0x19d: {  	_ =	sdelay $0x2  }
0x19e: {  	v41 =	vadd.s32 $0x20, v16  }
0x19f: {  	[tilespmem:s11+$0x100] =	vst v21;
	v40 =	vld.idx.msk [tilespmem:v24+s0+$0x0], $0xffff;
	v27 =	vadd.s32 $0x20, v13  }
0x1a0: {  	v25 =	vadd.s32 $0x20, v15;
	v23 =	vld.idx.msk [tilespmem:v23+s0+$0x0], $0xffff  }
0x1a1: {  	v26 =	vadd.s32 $0x20, v14  }
0x1a2: {  	[tilespmem:s24+$0x180] =	vst v22  }
0x1a3: {  	[tilespmem:s9+$0x180] =	vst v20;
	v42 =	vld.idx.msk [tilespmem:v41+s0+$0x0], $0xffff  }
0x1a4: {  	v44 =	vadd.s32 $0x28, v16;
	[tilespmem:s14+$0x180] =	vst v40;
	v47 =	vld.idx.msk [tilespmem:v27+s0+$0x0], $0xffff  }
0x1a5: {  	v49 =	vadd.s32 $0x28, v13;
	[tilespmem:s11+$0x180] =	vst v23;
	v43 =	vld.idx.msk [tilespmem:v25+s0+$0x0], $0xffff  }
0x1a6: {  	v46 =	vadd.s32 $0x28, v15;
	v45 =	vld.idx.msk [tilespmem:v26+s0+$0x0], $0xffff  }
0x1a7: {  	v48 =	vadd.s32 $0x28, v14  }
0x1a8: {  	[tilespmem:s24+$0x200] =	vst v42  }
0x1a9: {  	[tilespmem:s9+$0x200] =	vst v47;
	v21 =	vld.idx.msk [tilespmem:v44+s0+$0x0], $0xffff  }
0x1aa: {  	v51 =	vadd.s32 $0x30, v16;
	[tilespmem:s14+$0x200] =	vst v43;
	v25 =	vld.idx.msk [tilespmem:v49+s0+$0x0], $0xffff  }
0x1ab: {  	v55 =	vadd.s32 $0x30, v13;
	[tilespmem:s11+$0x200] =	vst v45;
	v50 =	vld.idx.msk [tilespmem:v46+s0+$0x0], $0xffff  }
0x1ac: {  	v53 =	vadd.s32 $0x30, v15;
	v52 =	vld.idx.msk [tilespmem:v48+s0+$0x0], $0xffff  }
0x1ad: {  	v54 =	vadd.s32 $0x30, v14  }
0x1ae: {  	[tilespmem:s24+$0x280] =	vst v21  }
0x1af: {  	[tilespmem:s9+$0x280] =	vst v25;
	v56 =	vld.idx.msk [tilespmem:v51+s0+$0x0], $0xffff  }
0x1b0: {  	v57 =	vadd.s32 $0x38, v16;
	[tilespmem:s14+$0x280] =	vst v50;
	v61 =	vld.idx.msk [tilespmem:v55+s0+$0x0], $0xffff  }
0x1b1: {  	v63 =	vadd.s32 $0x38, v13;
	[tilespmem:s11+$0x280] =	vst v52;
	v58 =	vld.idx.msk [tilespmem:v53+s0+$0x0], $0xffff  }
0x1b2: {  	v60 =	vadd.s32 $0x38, v15;
	v59 =	vld.idx.msk [tilespmem:v54+s0+$0x0], $0xffff  }
0x1b3: {  	v62 =	vadd.s32 $0x38, v14;
	[tilespmem:s21+$0x380] =	vst v19  }
0x1b4: {  	[tilespmem:s24+$0x300] =	vst v56  }
0x1b5: {  	[tilespmem:s9+$0x300] =	vst v61;
	v16 =	vld.idx.msk [tilespmem:v57+s0+$0x0], $0xffff  }
0x1b6: {  	[tilespmem:s14+$0x300] =	vst v58;
	v13 =	vld.idx.msk [tilespmem:v63+s0+$0x0], $0xffff  }
0x1b7: {  	[tilespmem:s11+$0x300] =	vst v59;
	v15 =	vld.idx.msk [tilespmem:v60+s0+$0x0], $0xffff  }
0x1b8: {  	[tilespmem:s7+$0x380] =	vst v18;
	v14 =	vld.idx.msk [tilespmem:v62+s0+$0x0], $0xffff  }
0x1b9: {  	[tilespmem:s1+$0x380] =	vst v17  }
0x1ba: {  	[tilespmem:s24+$0x380] =	vst v16  }
0x1bb: {  	[tilespmem:s9+$0x380] =	vst v13  }
0x1bc: {  	[tilespmem:s14+$0x380] =	vst v15  }
0x1bd: {  	[tilespmem:s11+$0x380] =	vst v14  }
0x1be: {  	s1 =	rddreg [dreg:$0x11]  }
0x1bf: {  	s17 =	rddreg [dreg:$0x12]  }
0x1c0: {  	s24 =	rddreg [dreg:$0x13]  }
0x1c1: {  	s2 =	simm.s32 $0xA150;
	s7 =	rddreg [dreg:$0x14]  }
0x1c2: {  	[hbm4b:s1+s4] =	stream.linear.scatter [tilespmem:s2], [sflag:$0x4], $0x1000, $0x38;
	[tilespmem:$0x12150] =	vst v63  }
0x1c3: {  	s21 =	simm.s32 $0xB150;
	s9 =	rddreg [dreg:$0x15]  }
0x1c4: {  	[hbm4b:s17+s4] =	stream.linear.scatter [tilespmem:s21], [sflag:$0x4], $0x1000, $0x38;
	[tilespmem:$0x12150] =	vst v63  }
0x1c5: {  	s28 =	simm.s32 $0xC150;
	s11 =	rddreg [dreg:$0x16]  }
0x1c6: {  	[hbm4b:s24+s4] =	stream.linear.scatter [tilespmem:s28], [sflag:$0x4], $0x1000, $0x38;
	[tilespmem:$0x12150] =	vst v63  }
0x1c7: {  	s8 =	simm.s32 $0xD150;
	s15 =	rddreg [dreg:$0x17]  }
0x1c8: {  	[hbm4b:s7+s4] =	stream.linear.scatter [tilespmem:s8], [sflag:$0x4], $0x1000, $0x38;
	[tilespmem:$0x12150] =	vst v63  }
0x1c9: {  	s10 =	simm.s32 $0xE150;
	s21 =	rddreg [dreg:$0x18]  }
0x1ca: {  	[hbm4b:s9+s4] =	stream.linear.scatter [tilespmem:s10], [sflag:$0x4], $0x1000, $0x38;
	[tilespmem:$0x12150] =	vst v63  }
0x1cb: {  	s14 =	simm.s32 $0xF150;
	s28 =	rddreg [dreg:$0x1a]  }
0x1cc: {  	[hbm4b:s11+s4] =	stream.linear.scatter [tilespmem:s14], [sflag:$0x4], $0x1000, $0x38;
	[tilespmem:$0x12150] =	vst v63  }
0x1cd: {  	s17 =	simm.s32 $0x10150;
	s24 =	simm.s32 $0x11150;
	s9 =	rddreg [dreg:$0x1]  }
0x1ce: {  	[hbm4b:s15+s4] =	stream.linear.scatter [tilespmem:s17], [sflag:$0x4], $0x1000, $0x38;
	[tilespmem:$0x12150] =	vst v63  }
0x1cf: {  	s10 =	simm.s32 $0x150;
	s11 =	simm.s32 $0x1150;
	s14 =	simm.s32 $0x2150  }
0x1d0: {  	[hbm4b:s21+s4] =	stream.linear.scatter [tilespmem:s24], [sflag:$0x4], $0x1000, $0x38;
	[tilespmem:$0x12150] =	vst v63  }
0x1d1: {  	s15 =	simm.s32 $0x3150;
	s17 =	simm.s32 $0x4150;
	s21 =	simm.s32 $0x1  }
0x1d2: {  	[tilespmem:s11], [sflag:$0x2] =	stream.linear.gather [hbm4b:s28+s4], $0x1000, $0x38;
	[tilespmem:$0x12150] =	vst v63  }
.LBB2_14:
0x1d3: {  	_ =	swait.ge [sflag:s6], $0x1000  }
0x1d4: {  	[sflag:s6] =	ssyncset.done $0x0  }
0x1d5: {  	[sflag:s6] =	ssyncadd.s32 $0xFFFFF000  }
0x1d6: {  	_ =	swait.ge [sflag:s30], $0x8000  }
0x1d7: {  	[sflag:s30] =	ssyncset.done $0x0  }
0x1d8: {  	s1 =	simm.s32 $0x190;
	[sflag:s30] =	ssyncadd.s32 $0xFFFF8000  }
0x1d9: {  	v20 =	vld [tilespmem:s1+$0x30]  }
0x1da: {  	v19 =	vld [tilespmem:s1+$0xFFFFFFC0]  }
0x1db: {  	v18 =	vld [tilespmem:s1+$0xFFFFFFD0]  }
0x1dc: {  	v17 =	vld [tilespmem:s1+$0xFFFFFFE0]  }
0x1dd: {  	v16 =	vld [tilespmem:s1+$0xFFFFFFF0]  }
0x1de: {  	v15 =	vld [tilespmem:s1+$0x0]  }
0x1df: {  	v14 =	vld [tilespmem:s1+$0x10]  }
0x1e0: {  	v13 =	vld [tilespmem:s1+$0x20]  }
0x1e1: {  	v21 =	vld.idx.msk [tilespmem:v20+s0+$0x0], $0xffff  }
0x1e2: {  	v22 =	vld.idx.msk [tilespmem:v19+s0+$0x0], $0xffff  }
0x1e3: {  	v23 =	vld.idx.msk [tilespmem:v18+s0+$0x0], $0xffff  }
0x1e4: {  	s24 =	simm.s32 $0x0;
	s1 =	simm.s32 $0x0;
	v24 =	vadd.s32 $0x8, v20;
	v25 =	vld.idx.msk [tilespmem:v17+s0+$0x0], $0xffff  }
0x1e5: {  	s7 =	sand.u32 $0xC00, s24;
	s2 =	sand.u32 $0x7000, s1;
	v26 =	vadd.s32 $0x8, v19;
	v27 =	vld.idx.msk [tilespmem:v16+s0+$0x0], $0xffff  }
0x1e6: {  	s28 =	sor.u32 s7, s2;
	v28 =	vadd.s32 $0x8, v18;
	v29 =	vld.idx.msk [tilespmem:v15+s0+$0x0], $0xffff  }
0x1e7: {  	v30 =	vadd.s32 $0x8, v17;
	v31 =	vld.idx.msk [tilespmem:v14+s0+$0x0], $0xffff;
	[tilespmem:s28+$0x21C0] =	vst v21  }
0x1e8: {  	v51 =	vadd.s32 $0x8, v15;
	[tilespmem:s28+$0x2160] =	vst v23;
	v23 =	vld.idx.msk [tilespmem:v13+s0+$0x0], $0xffff  }
0x1e9: {  	v32 =	vadd.s32 $0x8, v14;
	[tilespmem:s28+$0x2150] =	vst v22;
	v22 =	vld.idx.msk [tilespmem:v24+s0+$0x0], $0xffff  }
0x1ea: {  	v21 =	vadd.s32 $0x8, v16;
	[tilespmem:s28+$0x2170] =	vst v25;
	v26 =	vld.idx.msk [tilespmem:v26+s0+$0x0], $0xffff  }
0x1eb: {  	v53 =	vadd.s32 $0x8, v13;
	[tilespmem:s28+$0x2180] =	vst v27;
	v28 =	vld.idx.msk [tilespmem:v28+s0+$0x0], $0xffff  }
0x1ec: {  	v52 =	vadd.s32 $0x10, v20;
	[tilespmem:s28+$0x2190] =	vst v29;
	v30 =	vld.idx.msk [tilespmem:v30+s0+$0x0], $0xffff  }
0x1ed: {  	v54 =	vadd.s32 $0x10, v19;
	[tilespmem:s28+$0x21A0] =	vst v31;
	v24 =	vld.idx.msk [tilespmem:v51+s0+$0x0], $0xffff  }
0x1ee: {  	v55 =	vadd.s32 $0x10, v18;
	v57 =	vld.idx.msk [tilespmem:v32+s0+$0x0], $0xffff;
	[tilespmem:s28+$0x21B0] =	vst v23  }
0x1ef: {  	v59 =	vadd.s32 $0x10, v15;
	v21 =	vld.idx.msk [tilespmem:v21+s0+$0x0], $0xffff;
	[tilespmem:s28+$0x2240] =	vst v22  }
0x1f0: {  	v60 =	vadd.s32 $0x10, v14;
	[tilespmem:s28+$0x21D0] =	vst v26;
	v27 =	vld.idx.msk [tilespmem:v53+s0+$0x0], $0xffff  }
0x1f1: {  	v22 =	vadd.s32 $0x10, v17;
	[tilespmem:s28+$0x21E0] =	vst v28;
	v23 =	vld.idx.msk [tilespmem:v52+s0+$0x0], $0xffff  }
0x1f2: {  	v56 =	vadd.s32 $0x10, v16;
	[tilespmem:s28+$0x21F0] =	vst v30;
	v29 =	vld.idx.msk [tilespmem:v54+s0+$0x0], $0xffff  }
0x1f3: {  	v58 =	vadd.s32 $0x18, v20;
	[tilespmem:s28+$0x2210] =	vst v24;
	v31 =	vld.idx.msk [tilespmem:v55+s0+$0x0], $0xffff  }
0x1f4: {  	v61 =	vadd.s32 $0x18, v19;
	[tilespmem:s28+$0x2220] =	vst v57;
	v32 =	vld.idx.msk [tilespmem:v59+s0+$0x0], $0xffff  }
0x1f5: {  	v39 =	vadd.s32 $0x18, v15;
	v36 =	vld.idx.msk [tilespmem:v60+s0+$0x0], $0xffff;
	[tilespmem:s28+$0x2200] =	vst v21  }
0x1f6: {  	v21 =	vadd.s32 $0x10, v13;
	v22 =	vld.idx.msk [tilespmem:v22+s0+$0x0], $0xffff;
	[tilespmem:s28+$0x2230] =	vst v27  }
0x1f7: {  	v25 =	vld.idx.msk [tilespmem:v56+s0+$0x0], $0xffff;
	[tilespmem:s28+$0x22C0] =	vst v23;
	v23 =	vadd.s32 $0x18, v18  }
0x1f8: {  	v63 =	vadd.s32 $0x18, v17;
	[tilespmem:s28+$0x2250] =	vst v29;
	v62 =	vld.idx.msk [tilespmem:v58+s0+$0x0], $0xffff  }
0x1f9: {  	v38 =	vadd.s32 $0x18, v16;
	[tilespmem:s28+$0x2290] =	vst v32;
	v24 =	vld.idx.msk [tilespmem:v61+s0+$0x0], $0xffff  }
0x1fa: {  	v37 =	vadd.s32 $0x20, v20;
	[tilespmem:s28+$0x2260] =	vst v31;
	v43 =	vld.idx.msk [tilespmem:v39+s0+$0x0], $0xffff  }
0x1fb: {  	v41 =	vadd.s32 $0x20, v19;
	[tilespmem:s28+$0x22A0] =	vst v36;
	v21 =	vld.idx.msk [tilespmem:v21+s0+$0x0], $0xffff  }
0x1fc: {  	v46 =	vadd.s32 $0x20, v15;
	[tilespmem:s28+$0x2270] =	vst v22;
	v23 =	vld.idx.msk [tilespmem:v23+s0+$0x0], $0xffff  }
0x1fd: {  	v22 =	vadd.s32 $0x18, v14;
	[tilespmem:s28+$0x2280] =	vst v25;
	v28 =	vld.idx.msk [tilespmem:v63+s0+$0x0], $0xffff  }
0x1fe: {  	v40 =	vadd.s32 $0x18, v13;
	v30 =	vld.idx.msk [tilespmem:v38+s0+$0x0], $0xffff;
	[tilespmem:s28+$0x2340] =	vst v62  }
0x1ff: {  	v42 =	vadd.s32 $0x20, v18;
	[tilespmem:s28+$0x22D0] =	vst v24;
	v29 =	vld.idx.msk [tilespmem:v37+s0+$0x0], $0xffff  }
0x200: {  	v44 =	vadd.s32 $0x20, v17;
	[tilespmem:s28+$0x2310] =	vst v43;
	v26 =	vld.idx.msk [tilespmem:v41+s0+$0x0], $0xffff  }
0x201: {  	v45 =	vadd.s32 $0x20, v16;
	v25 =	vld.idx.msk [tilespmem:v46+s0+$0x0], $0xffff;
	[tilespmem:s28+$0x22B0] =	vst v21  }
0x202: {  	v21 =	vadd.s32 $0x28, v20;
	v22 =	vld.idx.msk [tilespmem:v22+s0+$0x0], $0xffff;
	[tilespmem:s28+$0x22E0] =	vst v23  }
0x203: {  	v49 =	vadd.s32 $0x28, v19;
	v23 =	vld.idx.msk [tilespmem:v40+s0+$0x0], $0xffff;
	[tilespmem:s28+$0x22F0] =	vst v28  }
0x204: {  	v53 =	vadd.s32 $0x28, v15;
	[tilespmem:s28+$0x2300] =	vst v30;
	v32 =	vld.idx.msk [tilespmem:v42+s0+$0x0], $0xffff  }
0x205: {  	v47 =	vadd.s32 $0x20, v14;
	v31 =	vld.idx.msk [tilespmem:v44+s0+$0x0], $0xffff;
	[tilespmem:s28+$0x23C0] =	vst v29  }
0x206: {  	v48 =	vadd.s32 $0x20, v13;
	v24 =	vld.idx.msk [tilespmem:v45+s0+$0x0], $0xffff;
	[tilespmem:s28+$0x2350] =	vst v26  }
0x207: {  	v50 =	vadd.s32 $0x28, v18;
	[tilespmem:s28+$0x2390] =	vst v25;
	v21 =	vld.idx.msk [tilespmem:v21+s0+$0x0], $0xffff  }
0x208: {  	v52 =	vadd.s32 $0x28, v16;
	v30 =	vld.idx.msk [tilespmem:v49+s0+$0x0], $0xffff;
	[tilespmem:s28+$0x2320] =	vst v22  }
0x209: {  	v58 =	vld.idx.msk [tilespmem:v53+s0+$0x0], $0xffff;
	v22 =	vadd.s32 $0x30, v20;
	[tilespmem:s28+$0x2330] =	vst v23  }
0x20a: {  	v55 =	vadd.s32 $0x30, v19;
	v51 =	vld.idx.msk [tilespmem:v47+s0+$0x0], $0xffff;
	[tilespmem:s28+$0x2360] =	vst v32  }
0x20b: {  	v23 =	vadd.s32 $0x28, v17;
	v29 =	vld.idx.msk [tilespmem:v48+s0+$0x0], $0xffff;
	[tilespmem:s28+$0x2370] =	vst v31  }
0x20c: {  	v54 =	vadd.s32 $0x28, v13;
	[tilespmem:s28+$0x2380] =	vst v24;
	v27 =	vld.idx.msk [tilespmem:v50+s0+$0x0], $0xffff  }
0x20d: {  	v56 =	vld.idx.msk [tilespmem:v52+s0+$0x0], $0xffff;
	[tilespmem:s28+$0x2440] =	vst v21;
	v21 =	vadd.s32 $0x28, v14  }
0x20e: {  	v57 =	vadd.s32 $0x30, v18;
	[tilespmem:s28+$0x23D0] =	vst v30;
	v22 =	vld.idx.msk [tilespmem:v22+s0+$0x0], $0xffff  }
0x20f: {  	v60 =	vadd.s32 $0x30, v16;
	v24 =	vld.idx.msk [tilespmem:v55+s0+$0x0], $0xffff;
	[tilespmem:s28+$0x23A0] =	vst v51  }
0x210: {  	v20 =	vadd.s32 $0x38, v20;
	v23 =	vld.idx.msk [tilespmem:v23+s0+$0x0], $0xffff;
	[tilespmem:s28+$0x23B0] =	vst v29  }
0x211: {  	v19 =	vadd.s32 $0x38, v19;
	v31 =	vld.idx.msk [tilespmem:v54+s0+$0x0], $0xffff;
	[tilespmem:s28+$0x23E0] =	vst v27  }
0x212: {  	v59 =	vadd.s32 $0x30, v17;
	[tilespmem:s28+$0x2400] =	vst v56;
	v21 =	vld.idx.msk [tilespmem:v21+s0+$0x0], $0xffff  }
0x213: {  	v26 =	vld.idx.msk [tilespmem:v57+s0+$0x0], $0xffff;
	[tilespmem:s28+$0x24C0] =	vst v22;
	v22 =	vadd.s32 $0x30, v15  }
0x214: {  	v61 =	vadd.s32 $0x30, v14;
	v63 =	vld.idx.msk [tilespmem:v60+s0+$0x0], $0xffff;
	[tilespmem:s28+$0x2450] =	vst v24  }
0x215: {  	v20 =	vld.idx.msk [tilespmem:v20+s0+$0x0], $0xffff;
	[tilespmem:s28+$0x23F0] =	vst v23;
	v23 =	vadd.s32 $0x30, v13  }
0x216: {  	v18 =	vadd.s32 $0x38, v18;
	[tilespmem:s28+$0x2410] =	vst v58;
	v24 =	vld.idx.msk [tilespmem:v19+s0+$0x0], $0xffff  }
0x217: {  	v16 =	vadd.s32 $0x38, v16;
	v62 =	vld.idx.msk [tilespmem:v59+s0+$0x0], $0xffff;
	[tilespmem:s28+$0x2430] =	vst v31  }
0x218: {  	[tilespmem:s28+$0x2420] =	vst v21;
	v21 =	vadd.s32 $0x38, v17;
	v22 =	vld.idx.msk [tilespmem:v22+s0+$0x0], $0xffff  }
0x219: {  	v15 =	vadd.s32 $0x38, v15;
	[tilespmem:s28+$0x2460] =	vst v26;
	v27 =	vld.idx.msk [tilespmem:v61+s0+$0x0], $0xffff  }
0x21a: {  	v14 =	vadd.s32 $0x38, v14;
	[tilespmem:s28+$0x2480] =	vst v63;
	v23 =	vld.idx.msk [tilespmem:v23+s0+$0x0], $0xffff  }
0x21b: {  	v13 =	vadd.s32 $0x38, v13;
	v17 =	vld.idx.msk [tilespmem:v18+s0+$0x0], $0xffff;
	[tilespmem:s28+$0x2540] =	vst v20  }
0x21c: {  	v20 =	vld.idx.msk [tilespmem:v16+s0+$0x0], $0xffff;
	[tilespmem:s28+$0x2470] =	vst v62  }
0x21d: {  	v19 =	vld.idx.msk [tilespmem:v21+s0+$0x0], $0xffff;
	[tilespmem:s28+$0x2490] =	vst v22  }
0x21e: {  	[tilespmem:s28+$0x24A0] =	vst v27;
	v16 =	vld.idx.msk [tilespmem:v15+s0+$0x0], $0xffff  }
0x21f: {  	v15 =	vld.idx.msk [tilespmem:v14+s0+$0x0], $0xffff;
	[tilespmem:s28+$0x24B0] =	vst v23  }
0x220: {  	s7 =	simm.s32 $0x210;
	[tilespmem:s28+$0x24D0] =	vst v24;
	v14 =	vld.idx.msk [tilespmem:v13+s0+$0x0], $0xffff  }
.LBB2_15:
0x221: {  	v13 =	vld [tilespmem:s7+$0x30];
	[tilespmem:s28+$0x24E0] =	vst v17  }
0x222: {  	v17 =	vld [tilespmem:s7+$0xFFFFFFC0];
	[tilespmem:s28+$0x24F0] =	vst v19  }
0x223: {  	v18 =	vld [tilespmem:s7+$0xFFFFFFD0];
	[tilespmem:s28+$0x2500] =	vst v20  }
0x224: {  	v19 =	vld [tilespmem:s7+$0xFFFFFFE0];
	[tilespmem:s28+$0x2510] =	vst v16  }
0x225: {  	v16 =	vld [tilespmem:s7+$0xFFFFFFF0];
	[tilespmem:s28+$0x2520] =	vst v15  }
0x226: {  	v15 =	vld [tilespmem:s7+$0x0];
	[tilespmem:s28+$0x2530] =	vst v14  }
0x227: {  	v14 =	vadd.s32 $0x8, v17;
	v36 =	vadd.s32 $0x10, v17;
	v32 =	vadd.s32 $0x18, v17;
	v37 =	vld [tilespmem:s7+$0x10]  }
0x228: {  	v20 =	vadd.s32 $0x8, v18;
	v38 =	vadd.s32 $0x10, v18;
	v39 =	vadd.s32 $0x18, v18;
	v40 =	vld [tilespmem:s7+$0x20]  }
0x229: {  	v21 =	vadd.s32 $0x8, v19;
	v41 =	vadd.s32 $0x10, v19;
	v42 =	vadd.s32 $0x18, v19;
	v22 =	vld.idx.msk [tilespmem:v13+s0+$0x0], $0xffff  }
0x22a: {  	v23 =	vld.idx.msk [tilespmem:v17+s0+$0x0], $0xffff;
	v26 =	vadd.s32 $0x8, v16;
	v43 =	vadd.s32 $0x10, v16;
	v44 =	vadd.s32 $0x18, v16  }
0x22b: {  	v25 =	vadd.s32 $0x8, v13;
	v24 =	vld.idx.msk [tilespmem:v18+s0+$0x0], $0xffff;
	v45 =	vadd.s32 $0x8, v15;
	v46 =	vadd.s32 $0x10, v15  }
0x22c: {  	s24 =	sadd.s32 $0x80, s24;
	s1 =	sadd.s32 $0x1000, s1;
	v47 =	vadd.s32 $0x18, v15;
	v27 =	vld.idx.msk [tilespmem:v19+s0+$0x0], $0xffff;
	v48 =	vadd.s32 $0x8, v37;
	v49 =	vadd.s32 $0x10, v37  }
0x22d: {  	s2 =	sand.u32 $0x7000, s1;
	s8 =	sand.u32 $0xC00, s24;
	p0 =	slt.u32 s24, $0xF80;
	v50 =	vadd.s32 $0x18, v37;
	v33 =	vld.idx.msk [tilespmem:v16+s0+$0x0], $0xffff;
	v51 =	vadd.s32 $0x8, v40;
	v52 =	vadd.s32 $0x10, v40  }
0x22e: {  	s28 =	sor.u32 s8, s2;
	v53 =	vadd.s32 $0x20, v17;
	v54 =	vadd.s32 $0x20, v18;
	v56 =	vadd.s32 $0x18, v40;
	v55 =	vld.idx.msk [tilespmem:v15+s0+$0x0], $0xffff  }
0x22f: {  	v57 =	vadd.s32 $0x20, v19;
	v58 =	vadd.s32 $0x20, v16;
	v59 =	vadd.s32 $0x20, v15;
	v60 =	vld.idx.msk [tilespmem:v37+s0+$0x0], $0xffff;
	[tilespmem:s28+$0x21C0] =	vst v22  }
0x230: {  	v34 =	vadd.s32 $0x28, v17;
	v61 =	vadd.s32 $0x20, v37;
	v62 =	vadd.s32 $0x20, v40;
	[tilespmem:s28+$0x2150] =	vst v23;
	v63 =	vld.idx.msk [tilespmem:v25+s0+$0x0], $0xffff  }
0x231: {  	v35 =	vadd.s32 $0x28, v18;
	v31 =	vadd.s32 $0x28, v19;
	v29 =	vadd.s32 $0x28, v16;
	[tilespmem:s28+$0x2160] =	vst v24;
	v0 =	vld.idx.msk [tilespmem:v40+s0+$0x0], $0xffff  }
0x232: {  	v6 =	vadd.s32 $0x10, v13;
	v30 =	vadd.s32 $0x28, v15;
	v28 =	vadd.s32 $0x28, v37;
	v4 =	vld.idx.msk [tilespmem:v14+s0+$0x0], $0xffff;
	[tilespmem:s28+$0x2170] =	vst v27  }
0x233: {  	v25 =	vadd.s32 $0x30, v17;
	v23 =	vadd.s32 $0x30, v18;
	v7 =	vld.idx.msk [tilespmem:v20+s0+$0x0], $0xffff;
	[tilespmem:s28+$0x2180] =	vst v33;
	v33 =	vadd.s32 $0x28, v40  }
0x234: {  	v22 =	vadd.s32 $0x30, v15;
	v24 =	vadd.s32 $0x30, v16;
	v27 =	vadd.s32 $0x30, v19;
	v9 =	vld.idx.msk [tilespmem:v21+s0+$0x0], $0xffff;
	[tilespmem:s28+$0x2190] =	vst v55  }
0x235: {  	v17 =	vadd.s32 $0x38, v17;
	v21 =	vadd.s32 $0x30, v40;
	v55 =	vld.idx.msk [tilespmem:v26+s0+$0x0], $0xffff;
	[tilespmem:s28+$0x21A0] =	vst v60;
	v26 =	vadd.s32 $0x30, v37  }
0x236: {  	v16 =	vadd.s32 $0x38, v16;
	v19 =	vadd.s32 $0x38, v19;
	v20 =	vadd.s32 $0x38, v18;
	v45 =	vld.idx.msk [tilespmem:v45+s0+$0x0], $0xffff;
	[tilespmem:s28+$0x2240] =	vst v63  }
0x237: {  	v14 =	vadd.s32 $0x38, v40;
	v18 =	vadd.s32 $0x38, v15;
	v15 =	vadd.s32 $0x38, v37;
	[tilespmem:s28+$0x21B0] =	vst v0;
	v0 =	vld.idx.msk [tilespmem:v6+s0+$0x0], $0xffff  }
0x238: {  	[tilespmem:s28+$0x21D0] =	vst v4;
	v4 =	vld.idx.msk [tilespmem:v48+s0+$0x0], $0xffff  }
0x239: {  	[tilespmem:s28+$0x21E0] =	vst v7;
	v6 =	vld.idx.msk [tilespmem:v51+s0+$0x0], $0xffff;
	v7 =	vadd.s32 $0x18, v13  }
0x23a: {  	v36 =	vld.idx.msk [tilespmem:v36+s0+$0x0], $0xffff;
	[tilespmem:s28+$0x21F0] =	vst v9  }
0x23b: {  	v9 =	vld.idx.msk [tilespmem:v38+s0+$0x0], $0xffff;
	[tilespmem:s28+$0x2200] =	vst v55  }
0x23c: {  	v37 =	vld.idx.msk [tilespmem:v41+s0+$0x0], $0xffff;
	[tilespmem:s28+$0x2210] =	vst v45  }
0x23d: {  	v38 =	vld.idx.msk [tilespmem:v43+s0+$0x0], $0xffff;
	[tilespmem:s28+$0x22C0] =	vst v0  }
0x23e: {  	[tilespmem:s28+$0x2220] =	vst v4;
	v0 =	vld.idx.msk [tilespmem:v7+s0+$0x0], $0xffff  }
0x23f: {  	v4 =	vld.idx.msk [tilespmem:v46+s0+$0x0], $0xffff;
	[tilespmem:s28+$0x2230] =	vst v6  }
0x240: {  	v7 =	vadd.s32 $0x20, v13;
	[tilespmem:s28+$0x2250] =	vst v36;
	v6 =	vld.idx.msk [tilespmem:v49+s0+$0x0], $0xffff  }
0x241: {  	[tilespmem:s28+$0x2260] =	vst v9;
	v9 =	vld.idx.msk [tilespmem:v52+s0+$0x0], $0xffff  }
0x242: {  	v32 =	vld.idx.msk [tilespmem:v32+s0+$0x0], $0xffff;
	[tilespmem:s28+$0x2270] =	vst v37  }
0x243: {  	v36 =	vld.idx.msk [tilespmem:v39+s0+$0x0], $0xffff;
	[tilespmem:s28+$0x2280] =	vst v38  }
0x244: {  	v37 =	vld.idx.msk [tilespmem:v42+s0+$0x0], $0xffff;
	[tilespmem:s28+$0x2340] =	vst v0  }
0x245: {  	[tilespmem:s28+$0x2290] =	vst v4;
	v0 =	vld.idx.msk [tilespmem:v7+s0+$0x0], $0xffff  }
0x246: {  	v4 =	vld.idx.msk [tilespmem:v44+s0+$0x0], $0xffff;
	[tilespmem:s28+$0x22A0] =	vst v6  }
0x247: {  	v7 =	vadd.s32 $0x28, v13;
	v6 =	vld.idx.msk [tilespmem:v47+s0+$0x0], $0xffff;
	[tilespmem:s28+$0x22B0] =	vst v9  }
0x248: {  	[tilespmem:s28+$0x22D0] =	vst v32;
	v9 =	vld.idx.msk [tilespmem:v50+s0+$0x0], $0xffff  }
0x249: {  	[tilespmem:s28+$0x22E0] =	vst v36;
	v32 =	vld.idx.msk [tilespmem:v56+s0+$0x0], $0xffff  }
0x24a: {  	v36 =	vld.idx.msk [tilespmem:v53+s0+$0x0], $0xffff;
	[tilespmem:s28+$0x22F0] =	vst v37  }
0x24b: {  	v37 =	vld.idx.msk [tilespmem:v54+s0+$0x0], $0xffff;
	[tilespmem:s28+$0x23C0] =	vst v0  }
0x24c: {  	[tilespmem:s28+$0x2300] =	vst v4;
	v0 =	vld.idx.msk [tilespmem:v7+s0+$0x0], $0xffff  }
0x24d: {  	v4 =	vld.idx.msk [tilespmem:v57+s0+$0x0], $0xffff;
	[tilespmem:s28+$0x2310] =	vst v6  }
0x24e: {  	v7 =	vadd.s32 $0x30, v13;
	v6 =	vld.idx.msk [tilespmem:v58+s0+$0x0], $0xffff;
	[tilespmem:s28+$0x2320] =	vst v9  }
0x24f: {  	v9 =	vld.idx.msk [tilespmem:v59+s0+$0x0], $0xffff;
	[tilespmem:s28+$0x2330] =	vst v32  }
0x250: {  	[tilespmem:s28+$0x2350] =	vst v36;
	v32 =	vld.idx.msk [tilespmem:v61+s0+$0x0], $0xffff  }
0x251: {  	[tilespmem:s28+$0x2360] =	vst v37;
	v36 =	vld.idx.msk [tilespmem:v62+s0+$0x0], $0xffff  }
0x252: {  	v34 =	vld.idx.msk [tilespmem:v34+s0+$0x0], $0xffff;
	[tilespmem:s28+$0x2440] =	vst v0  }
0x253: {  	[tilespmem:s28+$0x2370] =	vst v4;
	v0 =	vld.idx.msk [tilespmem:v7+s0+$0x0], $0xffff  }
0x254: {  	v4 =	vld.idx.msk [tilespmem:v35+s0+$0x0], $0xffff;
	[tilespmem:s28+$0x2380] =	vst v6  }
0x255: {  	v7 =	vadd.s32 $0x38, v13;
	v6 =	vld.idx.msk [tilespmem:v31+s0+$0x0], $0xffff;
	[tilespmem:s28+$0x2390] =	vst v9  }
0x256: {  	v9 =	vld.idx.msk [tilespmem:v29+s0+$0x0], $0xffff;
	[tilespmem:s28+$0x23A0] =	vst v32  }
0x257: {  	v13 =	vld.idx.msk [tilespmem:v30+s0+$0x0], $0xffff;
	[tilespmem:s28+$0x23B0] =	vst v36  }
0x258: {  	[tilespmem:s28+$0x23D0] =	vst v34;
	v28 =	vld.idx.msk [tilespmem:v28+s0+$0x0], $0xffff  }
0x259: {  	v29 =	vld.idx.msk [tilespmem:v33+s0+$0x0], $0xffff;
	[tilespmem:s28+$0x24C0] =	vst v0  }
0x25a: {  	[tilespmem:s28+$0x23E0] =	vst v4;
	v0 =	vld.idx.msk [tilespmem:v7+s0+$0x0], $0xffff  }
0x25b: {  	v4 =	vld.idx.msk [tilespmem:v25+s0+$0x0], $0xffff;
	[tilespmem:s28+$0x23F0] =	vst v6  }
0x25c: {  	v6 =	vld.idx.msk [tilespmem:v23+s0+$0x0], $0xffff;
	[tilespmem:s28+$0x2400] =	vst v9  }
0x25d: {  	v7 =	vld.idx.msk [tilespmem:v27+s0+$0x0], $0xffff;
	[tilespmem:s28+$0x2410] =	vst v13  }
0x25e: {  	v9 =	vld.idx.msk [tilespmem:v24+s0+$0x0], $0xffff;
	[tilespmem:s28+$0x2420] =	vst v28  }
0x25f: {  	v13 =	vld.idx.msk [tilespmem:v22+s0+$0x0], $0xffff;
	[tilespmem:s28+$0x2430] =	vst v29  }
0x260: {  	v22 =	vld.idx.msk [tilespmem:v26+s0+$0x0], $0xffff;
	[tilespmem:s28+$0x2540] =	vst v0  }
0x261: {  	[tilespmem:s28+$0x2450] =	vst v4;
	v0 =	vld.idx.msk [tilespmem:v21+s0+$0x0], $0xffff  }
0x262: {  	v4 =	vld.idx.msk [tilespmem:v17+s0+$0x0], $0xffff;
	[tilespmem:s28+$0x2460] =	vst v6  }
0x263: {  	v17 =	vld.idx.msk [tilespmem:v20+s0+$0x0], $0xffff;
	[tilespmem:s28+$0x2470] =	vst v7  }
.Ltmp6:
0x264: {  	v19 =	vld.idx.msk [tilespmem:v19+s0+$0x0], $0xffff;
	[tilespmem:s28+$0x2480] =	vst v9;
	(pc) =	sbr.rel @p0 .LBB2_15-.Ltmp6, $4  }
0x265: {  	v20 =	vld.idx.msk [tilespmem:v16+s0+$0x0], $0xffff;
	[tilespmem:s28+$0x2490] =	vst v13  }
0x266: {  	v16 =	vld.idx.msk [tilespmem:v18+s0+$0x0], $0xffff;
	[tilespmem:s28+$0x24A0] =	vst v22  }
0x267: {  	v15 =	vld.idx.msk [tilespmem:v15+s0+$0x0], $0xffff;
	[tilespmem:s28+$0x24B0] =	vst v0  }
0x268: {  	s7 =	sadd.s32 $0x80, s7;
	[tilespmem:s28+$0x24D0] =	vst v4;
	v14 =	vld.idx.msk [tilespmem:v14+s0+$0x0], $0xffff  }
0x269: {  	[tilespmem:s28+$0x24E0] =	vst v17;
	s24 =	sshll.u32 s21, $0x1  }
0x26a: {  	[tilespmem:s28+$0x24F0] =	vst v19;
	s1 =	sadd.s32 s5, s24  }
0x26b: {  	[tilespmem:s28+$0x2500] =	vst v20;
	s2 =	sshll.u32 s1, $0xC;
	s1 =	sshll.u32 s1, $0x9  }
0x26c: {  	[tilespmem:s28+$0x2510] =	vst v16;
	s2 =	sand.u32 $0xFFE0000, s2;
	s1 =	sand.u32 $0x3E00, s1  }
0x26d: {  	[tilespmem:s28+$0x2520] =	vst v15;
	s2 =	sor.u32 s1, s2  }
0x26e: {  	[tilespmem:s28+$0x2530] =	vst v14;
	s1 =	simm.s32 $0x0;
	s7 =	sadd.s32 s3, s2  }
0x26f: {  	[hbm4b:s7+s1] =	stream.linear.scatter [tilespmem:s14], [sflag:$0x3], $0x1000, $0x38;
	[tilespmem:$0x12150] =	vst v63  }
0x270: {  	s8 =	sadd.s32 s2, s12  }
0x271: {  	[hbm4b:s8+s1] =	stream.linear.scatter [tilespmem:s15], [sflag:$0x3], $0x1000, $0x38;
	[tilespmem:$0x12150] =	vst v63  }
0x272: {  	s8 =	sadd.s32 s2, s13  }
0x273: {  	[hbm4b:s8+s1] =	stream.linear.scatter [tilespmem:s17], [sflag:$0x3], $0x1000, $0x38;
	[tilespmem:$0x12150] =	vst v63  }
0x274: {  	s7 =	sadd.s32 s2, s16;
	s8 =	simm.s32 $0x5150  }
0x275: {  	[hbm4b:s7+s1] =	stream.linear.scatter [tilespmem:s8], [sflag:$0x3], $0x1000, $0x38;
	[tilespmem:$0x12150] =	vst v63  }
0x276: {  	s7 =	sadd.s32 s2, s18;
	s8 =	simm.s32 $0x6150  }
0x277: {  	[hbm4b:s7+s1] =	stream.linear.scatter [tilespmem:s8], [sflag:$0x3], $0x1000, $0x38;
	[tilespmem:$0x12150] =	vst v63  }
0x278: {  	s7 =	sadd.s32 s2, s20;
	s8 =	simm.s32 $0x7150  }
0x279: {  	[hbm4b:s7+s1] =	stream.linear.scatter [tilespmem:s8], [sflag:$0x3], $0x1000, $0x38;
	[tilespmem:$0x12150] =	vst v63  }
0x27a: {  	s7 =	sadd.s32 s2, s22;
	s8 =	simm.s32 $0x8150  }
0x27b: {  	[hbm4b:s7+s1] =	stream.linear.scatter [tilespmem:s8], [sflag:$0x3], $0x1000, $0x38;
	[tilespmem:$0x12150] =	vst v63  }
0x27c: {  	s2 =	sadd.s32 s2, s23;
	s8 =	simm.s32 $0x9150;
	s7 =	sadd.s32 s24, s25  }
0x27d: {  	[hbm4b:s2+s1] =	stream.linear.scatter [tilespmem:s8], [sflag:$0x3], $0x1000, $0x38;
	[tilespmem:$0x12150] =	vst v63  }
0x27e: {  	s2 =	sshll.u32 s7, $0x9  }
0x27f: {  	s2 =	sand.u32 $0x1FFFFE00, s2  }
0x280: {  	s2 =	sadd.s32 s9, s2  }
0x281: {  	[tilespmem:s10], [sflag:$0x1] =	stream.linear.gather [hbm4b:s2+s1], $0x1000, $0x38;
	[tilespmem:$0x12150] =	vst v63  }
0x282: {  	_ =	swait.ge [sflag:s19], $0x1000  }
0x283: {  	[sflag:s19] =	ssyncset.done $0x0  }
0x284: {  	[sflag:s19] =	ssyncadd.s32 $0xFFFFF000  }
0x285: {  	_ =	swait.ge [sflag:s29], $0x8000  }
0x286: {  	[sflag:s29] =	ssyncset.done $0x0  }
0x287: {  	s8 =	simm.s32 $0x1190;
	[sflag:s29] =	ssyncadd.s32 $0xFFFF8000  }
0x288: {  	v20 =	vld [tilespmem:s8+$0x30]  }
0x289: {  	v19 =	vld [tilespmem:s8+$0xFFFFFFC0]  }
0x28a: {  	v18 =	vld [tilespmem:s8+$0xFFFFFFD0]  }
0x28b: {  	v17 =	vld [tilespmem:s8+$0xFFFFFFE0]  }
0x28c: {  	v16 =	vld [tilespmem:s8+$0xFFFFFFF0]  }
0x28d: {  	v15 =	vld [tilespmem:s8+$0x0]  }
0x28e: {  	v14 =	vld [tilespmem:s8+$0x10]  }
0x28f: {  	v13 =	vld [tilespmem:s8+$0x20]  }
0x290: {  	v0 =	vld.idx.msk [tilespmem:v20+s0+$0x0], $0xffff  }
0x291: {  	v4 =	vld.idx.msk [tilespmem:v19+s0+$0x0], $0xffff  }
0x292: {  	v6 =	vld.idx.msk [tilespmem:v18+s0+$0x0], $0xffff  }
0x293: {  	s28 =	simm.s32 $0x0;
	v7 =	vadd.s32 $0x8, v20;
	v9 =	vld.idx.msk [tilespmem:v17+s0+$0x0], $0xffff  }
0x294: {  	s7 =	sand.u32 $0x7000, s1;
	s8 =	sand.u32 $0xC00, s28;
	v21 =	vadd.s32 $0x8, v19;
	v22 =	vld.idx.msk [tilespmem:v16+s0+$0x0], $0xffff  }
0x295: {  	s7 =	sor.u32 s8, s7;
	v23 =	vadd.s32 $0x8, v18;
	v24 =	vld.idx.msk [tilespmem:v15+s0+$0x0], $0xffff  }
0x296: {  	v25 =	vadd.s32 $0x8, v17;
	v26 =	vld.idx.msk [tilespmem:v14+s0+$0x0], $0xffff;
	[tilespmem:s7+$0xA1C0] =	vst v0  }
0x297: {  	v0 =	vadd.s32 $0x8, v16;
	[tilespmem:s7+$0xA160] =	vst v6;
	v6 =	vld.idx.msk [tilespmem:v13+s0+$0x0], $0xffff  }
0x298: {  	[tilespmem:s7+$0xA150] =	vst v4;
	v4 =	vld.idx.msk [tilespmem:v7+s0+$0x0], $0xffff;
	v7 =	vadd.s32 $0x8, v15  }
0x299: {  	v27 =	vadd.s32 $0x8, v14;
	[tilespmem:s7+$0xA170] =	vst v9;
	v21 =	vld.idx.msk [tilespmem:v21+s0+$0x0], $0xffff  }
0x29a: {  	v9 =	vadd.s32 $0x10, v20;
	[tilespmem:s7+$0xA180] =	vst v22;
	v23 =	vld.idx.msk [tilespmem:v23+s0+$0x0], $0xffff  }
0x29b: {  	v22 =	vadd.s32 $0x8, v13;
	[tilespmem:s7+$0xA190] =	vst v24;
	v25 =	vld.idx.msk [tilespmem:v25+s0+$0x0], $0xffff  }
0x29c: {  	v49 =	vadd.s32 $0x10, v19;
	[tilespmem:s7+$0xA1A0] =	vst v26;
	v0 =	vld.idx.msk [tilespmem:v0+s0+$0x0], $0xffff  }
0x29d: {  	v50 =	vadd.s32 $0x10, v18;
	v7 =	vld.idx.msk [tilespmem:v7+s0+$0x0], $0xffff;
	[tilespmem:s7+$0xA240] =	vst v4  }
0x29e: {  	v4 =	vadd.s32 $0x10, v17;
	[tilespmem:s7+$0xA1D0] =	vst v21;
	v21 =	vld.idx.msk [tilespmem:v27+s0+$0x0], $0xffff  }
0x29f: {  	[tilespmem:s7+$0xA1B0] =	vst v6;
	v6 =	vld.idx.msk [tilespmem:v9+s0+$0x0], $0xffff;
	v9 =	vadd.s32 $0x10, v16  }
0x2a0: {  	v51 =	vadd.s32 $0x10, v15;
	[tilespmem:s7+$0xA1E0] =	vst v23;
	v22 =	vld.idx.msk [tilespmem:v22+s0+$0x0], $0xffff  }
0x2a1: {  	v23 =	vadd.s32 $0x18, v20;
	[tilespmem:s7+$0xA1F0] =	vst v25;
	v24 =	vld.idx.msk [tilespmem:v49+s0+$0x0], $0xffff  }
0x2a2: {  	v52 =	vadd.s32 $0x10, v14;
	v26 =	vld.idx.msk [tilespmem:v50+s0+$0x0], $0xffff;
	[tilespmem:s7+$0xA200] =	vst v0  }
0x2a3: {  	v0 =	vadd.s32 $0x10, v13;
	v4 =	vld.idx.msk [tilespmem:v4+s0+$0x0], $0xffff;
	[tilespmem:s7+$0xA210] =	vst v7  }
0x2a4: {  	v7 =	vadd.s32 $0x18, v19;
	[tilespmem:s7+$0xA220] =	vst v21;
	v9 =	vld.idx.msk [tilespmem:v9+s0+$0x0], $0xffff  }
0x2a5: {  	[tilespmem:s7+$0xA2C0] =	vst v6;
	v6 =	vadd.s32 $0x18, v18;
	v27 =	vld.idx.msk [tilespmem:v51+s0+$0x0], $0xffff  }
0x2a6: {  	[tilespmem:s7+$0xA230] =	vst v22;
	v21 =	vld.idx.msk [tilespmem:v23+s0+$0x0], $0xffff;
	v23 =	vadd.s32 $0x18, v17  }
0x2a7: {  	v54 =	vadd.s32 $0x18, v16;
	[tilespmem:s7+$0xA250] =	vst v24;
	v22 =	vld.idx.msk [tilespmem:v52+s0+$0x0], $0xffff  }
0x2a8: {  	v55 =	vadd.s32 $0x18, v15;
	[tilespmem:s7+$0xA260] =	vst v26;
	v0 =	vld.idx.msk [tilespmem:v0+s0+$0x0], $0xffff  }
0x2a9: {  	v53 =	vadd.s32 $0x20, v20;
	v7 =	vld.idx.msk [tilespmem:v7+s0+$0x0], $0xffff;
	[tilespmem:s7+$0xA270] =	vst v4  }
0x2aa: {  	v4 =	vadd.s32 $0x18, v14;
	v6 =	vld.idx.msk [tilespmem:v6+s0+$0x0], $0xffff;
	[tilespmem:s7+$0xA280] =	vst v9  }
0x2ab: {  	v9 =	vadd.s32 $0x18, v13;
	[tilespmem:s7+$0xA290] =	vst v27;
	v23 =	vld.idx.msk [tilespmem:v23+s0+$0x0], $0xffff  }
0x2ac: {  	[tilespmem:s7+$0xA340] =	vst v21;
	v21 =	vadd.s32 $0x20, v19;
	v25 =	vld.idx.msk [tilespmem:v54+s0+$0x0], $0xffff  }
0x2ad: {  	v56 =	vadd.s32 $0x20, v18;
	[tilespmem:s7+$0xA2A0] =	vst v22;
	v22 =	vld.idx.msk [tilespmem:v55+s0+$0x0], $0xffff  }
0x2ae: {  	v57 =	vadd.s32 $0x20, v17;
	v24 =	vld.idx.msk [tilespmem:v53+s0+$0x0], $0xffff;
	[tilespmem:s7+$0xA2B0] =	vst v0  }
0x2af: {  	v0 =	vadd.s32 $0x28, v20;
	[tilespmem:s7+$0xA2D0] =	vst v7;
	v4 =	vld.idx.msk [tilespmem:v4+s0+$0x0], $0xffff  }
0x2b0: {  	v7 =	vadd.s32 $0x20, v16;
	[tilespmem:s7+$0xA2E0] =	vst v6;
	v6 =	vld.idx.msk [tilespmem:v9+s0+$0x0], $0xffff  }
0x2b1: {  	v9 =	vadd.s32 $0x20, v15;
	v21 =	vld.idx.msk [tilespmem:v21+s0+$0x0], $0xffff;
	[tilespmem:s7+$0xA2F0] =	vst v23  }
0x2b2: {  	v23 =	vadd.s32 $0x20, v14;
	v27 =	vld.idx.msk [tilespmem:v56+s0+$0x0], $0xffff;
	[tilespmem:s7+$0xA300] =	vst v25  }
0x2b3: {  	v58 =	vadd.s32 $0x20, v13;
	[tilespmem:s7+$0xA3C0] =	vst v24;
	v26 =	vld.idx.msk [tilespmem:v57+s0+$0x0], $0xffff  }
0x2b4: {  	v59 =	vadd.s32 $0x28, v19;
	[tilespmem:s7+$0xA310] =	vst v22;
	v0 =	vld.idx.msk [tilespmem:v0+s0+$0x0], $0xffff  }
0x2b5: {  	v22 =	vadd.s32 $0x28, v18;
	v7 =	vld.idx.msk [tilespmem:v7+s0+$0x0], $0xffff;
	[tilespmem:s7+$0xA320] =	vst v4  }
0x2b6: {  	v4 =	vadd.s32 $0x30, v20;
	v9 =	vld.idx.msk [tilespmem:v9+s0+$0x0], $0xffff;
	[tilespmem:s7+$0xA330] =	vst v6  }
0x2b7: {  	v6 =	vadd.s32 $0x28, v17;
	[tilespmem:s7+$0xA350] =	vst v21;
	v21 =	vld.idx.msk [tilespmem:v23+s0+$0x0], $0xffff  }
0x2b8: {  	v23 =	vadd.s32 $0x28, v16;
	[tilespmem:s7+$0xA360] =	vst v27;
	v24 =	vld.idx.msk [tilespmem:v58+s0+$0x0], $0xffff  }
0x2b9: {  	v60 =	vadd.s32 $0x28, v15;
	v25 =	vld.idx.msk [tilespmem:v59+s0+$0x0], $0xffff;
	[tilespmem:s7+$0xA370] =	vst v26  }
0x2ba: {  	v61 =	vadd.s32 $0x28, v13;
	v22 =	vld.idx.msk [tilespmem:v22+s0+$0x0], $0xffff;
	[tilespmem:s7+$0xA440] =	vst v0  }
0x2bb: {  	v0 =	vadd.s32 $0x28, v14;
	v4 =	vld.idx.msk [tilespmem:v4+s0+$0x0], $0xffff;
	[tilespmem:s7+$0xA380] =	vst v7  }
0x2bc: {  	v7 =	vadd.s32 $0x38, v20;
	v6 =	vld.idx.msk [tilespmem:v6+s0+$0x0], $0xffff;
	[tilespmem:s7+$0xA390] =	vst v9  }
0x2bd: {  	v9 =	vadd.s32 $0x30, v19;
	v20 =	vld.idx.msk [tilespmem:v23+s0+$0x0], $0xffff;
	[tilespmem:s7+$0xA3A0] =	vst v21  }
0x2be: {  	v21 =	vadd.s32 $0x30, v18;
	v23 =	vld.idx.msk [tilespmem:v60+s0+$0x0], $0xffff;
	[tilespmem:s7+$0xA3B0] =	vst v24  }
0x2bf: {  	v62 =	vadd.s32 $0x30, v17;
	[tilespmem:s7+$0xA3D0] =	vst v25;
	v26 =	vld.idx.msk [tilespmem:v61+s0+$0x0], $0xffff  }
0x2c0: {  	v63 =	vadd.s32 $0x30, v16;
	v0 =	vld.idx.msk [tilespmem:v0+s0+$0x0], $0xffff;
	[tilespmem:s7+$0xA4C0] =	vst v4  }
0x2c1: {  	[tilespmem:s7+$0xA3E0] =	vst v22;
	v4 =	vadd.s32 $0x30, v15;
	v7 =	vld.idx.msk [tilespmem:v7+s0+$0x0], $0xffff  }
0x2c2: {  	v22 =	vadd.s32 $0x30, v14;
	v9 =	vld.idx.msk [tilespmem:v9+s0+$0x0], $0xffff;
	[tilespmem:s7+$0xA3F0] =	vst v6  }
0x2c3: {  	v6 =	vadd.s32 $0x30, v13;
	v21 =	vld.idx.msk [tilespmem:v21+s0+$0x0], $0xffff;
	[tilespmem:s7+$0xA400] =	vst v20  }
0x2c4: {  	v19 =	vadd.s32 $0x38, v19;
	v20 =	vld.idx.msk [tilespmem:v62+s0+$0x0], $0xffff;
	[tilespmem:s7+$0xA410] =	vst v23  }
0x2c5: {  	v18 =	vadd.s32 $0x38, v18;
	v23 =	vld.idx.msk [tilespmem:v63+s0+$0x0], $0xffff;
	[tilespmem:s7+$0xA430] =	vst v26  }
0x2c6: {  	[tilespmem:s7+$0xA420] =	vst v0;
	v0 =	vadd.s32 $0x38, v17;
	v4 =	vld.idx.msk [tilespmem:v4+s0+$0x0], $0xffff  }
0x2c7: {  	v16 =	vadd.s32 $0x38, v16;
	v22 =	vld.idx.msk [tilespmem:v22+s0+$0x0], $0xffff;
	[tilespmem:s7+$0xA540] =	vst v7  }
0x2c8: {  	v7 =	vadd.s32 $0x38, v15;
	[tilespmem:s7+$0xA450] =	vst v9;
	v6 =	vld.idx.msk [tilespmem:v6+s0+$0x0], $0xffff  }
0x2c9: {  	v9 =	vadd.s32 $0x38, v14;
	v14 =	vld.idx.msk [tilespmem:v19+s0+$0x0], $0xffff;
	[tilespmem:s7+$0xA460] =	vst v21  }
0x2ca: {  	v13 =	vadd.s32 $0x38, v13;
	[tilespmem:s7+$0xA470] =	vst v20;
	v17 =	vld.idx.msk [tilespmem:v18+s0+$0x0], $0xffff  }
0x2cb: {  	[tilespmem:s7+$0xA480] =	vst v23;
	v19 =	vld.idx.msk [tilespmem:v0+s0+$0x0], $0xffff  }
0x2cc: {  	v20 =	vld.idx.msk [tilespmem:v16+s0+$0x0], $0xffff;
	[tilespmem:s7+$0xA490] =	vst v4  }
0x2cd: {  	[tilespmem:s7+$0xA4A0] =	vst v22;
	v16 =	vld.idx.msk [tilespmem:v7+s0+$0x0], $0xffff  }
0x2ce: {  	v15 =	vld.idx.msk [tilespmem:v9+s0+$0x0], $0xffff;
	[tilespmem:s7+$0xA4B0] =	vst v6  }
0x2cf: {  	s8 =	simm.s32 $0x1210;
	[tilespmem:s7+$0xA4D0] =	vst v14;
	v14 =	vld.idx.msk [tilespmem:v13+s0+$0x0], $0xffff  }
.LBB2_17:
0x2d0: {  	v13 =	vld [tilespmem:s8+$0x30];
	[tilespmem:s7+$0xA4E0] =	vst v17  }
0x2d1: {  	v0 =	vld [tilespmem:s8+$0xFFFFFFC0];
	[tilespmem:s7+$0xA4F0] =	vst v19  }
0x2d2: {  	v4 =	vld [tilespmem:s8+$0xFFFFFFD0];
	[tilespmem:s7+$0xA500] =	vst v20  }
0x2d3: {  	v6 =	vld [tilespmem:s8+$0xFFFFFFE0];
	[tilespmem:s7+$0xA510] =	vst v16  }
0x2d4: {  	v7 =	vld [tilespmem:s8+$0xFFFFFFF0];
	[tilespmem:s7+$0xA520] =	vst v15  }
0x2d5: {  	v9 =	vld [tilespmem:s8+$0x0];
	[tilespmem:s7+$0xA530] =	vst v14  }
0x2d6: {  	v14 =	vadd.s32 $0x8, v0;
	v36 =	vadd.s32 $0x10, v0;
	v32 =	vadd.s32 $0x18, v0;
	v15 =	vld [tilespmem:s8+$0x10]  }
0x2d7: {  	v16 =	vadd.s32 $0x8, v4;
	v37 =	vadd.s32 $0x10, v4;
	v38 =	vadd.s32 $0x18, v4;
	v39 =	vld [tilespmem:s8+$0x20]  }
0x2d8: {  	v17 =	vadd.s32 $0x8, v6;
	v40 =	vadd.s32 $0x10, v6;
	v41 =	vadd.s32 $0x18, v6;
	v18 =	vld.idx.msk [tilespmem:v13+s0+$0x0], $0xffff  }
0x2d9: {  	v19 =	vld.idx.msk [tilespmem:v0+s0+$0x0], $0xffff;
	v20 =	vadd.s32 $0x8, v7;
	v42 =	vadd.s32 $0x10, v7;
	v43 =	vadd.s32 $0x18, v7  }
0x2da: {  	v22 =	vadd.s32 $0x8, v13;
	v21 =	vld.idx.msk [tilespmem:v4+s0+$0x0], $0xffff;
	v44 =	vadd.s32 $0x8, v9;
	v45 =	vadd.s32 $0x10, v9  }
0x2db: {  	s28 =	sadd.s32 $0x80, s28;
	s1 =	sadd.s32 $0x1000, s1;
	v46 =	vadd.s32 $0x18, v9;
	v23 =	vld.idx.msk [tilespmem:v6+s0+$0x0], $0xffff;
	v47 =	vadd.s32 $0x8, v15;
	v48 =	vadd.s32 $0x10, v15  }
0x2dc: {  	s2 =	sand.u32 $0x7000, s1;
	p0 =	slt.u32 s28, $0xF80;
	s7 =	sand.u32 $0xC00, s28;
	v49 =	vadd.s32 $0x18, v15;
	v24 =	vld.idx.msk [tilespmem:v7+s0+$0x0], $0xffff;
	v50 =	vadd.s32 $0x8, v39;
	v51 =	vadd.s32 $0x10, v39  }
0x2dd: {  	s7 =	sor.u32 s7, s2;
	v52 =	vadd.s32 $0x20, v0;
	v53 =	vadd.s32 $0x20, v4;
	v54 =	vadd.s32 $0x18, v39;
	v26 =	vld.idx.msk [tilespmem:v9+s0+$0x0], $0xffff  }
0x2de: {  	v55 =	vadd.s32 $0x20, v6;
	v56 =	vadd.s32 $0x20, v7;
	v57 =	vadd.s32 $0x20, v9;
	v58 =	vld.idx.msk [tilespmem:v15+s0+$0x0], $0xffff;
	[tilespmem:s7+$0xA1C0] =	vst v18  }
0x2df: {  	v34 =	vadd.s32 $0x28, v0;
	v59 =	vadd.s32 $0x20, v15;
	v60 =	vadd.s32 $0x20, v39;
	[tilespmem:s7+$0xA150] =	vst v19;
	v18 =	vld.idx.msk [tilespmem:v22+s0+$0x0], $0xffff  }
0x2e0: {  	v35 =	vadd.s32 $0x28, v4;
	v31 =	vadd.s32 $0x28, v6;
	v29 =	vadd.s32 $0x28, v7;
	[tilespmem:s7+$0xA160] =	vst v21;
	v61 =	vld.idx.msk [tilespmem:v39+s0+$0x0], $0xffff  }
0x2e1: {  	v63 =	vadd.s32 $0x10, v13;
	v30 =	vadd.s32 $0x28, v9;
	v28 =	vadd.s32 $0x28, v15;
	v62 =	vld.idx.msk [tilespmem:v14+s0+$0x0], $0xffff;
	[tilespmem:s7+$0xA170] =	vst v23  }
0x2e2: {  	v25 =	vadd.s32 $0x30, v0;
	v33 =	vadd.s32 $0x28, v39;
	v23 =	vadd.s32 $0x30, v4;
	v10 =	vld.idx.msk [tilespmem:v16+s0+$0x0], $0xffff;
	[tilespmem:s7+$0xA180] =	vst v24  }
0x2e3: {  	v27 =	vadd.s32 $0x30, v6;
	v22 =	vadd.s32 $0x30, v9;
	v24 =	vadd.s32 $0x30, v7;
	v12 =	vld.idx.msk [tilespmem:v17+s0+$0x0], $0xffff;
	[tilespmem:s7+$0xA190] =	vst v26  }
0x2e4: {  	v21 =	vadd.s32 $0x30, v39;
	v17 =	vadd.s32 $0x38, v0;
	v26 =	vadd.s32 $0x30, v15;
	v0 =	vld.idx.msk [tilespmem:v20+s0+$0x0], $0xffff;
	[tilespmem:s7+$0xA1A0] =	vst v58  }
0x2e5: {  	v19 =	vadd.s32 $0x38, v6;
	v16 =	vadd.s32 $0x38, v7;
	v20 =	vadd.s32 $0x38, v4;
	v4 =	vld.idx.msk [tilespmem:v44+s0+$0x0], $0xffff;
	[tilespmem:s7+$0xA240] =	vst v18  }
0x2e6: {  	v14 =	vadd.s32 $0x38, v39;
	v15 =	vadd.s32 $0x38, v15;
	v18 =	vadd.s32 $0x38, v9;
	[tilespmem:s7+$0xA1B0] =	vst v61;
	v6 =	vld.idx.msk [tilespmem:v63+s0+$0x0], $0xffff  }
0x2e7: {  	[tilespmem:s7+$0xA1D0] =	vst v62;
	v7 =	vld.idx.msk [tilespmem:v47+s0+$0x0], $0xffff  }
0x2e8: {  	[tilespmem:s7+$0xA1E0] =	vst v10;
	v9 =	vld.idx.msk [tilespmem:v50+s0+$0x0], $0xffff;
	v10 =	vadd.s32 $0x18, v13  }
0x2e9: {  	v36 =	vld.idx.msk [tilespmem:v36+s0+$0x0], $0xffff;
	[tilespmem:s7+$0xA1F0] =	vst v12  }
0x2ea: {  	v12 =	vld.idx.msk [tilespmem:v37+s0+$0x0], $0xffff;
	[tilespmem:s7+$0xA200] =	vst v0  }
0x2eb: {  	v0 =	vld.idx.msk [tilespmem:v40+s0+$0x0], $0xffff;
	[tilespmem:s7+$0xA210] =	vst v4  }
0x2ec: {  	v4 =	vld.idx.msk [tilespmem:v42+s0+$0x0], $0xffff;
	[tilespmem:s7+$0xA2C0] =	vst v6  }
0x2ed: {  	[tilespmem:s7+$0xA220] =	vst v7;
	v6 =	vld.idx.msk [tilespmem:v10+s0+$0x0], $0xffff  }
0x2ee: {  	v7 =	vld.idx.msk [tilespmem:v45+s0+$0x0], $0xffff;
	[tilespmem:s7+$0xA230] =	vst v9  }
0x2ef: {  	v10 =	vadd.s32 $0x20, v13;
	[tilespmem:s7+$0xA250] =	vst v36;
	v9 =	vld.idx.msk [tilespmem:v48+s0+$0x0], $0xffff  }
0x2f0: {  	[tilespmem:s7+$0xA260] =	vst v12;
	v12 =	vld.idx.msk [tilespmem:v51+s0+$0x0], $0xffff  }
0x2f1: {  	v32 =	vld.idx.msk [tilespmem:v32+s0+$0x0], $0xffff;
	[tilespmem:s7+$0xA270] =	vst v0  }
0x2f2: {  	v0 =	vld.idx.msk [tilespmem:v38+s0+$0x0], $0xffff;
	[tilespmem:s7+$0xA280] =	vst v4  }
0x2f3: {  	v4 =	vld.idx.msk [tilespmem:v41+s0+$0x0], $0xffff;
	[tilespmem:s7+$0xA340] =	vst v6  }
0x2f4: {  	[tilespmem:s7+$0xA290] =	vst v7;
	v6 =	vld.idx.msk [tilespmem:v10+s0+$0x0], $0xffff  }
0x2f5: {  	v7 =	vld.idx.msk [tilespmem:v43+s0+$0x0], $0xffff;
	[tilespmem:s7+$0xA2A0] =	vst v9  }
0x2f6: {  	v10 =	vadd.s32 $0x28, v13;
	v9 =	vld.idx.msk [tilespmem:v46+s0+$0x0], $0xffff;
	[tilespmem:s7+$0xA2B0] =	vst v12  }
0x2f7: {  	[tilespmem:s7+$0xA2D0] =	vst v32;
	v12 =	vld.idx.msk [tilespmem:v49+s0+$0x0], $0xffff  }
0x2f8: {  	[tilespmem:s7+$0xA2E0] =	vst v0;
	v0 =	vld.idx.msk [tilespmem:v54+s0+$0x0], $0xffff  }
0x2f9: {  	v32 =	vld.idx.msk [tilespmem:v52+s0+$0x0], $0xffff;
	[tilespmem:s7+$0xA2F0] =	vst v4  }
0x2fa: {  	v4 =	vld.idx.msk [tilespmem:v53+s0+$0x0], $0xffff;
	[tilespmem:s7+$0xA3C0] =	vst v6  }
0x2fb: {  	[tilespmem:s7+$0xA300] =	vst v7;
	v6 =	vld.idx.msk [tilespmem:v10+s0+$0x0], $0xffff  }
0x2fc: {  	v7 =	vld.idx.msk [tilespmem:v55+s0+$0x0], $0xffff;
	[tilespmem:s7+$0xA310] =	vst v9  }
0x2fd: {  	v10 =	vadd.s32 $0x30, v13;
	v9 =	vld.idx.msk [tilespmem:v56+s0+$0x0], $0xffff;
	[tilespmem:s7+$0xA320] =	vst v12  }
0x2fe: {  	v12 =	vld.idx.msk [tilespmem:v57+s0+$0x0], $0xffff;
	[tilespmem:s7+$0xA330] =	vst v0  }
0x2ff: {  	[tilespmem:s7+$0xA350] =	vst v32;
	v0 =	vld.idx.msk [tilespmem:v59+s0+$0x0], $0xffff  }
0x300: {  	[tilespmem:s7+$0xA360] =	vst v4;
	v4 =	vld.idx.msk [tilespmem:v60+s0+$0x0], $0xffff  }
0x301: {  	v32 =	vld.idx.msk [tilespmem:v34+s0+$0x0], $0xffff;
	[tilespmem:s7+$0xA440] =	vst v6  }
0x302: {  	[tilespmem:s7+$0xA370] =	vst v7;
	v6 =	vld.idx.msk [tilespmem:v10+s0+$0x0], $0xffff  }
0x303: {  	v7 =	vld.idx.msk [tilespmem:v35+s0+$0x0], $0xffff;
	[tilespmem:s7+$0xA380] =	vst v9  }
0x304: {  	v10 =	vadd.s32 $0x38, v13;
	v9 =	vld.idx.msk [tilespmem:v31+s0+$0x0], $0xffff;
	[tilespmem:s7+$0xA390] =	vst v12  }
0x305: {  	v12 =	vld.idx.msk [tilespmem:v29+s0+$0x0], $0xffff;
	[tilespmem:s7+$0xA3A0] =	vst v0  }
0x306: {  	v0 =	vld.idx.msk [tilespmem:v30+s0+$0x0], $0xffff;
	[tilespmem:s7+$0xA3B0] =	vst v4  }
0x307: {  	[tilespmem:s7+$0xA3D0] =	vst v32;
	v4 =	vld.idx.msk [tilespmem:v28+s0+$0x0], $0xffff  }
0x308: {  	v13 =	vld.idx.msk [tilespmem:v33+s0+$0x0], $0xffff;
	[tilespmem:s7+$0xA4C0] =	vst v6  }
0x309: {  	[tilespmem:s7+$0xA3E0] =	vst v7;
	v6 =	vld.idx.msk [tilespmem:v10+s0+$0x0], $0xffff  }
0x30a: {  	v7 =	vld.idx.msk [tilespmem:v25+s0+$0x0], $0xffff;
	[tilespmem:s7+$0xA3F0] =	vst v9  }
0x30b: {  	v9 =	vld.idx.msk [tilespmem:v23+s0+$0x0], $0xffff;
	[tilespmem:s7+$0xA400] =	vst v12  }
0x30c: {  	v10 =	vld.idx.msk [tilespmem:v27+s0+$0x0], $0xffff;
	[tilespmem:s7+$0xA410] =	vst v0  }
0x30d: {  	v0 =	vld.idx.msk [tilespmem:v24+s0+$0x0], $0xffff;
	[tilespmem:s7+$0xA420] =	vst v4  }
0x30e: {  	v4 =	vld.idx.msk [tilespmem:v22+s0+$0x0], $0xffff;
	[tilespmem:s7+$0xA430] =	vst v13  }
0x30f: {  	v12 =	vld.idx.msk [tilespmem:v26+s0+$0x0], $0xffff;
	[tilespmem:s7+$0xA540] =	vst v6  }
0x310: {  	[tilespmem:s7+$0xA450] =	vst v7;
	v6 =	vld.idx.msk [tilespmem:v21+s0+$0x0], $0xffff  }
0x311: {  	v7 =	vld.idx.msk [tilespmem:v17+s0+$0x0], $0xffff;
	[tilespmem:s7+$0xA460] =	vst v9  }
0x312: {  	v17 =	vld.idx.msk [tilespmem:v20+s0+$0x0], $0xffff;
	[tilespmem:s7+$0xA470] =	vst v10  }
.Ltmp7:
0x313: {  	v19 =	vld.idx.msk [tilespmem:v19+s0+$0x0], $0xffff;
	[tilespmem:s7+$0xA480] =	vst v0;
	(pc) =	sbr.rel @p0 .LBB2_17-.Ltmp7, $4  }
0x314: {  	v20 =	vld.idx.msk [tilespmem:v16+s0+$0x0], $0xffff;
	[tilespmem:s7+$0xA490] =	vst v4  }
0x315: {  	v16 =	vld.idx.msk [tilespmem:v18+s0+$0x0], $0xffff;
	[tilespmem:s7+$0xA4A0] =	vst v12  }
0x316: {  	v15 =	vld.idx.msk [tilespmem:v15+s0+$0x0], $0xffff;
	[tilespmem:s7+$0xA4B0] =	vst v6  }
0x317: {  	s8 =	sadd.s32 $0x80, s8;
	[tilespmem:s7+$0xA4D0] =	vst v7;
	v14 =	vld.idx.msk [tilespmem:v14+s0+$0x0], $0xffff  }
0x318: {  	[tilespmem:s7+$0xA4E0] =	vst v17;
	s1 =	sadd.s32 s24, s5  }
0x319: {  	[tilespmem:s7+$0xA4F0] =	vst v19;
	s1 =	sadd.s32 $0x1, s1  }
0x31a: {  	[tilespmem:s7+$0xA500] =	vst v20;
	s2 =	sshll.u32 s1, $0xC;
	s1 =	sshll.u32 s1, $0x9  }
0x31b: {  	[tilespmem:s7+$0xA510] =	vst v16;
	s2 =	sand.u32 $0xFFE0000, s2;
	s1 =	sand.u32 $0x3E00, s1  }
0x31c: {  	[tilespmem:s7+$0xA520] =	vst v15;
	s1 =	sor.u32 s1, s2  }
0x31d: {  	s28 =	simm.s32 $0xA150;
	[tilespmem:s7+$0xA530] =	vst v14;
	s2 =	sadd.s32 s3, s1  }
0x31e: {  	[hbm4b:s2+s4] =	stream.linear.scatter [tilespmem:s28], [sflag:$0x4], $0x1000, $0x38;
	[tilespmem:$0x12150] =	vst v63  }
0x31f: {  	s8 =	sadd.s32 s1, s12;
	s28 =	simm.s32 $0xB150  }
0x320: {  	[hbm4b:s8+s4] =	stream.linear.scatter [tilespmem:s28], [sflag:$0x4], $0x1000, $0x38;
	[tilespmem:$0x12150] =	vst v63  }
0x321: {  	s8 =	sadd.s32 s1, s13;
	s28 =	simm.s32 $0xC150  }
0x322: {  	[hbm4b:s8+s4] =	stream.linear.scatter [tilespmem:s28], [sflag:$0x4], $0x1000, $0x38;
	[tilespmem:$0x12150] =	vst v63  }
0x323: {  	s8 =	sadd.s32 s1, s16;
	s28 =	simm.s32 $0xD150  }
0x324: {  	[hbm4b:s8+s4] =	stream.linear.scatter [tilespmem:s28], [sflag:$0x4], $0x1000, $0x38;
	[tilespmem:$0x12150] =	vst v63  }
0x325: {  	s8 =	sadd.s32 s1, s18;
	s28 =	simm.s32 $0xE150  }
0x326: {  	[hbm4b:s8+s4] =	stream.linear.scatter [tilespmem:s28], [sflag:$0x4], $0x1000, $0x38;
	[tilespmem:$0x12150] =	vst v63  }
0x327: {  	p0 =	seq.s32 s21, $0xB;
	s8 =	sadd.s32 s1, s20;
	s28 =	simm.s32 $0xF150  }
0x328: {  	[hbm4b:s8+s4] =	stream.linear.scatter [tilespmem:s28], [sflag:$0x4], $0x1000, $0x38;
	[tilespmem:$0x12150] =	vst v63  }
.Ltmp8:
0x329: {  	_ = 	snop;
	(pc) =	sbr.rel @p0 .LBB2_20-.Ltmp8, $4  }
0x32a: {  	s7 =	sadd.s32 s1, s22;
	s8 =	simm.s32 $0x10150  }
0x32b: {  	[hbm4b:s7+s4] =	stream.linear.scatter [tilespmem:s8], [sflag:$0x4], $0x1000, $0x38;
	[tilespmem:$0x12150] =	vst v63  }
0x32c: {  	s1 =	sadd.s32 s1, s23;
	s28 =	simm.s32 $0x11150  }
0x32d: {  	[hbm4b:s1+s4] =	stream.linear.scatter [tilespmem:s28], [sflag:$0x4], $0x1000, $0x38;
	[tilespmem:$0x12150] =	vst v63  }
.Ltmp9:
0x32e: {  	s1 =	sadd.s32 s24, s26;
	(pc) =	sbr.rel .LBB2_14-.Ltmp9, $4  }
0x32f: {  	s1 =	sshll.u32 s1, $0x9  }
0x330: {  	s1 =	sand.u32 $0x1FFFFE00, s1  }
0x331: {  	s21 =	sadd.s32 $0x1, s21;
	s1 =	sadd.s32 s9, s1  }
0x332: {  	[tilespmem:s11], [sflag:$0x2] =	stream.linear.gather [hbm4b:s1+s4], $0x1000, $0x38;
	[tilespmem:$0x12150] =	vst v63  }
.LBB2_20:
0x333: {  	_ =	swait.ge [sflag:s6], $0x1000  }
0x334: {  	[sflag:s6] =	ssyncset.done $0x0  }
0x335: {  	[sflag:s6] =	ssyncadd.s32 $0xFFFFF000  }
0x336: {  	_ =	swait.ge [sflag:s30], $0x8000  }
0x337: {  	[sflag:s30] =	ssyncset.done $0x0  }
0x338: {  	s1 =	simm.s32 $0x170;
	[sflag:s30] =	ssyncadd.s32 $0xFFFF8000  }
0x339: {  	v17 =	vld [tilespmem:s1+$0xFFFFFFE0]  }
0x33a: {  	v20 =	vld [tilespmem:s1+$0x10]  }
0x33b: {  	v19 =	vld [tilespmem:s1+$0x0]  }
0x33c: {  	v18 =	vld [tilespmem:s1+$0xFFFFFFF0];
	_ =	sdelay $0x4  }
0x33d: {  	v0 =	vld.idx.msk [tilespmem:v17+s0+$0x0], $0xffff  }
0x33e: {  	s9 =	simm.s32 $0x0;
	s2 =	simm.s32 $0x0;
	v4 =	vadd.s32 $0x8, v17;
	v6 =	vld.idx.msk [tilespmem:v20+s0+$0x0], $0xffff  }
0x33f: {  	s7 =	simm.s32 $0x20;
	s10 =	simm.s32 $0x30;
	s1 =	sand.u32 $0x7000, s9;
	v9 =	vadd.s32 $0x8, v20;
	v7 =	vld.idx.msk [tilespmem:v19+s0+$0x0], $0xffff  }
0x340: {  	s8 =	sand.u32 $0xC40, s2;
	s2 =	sand.u32 $0xC00, s2;
	s9 =	sadd.s32 $0x2150, s1;
	v12 =	vadd.s32 $0x8, v19;
	v10 =	vld.idx.msk [tilespmem:v18+s0+$0x0], $0xffff  }
0x341: {  	s10 =	sand.u32 $0x70, s10;
	s1 =	sadd.s32 s8, s9;
	s2 =	sor.u32 s2, s9;
	v13 =	vadd.s32 $0x8, v18  }
0x342: {  	s11 =	simm.s32 $0x10;
	s7 =	sand.u32 $0x60, s7;
	s15 =	sadd.s32 s10, s2;
	[tilespmem:s1+$0x0] =	vst v0  }
0x343: {  	s14 =	sand.u32 $0x50, s11;
	s21 =	sadd.s32 s7, s2;
	[tilespmem:s15+$0x0] =	vst v6;
	v0 =	vld.idx.msk [tilespmem:v4+s0+$0x0], $0xffff  }
0x344: {  	s7 =	sadd.s32 s14, s2;
	[tilespmem:s21+$0x0] =	vst v7;
	v4 =	vadd.s32 $0x10, v17;
	v6 =	vld.idx.msk [tilespmem:v9+s0+$0x0], $0xffff  }
0x345: {  	[tilespmem:s7+$0x0] =	vst v10;
	v7 =	vld.idx.msk [tilespmem:v12+s0+$0x0], $0xffff;
	v9 =	vadd.s32 $0x10, v20  }
0x346: {  	v10 =	vld.idx.msk [tilespmem:v13+s0+$0x0], $0xffff;
	v12 =	vadd.s32 $0x10, v19  }
0x347: {  	v13 =	vadd.s32 $0x10, v18  }
0x348: {  	[tilespmem:s1+$0x80] =	vst v0  }
0x349: {  	[tilespmem:s15+$0x80] =	vst v6;
	v0 =	vld.idx.msk [tilespmem:v4+s0+$0x0], $0xffff  }
0x34a: {  	[tilespmem:s21+$0x80] =	vst v7;
	v6 =	vadd.s32 $0x18, v17;
	v4 =	vld.idx.msk [tilespmem:v9+s0+$0x0], $0xffff  }
0x34b: {  	[tilespmem:s7+$0x80] =	vst v10;
	v7 =	vld.idx.msk [tilespmem:v12+s0+$0x0], $0xffff;
	v9 =	vadd.s32 $0x18, v20  }
0x34c: {  	s8 =	simm.s32 $0x1B0;
	v10 =	vld.idx.msk [tilespmem:v13+s0+$0x0], $0xffff;
	v12 =	vadd.s32 $0x18, v19  }
0x34d: {  	v15 =	vld [tilespmem:s8+$0x0];
	v13 =	vadd.s32 $0x18, v18  }
0x34e: {  	v14 =	vld [tilespmem:s8+$0xFFFFFFF0];
	[tilespmem:s1+$0x100] =	vst v0  }
0x34f: {  	[tilespmem:s15+$0x100] =	vst v4;
	v0 =	vld.idx.msk [tilespmem:v6+s0+$0x0], $0xffff  }
0x350: {  	[tilespmem:s21+$0x100] =	vst v7;
	v4 =	vld.idx.msk [tilespmem:v9+s0+$0x0], $0xffff  }
0x351: {  	[tilespmem:s7+$0x100] =	vst v10;
	v6 =	vld.idx.msk [tilespmem:v12+s0+$0x0], $0xffff;
	v9 =	vadd.s32 $0x20, v20  }
0x352: {  	v10 =	vadd.s32 $0x20, v19;
	v7 =	vld.idx.msk [tilespmem:v13+s0+$0x0], $0xffff  }
0x353: {  	v16 =	vld [tilespmem:s8+$0x10];
	v12 =	vadd.s32 $0x20, v18  }
0x354: {  	v21 =	vadd.s32 $0x20, v17;
	v13 =	vld [tilespmem:s8+$0xFFFFFFE0]  }
0x355: {  	v24 =	vld.idx.msk [tilespmem:v15+s0+$0x0], $0xffff;
	[tilespmem:s15+$0x180] =	vst v4  }
0x356: {  	s28 =	simm.s32 $0x40;
	s10 =	simm.s32 $0x800;
	[tilespmem:s21+$0x180] =	vst v6;
	v4 =	vld.idx.msk [tilespmem:v9+s0+$0x0], $0xffff  }
0x357: {  	s24 =	sand.u32 $0xC40, s28;
	s17 =	sand.u32 $0x7000, s10;
	[tilespmem:s7+$0x180] =	vst v7;
	v6 =	vld.idx.msk [tilespmem:v10+s0+$0x0], $0xffff  }
0x358: {  	s14 =	simm.s32 $0x60;
	s2 =	sadd.s32 $0x2150, s17;
	s17 =	sand.u32 $0xC00, s28;
	[tilespmem:s1+$0x180] =	vst v0;
	v0 =	vld.idx.msk [tilespmem:v12+s0+$0x0], $0xffff  }
0x359: {  	s14 =	sand.u32 $0x60, s14;
	s9 =	sadd.s32 s24, s2;
	s2 =	sor.u32 s17, s2;
	v7 =	vadd.s32 $0x28, v20;
	v9 =	vld.idx.msk [tilespmem:v21+s0+$0x0], $0xffff  }
0x35a: {  	s14 =	sadd.s32 s14, s2;
	v12 =	vadd.s32 $0x28, v19;
	v21 =	vld.idx.msk [tilespmem:v14+s0+$0x0], $0xffff  }
0x35b: {  	v22 =	vadd.s32 $0x28, v18;
	[tilespmem:s14+$0x0] =	vst v24  }
0x35c: {  	s11 =	simm.s32 $0x50;
	v23 =	vadd.s32 $0x28, v17;
	v10 =	vld.idx.msk [tilespmem:v13+s0+$0x0], $0xffff;
	[tilespmem:s15+$0x200] =	vst v4  }
0x35d: {  	s11 =	sand.u32 $0x50, s11;
	v25 =	vld.idx.msk [tilespmem:v16+s0+$0x0], $0xffff;
	v4 =	vadd.s32 $0x8, v13;
	[tilespmem:s21+$0x200] =	vst v6  }
0x35e: {  	s11 =	sadd.s32 s11, s2;
	[tilespmem:s7+$0x200] =	vst v0;
	v6 =	vld.idx.msk [tilespmem:v7+s0+$0x0], $0xffff;
	v7 =	vadd.s32 $0x8, v14  }
0x35f: {  	s24 =	simm.s32 $0x70;
	[tilespmem:s11+$0x0] =	vst v21;
	v21 =	vadd.s32 $0x8, v15;
	v0 =	vld.idx.msk [tilespmem:v12+s0+$0x0], $0xffff  }
0x360: {  	s17 =	sand.u32 $0x70, s24;
	[tilespmem:s1+$0x200] =	vst v9;
	v9 =	vadd.s32 $0x30, v20;
	v12 =	vld.idx.msk [tilespmem:v22+s0+$0x0], $0xffff  }
0x361: {  	s24 =	sadd.s32 s17, s2;
	v22 =	vld.idx.msk [tilespmem:v23+s0+$0x0], $0xffff;
	[tilespmem:s9+$0x0] =	vst v10;
	v10 =	vadd.s32 $0x8, v16  }
0x362: {  	[tilespmem:s24+$0x0] =	vst v25;
	v23 =	vadd.s32 $0x30, v18;
	v4 =	vld.idx.msk [tilespmem:v4+s0+$0x0], $0xffff  }
0x363: {  	v24 =	vadd.s32 $0x30, v19;
	v7 =	vld.idx.msk [tilespmem:v7+s0+$0x0], $0xffff;
	[tilespmem:s15+$0x280] =	vst v6  }
0x364: {  	v25 =	vadd.s32 $0x30, v17;
	[tilespmem:s21+$0x280] =	vst v0;
	v0 =	vld.idx.msk [tilespmem:v21+s0+$0x0], $0xffff  }
0x365: {  	v6 =	vadd.s32 $0x10, v13;
	v9 =	vld.idx.msk [tilespmem:v9+s0+$0x0], $0xffff  }
0x366: {  	[tilespmem:s7+$0x280] =	vst v12;
	v12 =	vadd.s32 $0x38, v20;
	v10 =	vld.idx.msk [tilespmem:v10+s0+$0x0], $0xffff  }
0x367: {  	v20 =	vadd.s32 $0x10, v16;
	[tilespmem:s1+$0x280] =	vst v22;
	v21 =	vld.idx.msk [tilespmem:v23+s0+$0x0], $0xffff  }
0x368: {  	v22 =	vld.idx.msk [tilespmem:v24+s0+$0x0], $0xffff;
	[tilespmem:s9+$0x80] =	vst v4;
	v4 =	vadd.s32 $0x10, v15  }
0x369: {  	v23 =	vld.idx.msk [tilespmem:v25+s0+$0x0], $0xffff;
	[tilespmem:s11+$0x80] =	vst v7;
	v7 =	vadd.s32 $0x10, v14  }
0x36a: {  	v19 =	vadd.s32 $0x38, v19;
	v6 =	vld.idx.msk [tilespmem:v6+s0+$0x0], $0xffff;
	[tilespmem:s15+$0x300] =	vst v9  }
0x36b: {  	[tilespmem:s24+$0x80] =	vst v10;
	v9 =	vadd.s32 $0x38, v18;
	v10 =	vld.idx.msk [tilespmem:v12+s0+$0x0], $0xffff  }
0x36c: {  	[tilespmem:s14+$0x80] =	vst v0;
	v12 =	vadd.s32 $0x38, v17;
	v0 =	vld.idx.msk [tilespmem:v20+s0+$0x0], $0xffff  }
0x36d: {  	[tilespmem:s7+$0x300] =	vst v21;
	v20 =	vadd.s32 $0x18, v13;
	v4 =	vld.idx.msk [tilespmem:v4+s0+$0x0], $0xffff  }
0x36e: {  	[tilespmem:s21+$0x300] =	vst v22;
	v21 =	vld.idx.msk [tilespmem:v7+s0+$0x0], $0xffff;
	v7 =	vadd.s32 $0x18, v16  }
0x36f: {  	v24 =	vadd.s32 $0x18, v15;
	[tilespmem:s1+$0x300] =	vst v23;
	v19 =	vld.idx.msk [tilespmem:v19+s0+$0x0], $0xffff  }
0x370: {  	v23 =	vadd.s32 $0x18, v14;
	[tilespmem:s9+$0x100] =	vst v6;
	v18 =	vld.idx.msk [tilespmem:v9+s0+$0x0], $0xffff  }
0x371: {  	v17 =	vld.idx.msk [tilespmem:v12+s0+$0x0], $0xffff;
	[tilespmem:s15+$0x380] =	vst v10  }
0x372: {  	v20 =	vld.idx.msk [tilespmem:v20+s0+$0x0], $0xffff;
	[tilespmem:s24+$0x100] =	vst v0  }
0x373: {  	[tilespmem:s14+$0x100] =	vst v4;
	v22 =	vld.idx.msk [tilespmem:v7+s0+$0x0], $0xffff  }
.LBB2_21:
0x374: {  	[tilespmem:s11+$0x100] =	vst v21;
	v0 =	vld.idx.msk [tilespmem:v24+s0+$0x0], $0xffff;
	s8 =	sadd.s32 $0x40, s8;
	s15 =	smov.u32 s28;
	s28 =	sadd.s32 $0x40, s28  }
0x375: {  	v6 =	vadd.s32 $0x20, v16;
	p0 =	slt.u32 s28, $0xFC0;
	v4 =	vld.idx.msk [tilespmem:v23+s0+$0x0], $0xffff;
	[tilespmem:s21+$0x380] =	vst v19;
	s21 =	smov.u32 s14  }
0x376: {  	v9 =	vadd.s32 $0x20, v15;
	v7 =	vld [tilespmem:s8+$0xFFFFFFE0];
	[tilespmem:s7+$0x380] =	vst v18;
	s7 =	smov.u32 s11  }
0x377: {  	v12 =	vadd.s32 $0x20, v14;
	v10 =	vld [tilespmem:s8+$0xFFFFFFF0];
	[tilespmem:s1+$0x380] =	vst v17;
	s1 =	smov.u32 s9  }
0x378: {  	v18 =	vadd.s32 $0x20, v13;
	v17 =	vld [tilespmem:s8+$0x0]  }
0x379: {  	v19 =	vld [tilespmem:s8+$0x10];
	[tilespmem:s24+$0x180] =	vst v22  }
0x37a: {  	[tilespmem:s21+$0x180] =	vst v0;
	v0 =	vld.idx.msk [tilespmem:v6+s0+$0x0], $0xffff  }
0x37b: {  	[tilespmem:s7+$0x180] =	vst v4;
	v4 =	vld.idx.msk [tilespmem:v9+s0+$0x0], $0xffff  }
0x37c: {  	v9 =	vadd.s32 $0x28, v16;
	[tilespmem:s1+$0x180] =	vst v20;
	v6 =	vld.idx.msk [tilespmem:v12+s0+$0x0], $0xffff  }
0x37d: {  	v12 =	vld.idx.msk [tilespmem:v18+s0+$0x0], $0xffff  }
0x37e: {  	v20 =	vadd.s32 $0x28, v15;
	v18 =	vld.idx.msk [tilespmem:v7+s0+$0x0], $0xffff  }
0x37f: {  	v23 =	vadd.s32 $0x28, v14;
	v22 =	vadd.s32 $0x28, v13;
	v21 =	vld.idx.msk [tilespmem:v10+s0+$0x0], $0xffff  }
0x380: {  	s10 =	sadd.s32 $0x800, s10;
	v24 =	vld.idx.msk [tilespmem:v17+s0+$0x0], $0xffff;
	[tilespmem:s24+$0x200] =	vst v0  }
0x381: {  	s2 =	sand.u32 $0x7000, s10;
	s14 =	sadd.s32 $0x60, s15;
	s11 =	sadd.s32 $0x50, s15;
	v0 =	vadd.s32 $0x8, v7;
	[tilespmem:s21+$0x200] =	vst v4;
	v4 =	vld.idx.msk [tilespmem:v9+s0+$0x0], $0xffff  }
0x382: {  	s17 =	sand.u32 $0xC00, s28;
	s2 =	sadd.s32 $0x2150, s2;
	s9 =	sand.u32 $0xC40, s28;
	v9 =	vadd.s32 $0x8, v10;
	v25 =	vld.idx.msk [tilespmem:v19+s0+$0x0], $0xffff;
	[tilespmem:s7+$0x200] =	vst v6  }
0x383: {  	s11 =	sand.u32 $0x50, s11;
	s9 =	sadd.s32 s9, s2;
	s2 =	sor.u32 s17, s2;
	[tilespmem:s1+$0x200] =	vst v12;
	v6 =	vld.idx.msk [tilespmem:v20+s0+$0x0], $0xffff;
	v12 =	vadd.s32 $0x30, v16  }
0x384: {  	s14 =	sand.u32 $0x60, s14;
	s11 =	sadd.s32 s11, s2;
	[tilespmem:s9+$0x0] =	vst v18;
	v18 =	vadd.s32 $0x8, v19;
	v20 =	vld.idx.msk [tilespmem:v23+s0+$0x0], $0xffff  }
0x385: {  	s15 =	sadd.s32 $0x70, s15;
	s14 =	sadd.s32 s14, s2;
	[tilespmem:s11+$0x0] =	vst v21;
	v21 =	vadd.s32 $0x8, v17;
	v22 =	vld.idx.msk [tilespmem:v22+s0+$0x0], $0xffff  }
0x386: {  	s15 =	sand.u32 $0x70, s15;
	v23 =	vadd.s32 $0x30, v14;
	v0 =	vld.idx.msk [tilespmem:v0+s0+$0x0], $0xffff;
	[tilespmem:s14+$0x0] =	vst v24  }
0x387: {  	s2 =	sadd.s32 s15, s2;
	v24 =	vadd.s32 $0x30, v15;
	v9 =	vld.idx.msk [tilespmem:v9+s0+$0x0], $0xffff;
	[tilespmem:s24+$0x280] =	vst v4  }
0x388: {  	v4 =	vadd.s32 $0x10, v7;
	[tilespmem:s2+$0x0] =	vst v25;
	v25 =	vadd.s32 $0x30, v13;
	v12 =	vld.idx.msk [tilespmem:v12+s0+$0x0], $0xffff  }
0x389: {  	v18 =	vld.idx.msk [tilespmem:v18+s0+$0x0], $0xffff;
	[tilespmem:s21+$0x280] =	vst v6  }
0x38a: {  	v6 =	vld.idx.msk [tilespmem:v21+s0+$0x0], $0xffff;
	[tilespmem:s7+$0x280] =	vst v20;
	v20 =	vadd.s32 $0x38, v16;
	v16 =	vmov v19  }
0x38b: {  	v19 =	vadd.s32 $0x10, v16;
	[tilespmem:s1+$0x280] =	vst v22;
	v21 =	vld.idx.msk [tilespmem:v23+s0+$0x0], $0xffff  }
0x38c: {  	[tilespmem:s9+$0x80] =	vst v0;
	v0 =	vadd.s32 $0x10, v17;
	v22 =	vld.idx.msk [tilespmem:v24+s0+$0x0], $0xffff  }
0x38d: {  	v4 =	vld.idx.msk [tilespmem:v4+s0+$0x0], $0xffff;
	[tilespmem:s11+$0x80] =	vst v9;
	v9 =	vadd.s32 $0x10, v10  }
0x38e: {  	v23 =	vadd.s32 $0x38, v15;
	v15 =	vmov v17;
	v25 =	vld.idx.msk [tilespmem:v25+s0+$0x0], $0xffff;
	[tilespmem:s24+$0x300] =	vst v12  }
0x38f: {  	v17 =	vadd.s32 $0x38, v14;
	v14 =	vmovc v10;
	v12 =	vadd.s32 $0x38, v13;
	v13 =	vmov v7;
	[tilespmem:s2+$0x80] =	vst v18;
	v20 =	vld.idx.msk [tilespmem:v20+s0+$0x0], $0xffff  }
0x390: {  	[tilespmem:s14+$0x80] =	vst v6;
	v6 =	vld.idx.msk [tilespmem:v19+s0+$0x0], $0xffff  }
0x391: {  	v7 =	vadd.s32 $0x18, v13;
	v0 =	vld.idx.msk [tilespmem:v0+s0+$0x0], $0xffff;
	[tilespmem:s7+$0x300] =	vst v21  }
0x392: {  	v21 =	vld.idx.msk [tilespmem:v9+s0+$0x0], $0xffff;
	v9 =	vadd.s32 $0x18, v16;
	[tilespmem:s21+$0x300] =	vst v22  }
.Ltmp10:
0x393: {  	v24 =	vadd.s32 $0x18, v15;
	[tilespmem:s9+$0x100] =	vst v4;
	v19 =	vld.idx.msk [tilespmem:v23+s0+$0x0], $0xffff;
	(pc) =	sbr.rel @p0 .LBB2_21-.Ltmp10, $4  }
0x394: {  	v23 =	vadd.s32 $0x18, v14;
	[tilespmem:s1+$0x300] =	vst v25;
	v18 =	vld.idx.msk [tilespmem:v17+s0+$0x0], $0xffff  }
0x395: {  	v17 =	vld.idx.msk [tilespmem:v12+s0+$0x0], $0xffff;
	[tilespmem:s24+$0x380] =	vst v20;
	s24 =	smov.u32 s2  }
0x396: {  	v20 =	vld.idx.msk [tilespmem:v7+s0+$0x0], $0xffff;
	[tilespmem:s24+$0x100] =	vst v6  }
0x397: {  	[tilespmem:s14+$0x100] =	vst v0;
	v22 =	vld.idx.msk [tilespmem:v9+s0+$0x0], $0xffff  }
0x398: {  	_ =	sdelay $0x3  }
0x399: {  	v0 =	vld.idx.msk [tilespmem:v24+s0+$0x0], $0xffff;
	v4 =	vadd.s32 $0x20, v16  }
0x39a: {  	[tilespmem:s11+$0x100] =	vst v21;
	v10 =	vadd.s32 $0x20, v13  }
0x39b: {  	v7 =	vadd.s32 $0x20, v15;
	v6 =	vld.idx.msk [tilespmem:v23+s0+$0x0], $0xffff  }
0x39c: {  	v9 =	vadd.s32 $0x20, v14;
	[tilespmem:s9+$0x180] =	vst v20  }
0x39d: {  	[tilespmem:s24+$0x180] =	vst v22  }
0x39e: {  	[tilespmem:s14+$0x180] =	vst v0;
	v0 =	vld.idx.msk [tilespmem:v4+s0+$0x0], $0xffff  }
0x39f: {  	v10 =	vld.idx.msk [tilespmem:v10+s0+$0x0], $0xffff  }
0x3a0: {  	[tilespmem:s11+$0x180] =	vst v6;
	v4 =	vld.idx.msk [tilespmem:v7+s0+$0x0], $0xffff;
	v6 =	vadd.s32 $0x28, v16  }
0x3a1: {  	v7 =	vld.idx.msk [tilespmem:v9+s0+$0x0], $0xffff;
	v9 =	vadd.s32 $0x28, v15  }
0x3a2: {  	v59 =	vadd.s32 $0x28, v13  }
0x3a3: {  	v12 =	vadd.s32 $0x28, v14  }
0x3a4: {  	[tilespmem:s24+$0x200] =	vst v0  }
0x3a5: {  	[tilespmem:s14+$0x200] =	vst v4;
	v0 =	vld.idx.msk [tilespmem:v6+s0+$0x0], $0xffff  }
0x3a6: {  	[tilespmem:s9+$0x200] =	vst v10;
	v6 =	vadd.s32 $0x30, v16;
	v4 =	vld.idx.msk [tilespmem:v9+s0+$0x0], $0xffff  }
0x3a7: {  	v10 =	vld.idx.msk [tilespmem:v59+s0+$0x0], $0xffff;
	[tilespmem:s11+$0x200] =	vst v7;
	v9 =	vadd.s32 $0x30, v15  }
0x3a8: {  	v61 =	vadd.s32 $0x30, v13;
	v7 =	vld.idx.msk [tilespmem:v12+s0+$0x0], $0xffff  }
0x3a9: {  	v60 =	vadd.s32 $0x30, v14  }
0x3aa: {  	[tilespmem:s24+$0x280] =	vst v0  }
0x3ab: {  	[tilespmem:s14+$0x280] =	vst v4;
	v0 =	vld.idx.msk [tilespmem:v6+s0+$0x0], $0xffff  }
0x3ac: {  	[tilespmem:s9+$0x280] =	vst v10;
	v4 =	vadd.s32 $0x38, v16;
	v6 =	vld.idx.msk [tilespmem:v9+s0+$0x0], $0xffff  }
0x3ad: {  	v10 =	vld.idx.msk [tilespmem:v61+s0+$0x0], $0xffff;
	[tilespmem:s11+$0x280] =	vst v7;
	v9 =	vadd.s32 $0x38, v15  }
0x3ae: {  	v63 =	vadd.s32 $0x38, v13;
	v7 =	vld.idx.msk [tilespmem:v60+s0+$0x0], $0xffff  }
0x3af: {  	v62 =	vadd.s32 $0x38, v14;
	[tilespmem:s21+$0x380] =	vst v19  }
0x3b0: {  	[tilespmem:s24+$0x300] =	vst v0  }
0x3b1: {  	v0 =	vld.idx.msk [tilespmem:v4+s0+$0x0], $0xffff;
	[tilespmem:s14+$0x300] =	vst v6  }
0x3b2: {  	[tilespmem:s9+$0x300] =	vst v10;
	v4 =	vld.idx.msk [tilespmem:v9+s0+$0x0], $0xffff  }
0x3b3: {  	[tilespmem:s11+$0x300] =	vst v7;
	v7 =	vld.idx.msk [tilespmem:v63+s0+$0x0], $0xffff  }
0x3b4: {  	[tilespmem:s7+$0x380] =	vst v18;
	v6 =	vld.idx.msk [tilespmem:v62+s0+$0x0], $0xffff  }
0x3b5: {  	[tilespmem:s1+$0x380] =	vst v17  }
0x3b6: {  	[tilespmem:s24+$0x380] =	vst v0  }
0x3b7: {  	[tilespmem:s14+$0x380] =	vst v4  }
0x3b8: {  	[tilespmem:s9+$0x380] =	vst v7  }
0x3b9: {  	[tilespmem:s11+$0x380] =	vst v6  }
0x3ba: {  	s1 =	rddreg [dreg:$0x1b]  }
0x3bb: {  	s2 =	simm.s32 $0x2150;
	s17 =	rddreg [dreg:$0x1c]  }
0x3bc: {  	[hbm4b:s1+s4] =	stream.linear.scatter [tilespmem:s2], [sflag:$0x3], $0x1000, $0x38;
	[tilespmem:$0x12150] =	vst v63  }
0x3bd: {  	s21 =	simm.s32 $0x3150;
	s24 =	rddreg [dreg:$0x1d]  }
0x3be: {  	[hbm4b:s17+s4] =	stream.linear.scatter [tilespmem:s21], [sflag:$0x3], $0x1000, $0x38;
	[tilespmem:$0x12150] =	vst v63  }
0x3bf: {  	s28 =	simm.s32 $0x4150;
	s8 =	rddreg [dreg:$0x1f]  }
0x3c0: {  	[hbm4b:s24+s4] =	stream.linear.scatter [tilespmem:s28], [sflag:$0x3], $0x1000, $0x38;
	[tilespmem:$0x12150] =	vst v63  }
0x3c1: {  	s7 =	simm.s32 $0x5150;
	s2 =	rddreg [dreg:$0x1e]  }
0x3c2: {  	[hbm4b:s2+s4] =	stream.linear.scatter [tilespmem:s7], [sflag:$0x3], $0x1000, $0x38;
	[tilespmem:$0x12150] =	vst v63  }
0x3c3: {  	s9 =	simm.s32 $0x6150;
	s10 =	sld [smem:$0x7FA]  }
0x3c4: {  	[hbm4b:s8+s4] =	stream.linear.scatter [tilespmem:s9], [sflag:$0x3], $0x1000, $0x38;
	[tilespmem:$0x12150] =	vst v63  }
0x3c5: {  	s11 =	simm.s32 $0x7150;
	s14 =	sld [smem:$0x7FB]  }
0x3c6: {  	[hbm4b:s10+s4] =	stream.linear.scatter [tilespmem:s11], [sflag:$0x3], $0x1000, $0x38;
	[tilespmem:$0x12150] =	vst v63  }
0x3c7: {  	s15 =	simm.s32 $0x8150;
	s17 =	sld [smem:$0x7FC]  }
0x3c8: {  	[hbm4b:s14+s4] =	stream.linear.scatter [tilespmem:s15], [sflag:$0x3], $0x1000, $0x38;
	[tilespmem:$0x12150] =	vst v63  }
0x3c9: {  	s21 =	simm.s32 $0x9150  }
0x3ca: {  	[hbm4b:s17+s4] =	stream.linear.scatter [tilespmem:s21], [sflag:$0x3], $0x1000, $0x38;
	[tilespmem:$0x12150] =	vst v63  }
0x3cb: {  	_ =	swait.ge [sflag:s30], $0x8000  }
0x3cc: {  	[sflag:s30] =	ssyncset.done $0x0  }
0x3cd: {  	[sflag:s30] =	ssyncadd.s32 $0xFFFF8000  }
0x3ce: {  	_ =	swait.ge [sflag:s29], $0x8000  }
0x3cf: {  	s24 =	sld [smem:$0x7F9]  }
0x3d0: {  	s28 =	sld [smem:$0x7FD];
	_ =	sdelay $0x1  }
0x3d1: {  	s9 =	sadd.s32 $0x1, s24  }
0x3d2: {  	p0 =	sne.s32 s9, s28  }
.Ltmp11:
0x3d3: {  	_ = 	snop;
	(pc) =	sbr.rel @p0 .LBB2_1-.Ltmp11, $3  }
0x3d4: {  	_ =	sdelay $0x1  }
0x3d5: {  	s2 =	simm.s32 $0x150;
	[sflag:s29] =	ssyncset.done $0x0  }
0x3d6: {  	s7 =	simm.s32 $0x1150;
	s8 =	simm.s32 $0x100;
	[sflag:s29] =	ssyncadd.s32 $0xFFFF8000  }
0x3d7: {  	_ =	sfence.sel $0x180000  }
0x3d8: {  	[bflag:$0x0] =	sbarrier.arrive $0xFFFF  }
0x3d9: {  	_ =	strace $0x90000047  }
0x3da: {  	s0 =	stileid.u32;
	[bflag:$0x2] =	sbarrier.arrive $0xFFFF  }
0x3db: {  	p0 =	sne.s32 s0, $0x0;
	s0 =	rddreg [dreg:$0x3]  }
0x3dc: {  	s0 =	sadd.s32 @!p0 $0x100000, s0  }
0x3dd: {  	[sflag:s0] =	ssyncadd.tile.s32 @!p0 $0x1;
	_ =	shalt  }
.Lfunc_end2:
_tile_overlayer_lowered:
.L_overlay_start_2:
0x3de: {  	(tag) =	ssettag $0x2  }
0x3df: {  	s0 =	rddreg [dreg:$0x0];
	s2 =	stileid.u32  }
0x3e0: {  	s1 =	rddreg [dreg:$0x1];
	p0 =	sne.s32 s2, $0x0  }
0x3e1: {  	s3 =	rddreg [dreg:$0x2];
	[bflag:$0x3] =	sbarrier.arrive $0xFFFF;
	s2 =	simm.s32 @!p0 $0x1C05  }
0x3e2: {  	[timem:s3], [sflag:s2] =	dma.local @!p0 [hbm:s0], s1  }
0x3e3: {  	s0 =	simm.s32 @!p0 $0x5  }
0x3e4: {  	_ =	swait.ge @!p0 [sflag:s0], s1  }
0x3e5: {  	s1 =	ssub.s32 @!p0 $0x0, s1;
	[sflag:s0] =	ssyncset.done @!p0 $0x0  }
0x3e6: {  	[sflag:s0] =	ssyncadd.s32 @!p0 s1  }
0x3e7: {  	[bflag:$0x3] =	sbarrier.arrive $0xFFFF  }
0x3e8: {  	_ =	shalt  }

</sc_bundles>
